<compile_context>
chip_gen: v7x
topology: tpu7x:2x2x1
jax: 0.10.2.dev20260603
libtpu: 0.0.44.dev20260713+nightly
codegen_flags: <defaults>
</compile_context>

<pallas_src>
import jax
import jax.numpy as jnp
from jax import lax
from jax.experimental import pallas as pl
from jax.experimental.pallas import tpu as pltpu
from jax.experimental.pallas import tpu_sc as plsc

B = 16384
D = 128
S = 11
NUM_SAMPLE = 10
NW = 32
GROUP = 64
G_PER_W = B // (NW * GROUP)
B_PER_W = G_PER_W * GROUP
NSG = 4
HALF = NSG * GROUP
ACC_ROWS = 16 * HALF
LANES = 16
INV = 1.0 / S


def _agg_body(ids_hbm, feat_hbm, out_hbm, idx_v, scat, rows, sems, shared):
  cid = lax.axis_index("c")
  sid = lax.axis_index("s")
  wid = sid * 2 + cid
  gbase = wid * G_PER_W
  lbase = sid * HALF

  for j in range(S):
    pltpu.sync_copy(ids_hbm.at[j, pl.ds(gbase, G_PER_W)], idx_v.at[j])

  iota = lax.iota(jnp.int32, LANES)
  for sg in range(NSG):
    for c in range(GROUP // LANES):
      scat[sg, pl.ds(c * LANES, LANES)] = lbase + sg * GROUP + c * LANES + iota

  def issue(j, g, b):
    pltpu.async_copy(feat_hbm.at[idx_v.at[j, g]], rows[b], sems[b])

  def drain(b):
    pltpu.make_async_copy(feat_hbm.at[idx_v.at[0, 0]], rows[b], sems[b]).wait()

  def half_body(h, _):
    gg = [h * NSG + sg for sg in range(NSG)]

    for sg in range(NSG):
      issue(jnp.int32(0), gg[sg], sg)
    for sg in range(NSG):
      issue(jnp.int32(1), gg[sg], NSG + sg)

    for sg in range(NSG):
      drain(sg)
      pltpu.sync_copy(rows[sg], shared.at[pl.ds(lbase + sg * GROUP, GROUP)])
      issue(jnp.int32(2), gg[sg], sg)

    def tbody(t, _):
      ja = 2 * t + 3
      jb = 2 * t + 4

      for sg in range(NSG):
        drain(NSG + sg)
        pltpu.sync_copy(rows[NSG + sg], shared.at[scat.at[sg]], add=True)

        @pl.when(ja < S)
        def _(sg=sg):
          issue(ja, gg[sg], NSG + sg)

      for sg in range(NSG):
        drain(sg)
        pltpu.sync_copy(rows[sg], shared.at[scat.at[sg]], add=True)

        @pl.when(jb < S)
        def _(sg=sg):
          issue(jb, gg[sg], sg)

      return 0

    lax.fori_loop(0, 5, tbody, 0)

    obase = wid * B_PER_W + h * HALF
    for sg in range(NSG):
      pltpu.sync_copy(shared.at[pl.ds(lbase + sg * GROUP, GROUP)], rows[sg])

      def sbody(r, _, sg=sg):
        for c in range(D // LANES):
          sl = pl.ds(c * LANES, LANES)
          rows[sg][r, sl] = rows[sg][r, sl] * INV
        return 0

      lax.fori_loop(0, GROUP, sbody, 0)
      pltpu.async_copy(
          rows[sg], out_hbm.at[pl.ds(obase + sg * GROUP, GROUP)], sems[sg])

    for sg in range(NSG):
      pltpu.make_async_copy(
          rows[sg], out_hbm.at[pl.ds(obase + sg * GROUP, GROUP)],
          sems[sg]).wait()
    return 0

  lax.fori_loop(0, 2, half_body, 0)


@jax.jit
def _agg(ids_r, features):
  mesh = plsc.VectorSubcoreMesh(core_axis_name="c", subcore_axis_name="s")
  return pl.kernel(
      _agg_body,
      out_type=jax.ShapeDtypeStruct((B, D), jnp.float32),
      mesh=mesh,
      scratch_types=[
          pltpu.VMEM((S, G_PER_W, GROUP), jnp.int32),
          pltpu.VMEM((NSG, GROUP), jnp.int32),
          [pltpu.VMEM((GROUP, D), jnp.float32)] * 8,
          [pltpu.SemaphoreType.DMA] * 8,
          pltpu.VMEM_SHARED((ACC_ROWS, D), jnp.float32),
      ],
  )(ids_r, features)


def kernel(nodes, neighbours_full, features):
  all_ids = jnp.concatenate(
      [nodes[:, None], neighbours_full[:, :NUM_SAMPLE]], axis=1)
  ids_r = all_ids.T.reshape(S, B // GROUP, GROUP)
  return _agg(ids_r, features)

# --- scband reference (transcript-rebuilt; emitter-appended) ---
"""Pipeline reference for scband-mean-aggregator-36386962932386 (READ-ONLY COPY).

The authoritative reference and input builder live on the scoring server;
editing this copy changes nothing except your own understanding.
"""

import jax, jax.numpy as jnp
import numpy as np

N_NODES = 100000
D_FEAT = 128
BATCH = 16384
MAX_NEIGH = 32
NUM_SAMPLE = 10


def setup_inputs(seed: int = 0) -> dict:
    key = jax.random.key(seed)
    k1, k2, k3 = jax.random.split(key, 3)
    nodes = jax.random.randint(k1, (BATCH,), 0, N_NODES, dtype=jnp.int32)
    neighbours_full = jax.random.randint(k2, (BATCH, MAX_NEIGH), 0, N_NODES, dtype=jnp.int32)
    features = jax.random.normal(k3, (N_NODES, D_FEAT), dtype=jnp.float32)
    return {"nodes": nodes, "neighbours_full": neighbours_full, "features": features}


def reference(nodes, neighbours_full, features):
    # Tensorized equivalent of MeanAggregator.forward:
    # 1) sample NUM_SAMPLE neighbours per node (original mixes priority +
    #    uniform sampling; here the deterministic first-K slice stands in for
    #    the random sample since both select NUM_SAMPLE valid neighbour ids)
    neigh_sample = neighbours_full[:, :NUM_SAMPLE]                # [B, S]
    # 2) union the node itself into its neighbourhood
    all_ids = jnp.concatenate([neigh_sample, nodes[:, None]], axis=1)  # [B, S+1]
    # 3) gather features for every neighbourhood member (SparseCore gather)
    feats = jnp.take(features, all_ids, axis=0)                   # [B, S+1, D]
    # 4) row-normalized mask matmul == uniform mean over the neighbourhood
    out = jnp.mean(feats, axis=1)                                 # [B, D]
    return out

if __name__ == "__main__":
    import jax
    _d = setup_inputs()
    print(jax.jit(kernel)(*tuple(_d.values())))

</pallas_src>

<mosaic_0001>
#map = affine_map<(d0, d1) -> (0, 0, 0)>
#map1 = affine_map<(d0, d1) -> (0, 0)>
module attributes {stable_mosaic.version = 14 : i64} {
  func.func @_agg_body(%arg0: i32, %arg1: i32, %arg2: memref<11x256x64xi32, #tpu.memory_space<hbm>>, %arg3: memref<100000x128xf32, #tpu.memory_space<hbm>>, %arg4: memref<16384x128xf32, #tpu.memory_space<hbm>>, %arg5: memref<11x8x64xi32, #tpu.memory_space<vmem>>, %arg6: memref<4x64xi32, #tpu.memory_space<vmem>>, %arg7: memref<64x128xf32, #tpu.memory_space<vmem>>, %arg8: memref<64x128xf32, #tpu.memory_space<vmem>>, %arg9: memref<64x128xf32, #tpu.memory_space<vmem>>, %arg10: memref<64x128xf32, #tpu.memory_space<vmem>>, %arg11: memref<64x128xf32, #tpu.memory_space<vmem>>, %arg12: memref<64x128xf32, #tpu.memory_space<vmem>>, %arg13: memref<64x128xf32, #tpu.memory_space<vmem>>, %arg14: memref<64x128xf32, #tpu.memory_space<vmem>>, %arg15: memref<!tpu.dma_semaphore, #tpu.memory_space<semaphore_mem>>, %arg16: memref<!tpu.dma_semaphore, #tpu.memory_space<semaphore_mem>>, %arg17: memref<!tpu.dma_semaphore, #tpu.memory_space<semaphore_mem>>, %arg18: memref<!tpu.dma_semaphore, #tpu.memory_space<semaphore_mem>>, %arg19: memref<!tpu.dma_semaphore, #tpu.memory_space<semaphore_mem>>, %arg20: memref<!tpu.dma_semaphore, #tpu.memory_space<semaphore_mem>>, %arg21: memref<!tpu.dma_semaphore, #tpu.memory_space<semaphore_mem>>, %arg22: memref<!tpu.dma_semaphore, #tpu.memory_space<semaphore_mem>>, %arg23: memref<4096x128xf32, #tpu.memory_space<vmem_shared>>) attributes {dimension_semantics = [#tpu.dimension_semantics<core_parallel>, #tpu.dimension_semantics<subcore_parallel>], iteration_bounds = array<i64: 2, 16>, scalar_prefetch = 0 : i64, scratch_operands = 19 : i64, tpu.core_type = #tpu.core_type<sc_vector_subcore>, window_params = [{transform_indices = #map}, {transform_indices = #map1}, {transform_indices = #map1}]} {
    %mul3A = arith.constant 2 : i32
    %mul3A_0 = arith.muli %arg1, %mul3A : i32
    %add3A = arith.addi %mul3A_0, %arg0 : i32
    %mul3A_1 = arith.constant 8 : i32
    %mul3A_2 = arith.muli %add3A, %mul3A_1 : i32
    %mul3A_3 = arith.constant 256 : i32
    %mul3A_4 = arith.muli %arg1, %mul3A_3 : i32
    %run_scoped3A = arith.constant 0 : i32
    %run_scoped3A_5 = arith.constant 0 : i32
    "tpu.region"() ({
      %run_scoped3A_223 = tpu.sem_alloc : memref<!tpu.dma_semaphore, #tpu.memory_space<semaphore_mem>>
      %dma_start3A = arith.constant 0 : i32
      %dma_start3A_224 = arith.constant 0 : i32
      %dma_start3A_225 = tpu.memref_slice %arg5[%run_scoped3A_5, %dma_start3A, %dma_start3A_224] : memref<11x8x64xi32, #tpu.memory_space<vmem>> -> memref<1x8x64xi32, #tpu.memory_space<vmem>>
      %dma_start3A_226 = tpu.memref_squeeze %dma_start3A_225 : memref<1x8x64xi32, #tpu.memory_space<vmem>> -> memref<8x64xi32, #tpu.memory_space<vmem>>
      %dma_start3A_227 = arith.constant 0 : i32
      %dma_start3A_228 = tpu.memref_slice %arg2[%run_scoped3A, %mul3A_2, %dma_start3A_227] : memref<11x256x64xi32, #tpu.memory_space<hbm>> -> memref<1x8x64xi32, #tpu.memory_space<hbm>>
      %dma_start3A_229 = tpu.memref_squeeze %dma_start3A_228 : memref<1x8x64xi32, #tpu.memory_space<hbm>> -> memref<8x64xi32, #tpu.memory_space<hbm>>
      %dma_start3A_230 = arith.constant 0 : i32
      %dma_start3A_231 = arith.constant 0 : i32
      %dma_start3A_232 = tpu.memref_slice %arg5[%run_scoped3A_5, %dma_start3A_230, %dma_start3A_231] : memref<11x8x64xi32, #tpu.memory_space<vmem>> -> memref<1x8x64xi32, #tpu.memory_space<vmem>>
      %dma_start3A_233 = tpu.memref_squeeze %dma_start3A_232 : memref<1x8x64xi32, #tpu.memory_space<vmem>> -> memref<8x64xi32, #tpu.memory_space<vmem>>
      %dma_start3A_234 = arith.constant 0 : i32
      %dma_start3A_235 = tpu.memref_slice %arg2[%run_scoped3A, %mul3A_2, %dma_start3A_234] : memref<11x256x64xi32, #tpu.memory_space<hbm>> -> memref<1x8x64xi32, #tpu.memory_space<hbm>>
      %dma_start3A_236 = tpu.memref_squeeze %dma_start3A_235 : memref<1x8x64xi32, #tpu.memory_space<hbm>> -> memref<8x64xi32, #tpu.memory_space<hbm>>
      tpu.enqueue_dma source(%dma_start3A_236 : memref<8x64xi32, #tpu.memory_space<hbm>>) target(%dma_start3A_233 : memref<8x64xi32, #tpu.memory_space<vmem>>) target_semaphore(%run_scoped3A_223 : memref<!tpu.dma_semaphore, #tpu.memory_space<semaphore_mem>>)
      %dma_wait3A = arith.constant 0 : i32
      %dma_wait3A_237 = arith.constant 0 : i32
      %dma_wait3A_238 = tpu.memref_slice %arg5[%run_scoped3A_5, %dma_wait3A, %dma_wait3A_237] : memref<11x8x64xi32, #tpu.memory_space<vmem>> -> memref<1x8x64xi32, #tpu.memory_space<vmem>>
      %dma_wait3A_239 = tpu.memref_squeeze %dma_wait3A_238 : memref<1x8x64xi32, #tpu.memory_space<vmem>> -> memref<8x64xi32, #tpu.memory_space<vmem>>
      %dma_wait3A_240 = arith.constant 0 : i32
      %dma_wait3A_241 = tpu.memref_slice %arg2[%run_scoped3A, %mul3A_2, %dma_wait3A_240] : memref<11x256x64xi32, #tpu.memory_space<hbm>> -> memref<1x8x64xi32, #tpu.memory_space<hbm>>
      %dma_wait3A_242 = tpu.memref_squeeze %dma_wait3A_241 : memref<1x8x64xi32, #tpu.memory_space<hbm>> -> memref<8x64xi32, #tpu.memory_space<hbm>>
      %dma_wait3A_243 = arith.constant 0 : i32
      %dma_wait3A_244 = arith.constant 0 : i32
      %dma_wait3A_245 = tpu.memref_slice %arg5[%run_scoped3A_5, %dma_wait3A_243, %dma_wait3A_244] : memref<11x8x64xi32, #tpu.memory_space<vmem>> -> memref<1x8x64xi32, #tpu.memory_space<vmem>>
      %dma_wait3A_246 = tpu.memref_squeeze %dma_wait3A_245 : memref<1x8x64xi32, #tpu.memory_space<vmem>> -> memref<8x64xi32, #tpu.memory_space<vmem>>
      %dma_wait3A_247 = arith.constant 0 : i32
      %dma_wait3A_248 = tpu.memref_slice %arg2[%run_scoped3A, %mul3A_2, %dma_wait3A_247] : memref<11x256x64xi32, #tpu.memory_space<hbm>> -> memref<1x8x64xi32, #tpu.memory_space<hbm>>
      %dma_wait3A_249 = tpu.memref_squeeze %dma_wait3A_248 : memref<1x8x64xi32, #tpu.memory_space<hbm>> -> memref<8x64xi32, #tpu.memory_space<hbm>>
      tpu.wait_dma2 semaphore(%run_scoped3A_223 : memref<!tpu.dma_semaphore, #tpu.memory_space<semaphore_mem>>) src(%dma_wait3A_249 : memref<8x64xi32, #tpu.memory_space<hbm>>) dst(%dma_wait3A_246 : memref<8x64xi32, #tpu.memory_space<vmem>>)
      tpu.yield
    }) : () -> ()
    %run_scoped3A_6 = arith.constant 1 : i32
    %run_scoped3A_7 = arith.constant 1 : i32
    "tpu.region"() ({
      %run_scoped3A_223 = tpu.sem_alloc : memref<!tpu.dma_semaphore, #tpu.memory_space<semaphore_mem>>
      %dma_start3A = arith.constant 0 : i32
      %dma_start3A_224 = arith.constant 0 : i32
      %dma_start3A_225 = tpu.memref_slice %arg5[%run_scoped3A_7, %dma_start3A, %dma_start3A_224] : memref<11x8x64xi32, #tpu.memory_space<vmem>> -> memref<1x8x64xi32, #tpu.memory_space<vmem>>
      %dma_start3A_226 = tpu.memref_squeeze %dma_start3A_225 : memref<1x8x64xi32, #tpu.memory_space<vmem>> -> memref<8x64xi32, #tpu.memory_space<vmem>>
      %dma_start3A_227 = arith.constant 0 : i32
      %dma_start3A_228 = tpu.memref_slice %arg2[%run_scoped3A_6, %mul3A_2, %dma_start3A_227] : memref<11x256x64xi32, #tpu.memory_space<hbm>> -> memref<1x8x64xi32, #tpu.memory_space<hbm>>
      %dma_start3A_229 = tpu.memref_squeeze %dma_start3A_228 : memref<1x8x64xi32, #tpu.memory_space<hbm>> -> memref<8x64xi32, #tpu.memory_space<hbm>>
      %dma_start3A_230 = arith.constant 0 : i32
      %dma_start3A_231 = arith.constant 0 : i32
      %dma_start3A_232 = tpu.memref_slice %arg5[%run_scoped3A_7, %dma_start3A_230, %dma_start3A_231] : memref<11x8x64xi32, #tpu.memory_space<vmem>> -> memref<1x8x64xi32, #tpu.memory_space<vmem>>
      %dma_start3A_233 = tpu.memref_squeeze %dma_start3A_232 : memref<1x8x64xi32, #tpu.memory_space<vmem>> -> memref<8x64xi32, #tpu.memory_space<vmem>>
      %dma_start3A_234 = arith.constant 0 : i32
      %dma_start3A_235 = tpu.memref_slice %arg2[%run_scoped3A_6, %mul3A_2, %dma_start3A_234] : memref<11x256x64xi32, #tpu.memory_space<hbm>> -> memref<1x8x64xi32, #tpu.memory_space<hbm>>
      %dma_start3A_236 = tpu.memref_squeeze %dma_start3A_235 : memref<1x8x64xi32, #tpu.memory_space<hbm>> -> memref<8x64xi32, #tpu.memory_space<hbm>>
      tpu.enqueue_dma source(%dma_start3A_236 : memref<8x64xi32, #tpu.memory_space<hbm>>) target(%dma_start3A_233 : memref<8x64xi32, #tpu.memory_space<vmem>>) target_semaphore(%run_scoped3A_223 : memref<!tpu.dma_semaphore, #tpu.memory_space<semaphore_mem>>)
      %dma_wait3A = arith.constant 0 : i32
      %dma_wait3A_237 = arith.constant 0 : i32
      %dma_wait3A_238 = tpu.memref_slice %arg5[%run_scoped3A_7, %dma_wait3A, %dma_wait3A_237] : memref<11x8x64xi32, #tpu.memory_space<vmem>> -> memref<1x8x64xi32, #tpu.memory_space<vmem>>
      %dma_wait3A_239 = tpu.memref_squeeze %dma_wait3A_238 : memref<1x8x64xi32, #tpu.memory_space<vmem>> -> memref<8x64xi32, #tpu.memory_space<vmem>>
      %dma_wait3A_240 = arith.constant 0 : i32
      %dma_wait3A_241 = tpu.memref_slice %arg2[%run_scoped3A_6, %mul3A_2, %dma_wait3A_240] : memref<11x256x64xi32, #tpu.memory_space<hbm>> -> memref<1x8x64xi32, #tpu.memory_space<hbm>>
      %dma_wait3A_242 = tpu.memref_squeeze %dma_wait3A_241 : memref<1x8x64xi32, #tpu.memory_space<hbm>> -> memref<8x64xi32, #tpu.memory_space<hbm>>
      %dma_wait3A_243 = arith.constant 0 : i32
      %dma_wait3A_244 = arith.constant 0 : i32
      %dma_wait3A_245 = tpu.memref_slice %arg5[%run_scoped3A_7, %dma_wait3A_243, %dma_wait3A_244] : memref<11x8x64xi32, #tpu.memory_space<vmem>> -> memref<1x8x64xi32, #tpu.memory_space<vmem>>
      %dma_wait3A_246 = tpu.memref_squeeze %dma_wait3A_245 : memref<1x8x64xi32, #tpu.memory_space<vmem>> -> memref<8x64xi32, #tpu.memory_space<vmem>>
      %dma_wait3A_247 = arith.constant 0 : i32
      %dma_wait3A_248 = tpu.memref_slice %arg2[%run_scoped3A_6, %mul3A_2, %dma_wait3A_247] : memref<11x256x64xi32, #tpu.memory_space<hbm>> -> memref<1x8x64xi32, #tpu.memory_space<hbm>>
      %dma_wait3A_249 = tpu.memref_squeeze %dma_wait3A_248 : memref<1x8x64xi32, #tpu.memory_space<hbm>> -> memref<8x64xi32, #tpu.memory_space<hbm>>
      tpu.wait_dma2 semaphore(%run_scoped3A_223 : memref<!tpu.dma_semaphore, #tpu.memory_space<semaphore_mem>>) src(%dma_wait3A_249 : memref<8x64xi32, #tpu.memory_space<hbm>>) dst(%dma_wait3A_246 : memref<8x64xi32, #tpu.memory_space<vmem>>)
      tpu.yield
    }) : () -> ()
    %run_scoped3A_8 = arith.constant 2 : i32
    %run_scoped3A_9 = arith.constant 2 : i32
    "tpu.region"() ({
      %run_scoped3A_223 = tpu.sem_alloc : memref<!tpu.dma_semaphore, #tpu.memory_space<semaphore_mem>>
      %dma_start3A = arith.constant 0 : i32
      %dma_start3A_224 = arith.constant 0 : i32
      %dma_start3A_225 = tpu.memref_slice %arg5[%run_scoped3A_9, %dma_start3A, %dma_start3A_224] : memref<11x8x64xi32, #tpu.memory_space<vmem>> -> memref<1x8x64xi32, #tpu.memory_space<vmem>>
      %dma_start3A_226 = tpu.memref_squeeze %dma_start3A_225 : memref<1x8x64xi32, #tpu.memory_space<vmem>> -> memref<8x64xi32, #tpu.memory_space<vmem>>
      %dma_start3A_227 = arith.constant 0 : i32
      %dma_start3A_228 = tpu.memref_slice %arg2[%run_scoped3A_8, %mul3A_2, %dma_start3A_227] : memref<11x256x64xi32, #tpu.memory_space<hbm>> -> memref<1x8x64xi32, #tpu.memory_space<hbm>>
      %dma_start3A_229 = tpu.memref_squeeze %dma_start3A_228 : memref<1x8x64xi32, #tpu.memory_space<hbm>> -> memref<8x64xi32, #tpu.memory_space<hbm>>
      %dma_start3A_230 = arith.constant 0 : i32
      %dma_start3A_231 = arith.constant 0 : i32
      %dma_start3A_232 = tpu.memref_slice %arg5[%run_scoped3A_9, %dma_start3A_230, %dma_start3A_231] : memref<11x8x64xi32, #tpu.memory_space<vmem>> -> memref<1x8x64xi32, #tpu.memory_space<vmem>>
      %dma_start3A_233 = tpu.memref_squeeze %dma_start3A_232 : memref<1x8x64xi32, #tpu.memory_space<vmem>> -> memref<8x64xi32, #tpu.memory_space<vmem>>
      %dma_start3A_234 = arith.constant 0 : i32
      %dma_start3A_235 = tpu.memref_slice %arg2[%run_scoped3A_8, %mul3A_2, %dma_start3A_234] : memref<11x256x64xi32, #tpu.memory_space<hbm>> -> memref<1x8x64xi32, #tpu.memory_space<hbm>>
      %dma_start3A_236 = tpu.memref_squeeze %dma_start3A_235 : memref<1x8x64xi32, #tpu.memory_space<hbm>> -> memref<8x64xi32, #tpu.memory_space<hbm>>
      tpu.enqueue_dma source(%dma_start3A_236 : memref<8x64xi32, #tpu.memory_space<hbm>>) target(%dma_start3A_233 : memref<8x64xi32, #tpu.memory_space<vmem>>) target_semaphore(%run_scoped3A_223 : memref<!tpu.dma_semaphore, #tpu.memory_space<semaphore_mem>>)
      %dma_wait3A = arith.constant 0 : i32
      %dma_wait3A_237 = arith.constant 0 : i32
      %dma_wait3A_238 = tpu.memref_slice %arg5[%run_scoped3A_9, %dma_wait3A, %dma_wait3A_237] : memref<11x8x64xi32, #tpu.memory_space<vmem>> -> memref<1x8x64xi32, #tpu.memory_space<vmem>>
      %dma_wait3A_239 = tpu.memref_squeeze %dma_wait3A_238 : memref<1x8x64xi32, #tpu.memory_space<vmem>> -> memref<8x64xi32, #tpu.memory_space<vmem>>
      %dma_wait3A_240 = arith.constant 0 : i32
      %dma_wait3A_241 = tpu.memref_slice %arg2[%run_scoped3A_8, %mul3A_2, %dma_wait3A_240] : memref<11x256x64xi32, #tpu.memory_space<hbm>> -> memref<1x8x64xi32, #tpu.memory_space<hbm>>
      %dma_wait3A_242 = tpu.memref_squeeze %dma_wait3A_241 : memref<1x8x64xi32, #tpu.memory_space<hbm>> -> memref<8x64xi32, #tpu.memory_space<hbm>>
      %dma_wait3A_243 = arith.constant 0 : i32
      %dma_wait3A_244 = arith.constant 0 : i32
      %dma_wait3A_245 = tpu.memref_slice %arg5[%run_scoped3A_9, %dma_wait3A_243, %dma_wait3A_244] : memref<11x8x64xi32, #tpu.memory_space<vmem>> -> memref<1x8x64xi32, #tpu.memory_space<vmem>>
      %dma_wait3A_246 = tpu.memref_squeeze %dma_wait3A_245 : memref<1x8x64xi32, #tpu.memory_space<vmem>> -> memref<8x64xi32, #tpu.memory_space<vmem>>
      %dma_wait3A_247 = arith.constant 0 : i32
      %dma_wait3A_248 = tpu.memref_slice %arg2[%run_scoped3A_8, %mul3A_2, %dma_wait3A_247] : memref<11x256x64xi32, #tpu.memory_space<hbm>> -> memref<1x8x64xi32, #tpu.memory_space<hbm>>
      %dma_wait3A_249 = tpu.memref_squeeze %dma_wait3A_248 : memref<1x8x64xi32, #tpu.memory_space<hbm>> -> memref<8x64xi32, #tpu.memory_space<hbm>>
      tpu.wait_dma2 semaphore(%run_scoped3A_223 : memref<!tpu.dma_semaphore, #tpu.memory_space<semaphore_mem>>) src(%dma_wait3A_249 : memref<8x64xi32, #tpu.memory_space<hbm>>) dst(%dma_wait3A_246 : memref<8x64xi32, #tpu.memory_space<vmem>>)
      tpu.yield
    }) : () -> ()
    %run_scoped3A_10 = arith.constant 3 : i32
    %run_scoped3A_11 = arith.constant 3 : i32
    "tpu.region"() ({
      %run_scoped3A_223 = tpu.sem_alloc : memref<!tpu.dma_semaphore, #tpu.memory_space<semaphore_mem>>
      %dma_start3A = arith.constant 0 : i32
      %dma_start3A_224 = arith.constant 0 : i32
      %dma_start3A_225 = tpu.memref_slice %arg5[%run_scoped3A_11, %dma_start3A, %dma_start3A_224] : memref<11x8x64xi32, #tpu.memory_space<vmem>> -> memref<1x8x64xi32, #tpu.memory_space<vmem>>
      %dma_start3A_226 = tpu.memref_squeeze %dma_start3A_225 : memref<1x8x64xi32, #tpu.memory_space<vmem>> -> memref<8x64xi32, #tpu.memory_space<vmem>>
      %dma_start3A_227 = arith.constant 0 : i32
      %dma_start3A_228 = tpu.memref_slice %arg2[%run_scoped3A_10, %mul3A_2, %dma_start3A_227] : memref<11x256x64xi32, #tpu.memory_space<hbm>> -> memref<1x8x64xi32, #tpu.memory_space<hbm>>
      %dma_start3A_229 = tpu.memref_squeeze %dma_start3A_228 : memref<1x8x64xi32, #tpu.memory_space<hbm>> -> memref<8x64xi32, #tpu.memory_space<hbm>>
      %dma_start3A_230 = arith.constant 0 : i32
      %dma_start3A_231 = arith.constant 0 : i32
      %dma_start3A_232 = tpu.memref_slice %arg5[%run_scoped3A_11, %dma_start3A_230, %dma_start3A_231] : memref<11x8x64xi32, #tpu.memory_space<vmem>> -> memref<1x8x64xi32, #tpu.memory_space<vmem>>
      %dma_start3A_233 = tpu.memref_squeeze %dma_start3A_232 : memref<1x8x64xi32, #tpu.memory_space<vmem>> -> memref<8x64xi32, #tpu.memory_space<vmem>>
      %dma_start3A_234 = arith.constant 0 : i32
      %dma_start3A_235 = tpu.memref_slice %arg2[%run_scoped3A_10, %mul3A_2, %dma_start3A_234] : memref<11x256x64xi32, #tpu.memory_space<hbm>> -> memref<1x8x64xi32, #tpu.memory_space<hbm>>
      %dma_start3A_236 = tpu.memref_squeeze %dma_start3A_235 : memref<1x8x64xi32, #tpu.memory_space<hbm>> -> memref<8x64xi32, #tpu.memory_space<hbm>>
      tpu.enqueue_dma source(%dma_start3A_236 : memref<8x64xi32, #tpu.memory_space<hbm>>) target(%dma_start3A_233 : memref<8x64xi32, #tpu.memory_space<vmem>>) target_semaphore(%run_scoped3A_223 : memref<!tpu.dma_semaphore, #tpu.memory_space<semaphore_mem>>)
      %dma_wait3A = arith.constant 0 : i32
      %dma_wait3A_237 = arith.constant 0 : i32
      %dma_wait3A_238 = tpu.memref_slice %arg5[%run_scoped3A_11, %dma_wait3A, %dma_wait3A_237] : memref<11x8x64xi32, #tpu.memory_space<vmem>> -> memref<1x8x64xi32, #tpu.memory_space<vmem>>
      %dma_wait3A_239 = tpu.memref_squeeze %dma_wait3A_238 : memref<1x8x64xi32, #tpu.memory_space<vmem>> -> memref<8x64xi32, #tpu.memory_space<vmem>>
      %dma_wait3A_240 = arith.constant 0 : i32
      %dma_wait3A_241 = tpu.memref_slice %arg2[%run_scoped3A_10, %mul3A_2, %dma_wait3A_240] : memref<11x256x64xi32, #tpu.memory_space<hbm>> -> memref<1x8x64xi32, #tpu.memory_space<hbm>>
      %dma_wait3A_242 = tpu.memref_squeeze %dma_wait3A_241 : memref<1x8x64xi32, #tpu.memory_space<hbm>> -> memref<8x64xi32, #tpu.memory_space<hbm>>
      %dma_wait3A_243 = arith.constant 0 : i32
      %dma_wait3A_244 = arith.constant 0 : i32
      %dma_wait3A_245 = tpu.memref_slice %arg5[%run_scoped3A_11, %dma_wait3A_243, %dma_wait3A_244] : memref<11x8x64xi32, #tpu.memory_space<vmem>> -> memref<1x8x64xi32, #tpu.memory_space<vmem>>
      %dma_wait3A_246 = tpu.memref_squeeze %dma_wait3A_245 : memref<1x8x64xi32, #tpu.memory_space<vmem>> -> memref<8x64xi32, #tpu.memory_space<vmem>>
      %dma_wait3A_247 = arith.constant 0 : i32
      %dma_wait3A_248 = tpu.memref_slice %arg2[%run_scoped3A_10, %mul3A_2, %dma_wait3A_247] : memref<11x256x64xi32, #tpu.memory_space<hbm>> -> memref<1x8x64xi32, #tpu.memory_space<hbm>>
      %dma_wait3A_249 = tpu.memref_squeeze %dma_wait3A_248 : memref<1x8x64xi32, #tpu.memory_space<hbm>> -> memref<8x64xi32, #tpu.memory_space<hbm>>
      tpu.wait_dma2 semaphore(%run_scoped3A_223 : memref<!tpu.dma_semaphore, #tpu.memory_space<semaphore_mem>>) src(%dma_wait3A_249 : memref<8x64xi32, #tpu.memory_space<hbm>>) dst(%dma_wait3A_246 : memref<8x64xi32, #tpu.memory_space<vmem>>)
      tpu.yield
    }) : () -> ()
    %run_scoped3A_12 = arith.constant 4 : i32
    %run_scoped3A_13 = arith.constant 4 : i32
    "tpu.region"() ({
      %run_scoped3A_223 = tpu.sem_alloc : memref<!tpu.dma_semaphore, #tpu.memory_space<semaphore_mem>>
      %dma_start3A = arith.constant 0 : i32
      %dma_start3A_224 = arith.constant 0 : i32
      %dma_start3A_225 = tpu.memref_slice %arg5[%run_scoped3A_13, %dma_start3A, %dma_start3A_224] : memref<11x8x64xi32, #tpu.memory_space<vmem>> -> memref<1x8x64xi32, #tpu.memory_space<vmem>>
      %dma_start3A_226 = tpu.memref_squeeze %dma_start3A_225 : memref<1x8x64xi32, #tpu.memory_space<vmem>> -> memref<8x64xi32, #tpu.memory_space<vmem>>
      %dma_start3A_227 = arith.constant 0 : i32
      %dma_start3A_228 = tpu.memref_slice %arg2[%run_scoped3A_12, %mul3A_2, %dma_start3A_227] : memref<11x256x64xi32, #tpu.memory_space<hbm>> -> memref<1x8x64xi32, #tpu.memory_space<hbm>>
      %dma_start3A_229 = tpu.memref_squeeze %dma_start3A_228 : memref<1x8x64xi32, #tpu.memory_space<hbm>> -> memref<8x64xi32, #tpu.memory_space<hbm>>
      %dma_start3A_230 = arith.constant 0 : i32
      %dma_start3A_231 = arith.constant 0 : i32
      %dma_start3A_232 = tpu.memref_slice %arg5[%run_scoped3A_13, %dma_start3A_230, %dma_start3A_231] : memref<11x8x64xi32, #tpu.memory_space<vmem>> -> memref<1x8x64xi32, #tpu.memory_space<vmem>>
      %dma_start3A_233 = tpu.memref_squeeze %dma_start3A_232 : memref<1x8x64xi32, #tpu.memory_space<vmem>> -> memref<8x64xi32, #tpu.memory_space<vmem>>
      %dma_start3A_234 = arith.constant 0 : i32
      %dma_start3A_235 = tpu.memref_slice %arg2[%run_scoped3A_12, %mul3A_2, %dma_start3A_234] : memref<11x256x64xi32, #tpu.memory_space<hbm>> -> memref<1x8x64xi32, #tpu.memory_space<hbm>>
      %dma_start3A_236 = tpu.memref_squeeze %dma_start3A_235 : memref<1x8x64xi32, #tpu.memory_space<hbm>> -> memref<8x64xi32, #tpu.memory_space<hbm>>
      tpu.enqueue_dma source(%dma_start3A_236 : memref<8x64xi32, #tpu.memory_space<hbm>>) target(%dma_start3A_233 : memref<8x64xi32, #tpu.memory_space<vmem>>) target_semaphore(%run_scoped3A_223 : memref<!tpu.dma_semaphore, #tpu.memory_space<semaphore_mem>>)
      %dma_wait3A = arith.constant 0 : i32
      %dma_wait3A_237 = arith.constant 0 : i32
      %dma_wait3A_238 = tpu.memref_slice %arg5[%run_scoped3A_13, %dma_wait3A, %dma_wait3A_237] : memref<11x8x64xi32, #tpu.memory_space<vmem>> -> memref<1x8x64xi32, #tpu.memory_space<vmem>>
      %dma_wait3A_239 = tpu.memref_squeeze %dma_wait3A_238 : memref<1x8x64xi32, #tpu.memory_space<vmem>> -> memref<8x64xi32, #tpu.memory_space<vmem>>
      %dma_wait3A_240 = arith.constant 0 : i32
      %dma_wait3A_241 = tpu.memref_slice %arg2[%run_scoped3A_12, %mul3A_2, %dma_wait3A_240] : memref<11x256x64xi32, #tpu.memory_space<hbm>> -> memref<1x8x64xi32, #tpu.memory_space<hbm>>
      %dma_wait3A_242 = tpu.memref_squeeze %dma_wait3A_241 : memref<1x8x64xi32, #tpu.memory_space<hbm>> -> memref<8x64xi32, #tpu.memory_space<hbm>>
      %dma_wait3A_243 = arith.constant 0 : i32
      %dma_wait3A_244 = arith.constant 0 : i32
      %dma_wait3A_245 = tpu.memref_slice %arg5[%run_scoped3A_13, %dma_wait3A_243, %dma_wait3A_244] : memref<11x8x64xi32, #tpu.memory_space<vmem>> -> memref<1x8x64xi32, #tpu.memory_space<vmem>>
      %dma_wait3A_246 = tpu.memref_squeeze %dma_wait3A_245 : memref<1x8x64xi32, #tpu.memory_space<vmem>> -> memref<8x64xi32, #tpu.memory_space<vmem>>
      %dma_wait3A_247 = arith.constant 0 : i32
      %dma_wait3A_248 = tpu.memref_slice %arg2[%run_scoped3A_12, %mul3A_2, %dma_wait3A_247] : memref<11x256x64xi32, #tpu.memory_space<hbm>> -> memref<1x8x64xi32, #tpu.memory_space<hbm>>
      %dma_wait3A_249 = tpu.memref_squeeze %dma_wait3A_248 : memref<1x8x64xi32, #tpu.memory_space<hbm>> -> memref<8x64xi32, #tpu.memory_space<hbm>>
      tpu.wait_dma2 semaphore(%run_scoped3A_223 : memref<!tpu.dma_semaphore, #tpu.memory_space<semaphore_mem>>) src(%dma_wait3A_249 : memref<8x64xi32, #tpu.memory_space<hbm>>) dst(%dma_wait3A_246 : memref<8x64xi32, #tpu.memory_space<vmem>>)
      tpu.yield
    }) : () -> ()
    %run_scoped3A_14 = arith.constant 5 : i32
    %run_scoped3A_15 = arith.constant 5 : i32
    "tpu.region"() ({
      %run_scoped3A_223 = tpu.sem_alloc : memref<!tpu.dma_semaphore, #tpu.memory_space<semaphore_mem>>
      %dma_start3A = arith.constant 0 : i32
      %dma_start3A_224 = arith.constant 0 : i32
      %dma_start3A_225 = tpu.memref_slice %arg5[%run_scoped3A_15, %dma_start3A, %dma_start3A_224] : memref<11x8x64xi32, #tpu.memory_space<vmem>> -> memref<1x8x64xi32, #tpu.memory_space<vmem>>
      %dma_start3A_226 = tpu.memref_squeeze %dma_start3A_225 : memref<1x8x64xi32, #tpu.memory_space<vmem>> -> memref<8x64xi32, #tpu.memory_space<vmem>>
      %dma_start3A_227 = arith.constant 0 : i32
      %dma_start3A_228 = tpu.memref_slice %arg2[%run_scoped3A_14, %mul3A_2, %dma_start3A_227] : memref<11x256x64xi32, #tpu.memory_space<hbm>> -> memref<1x8x64xi32, #tpu.memory_space<hbm>>
      %dma_start3A_229 = tpu.memref_squeeze %dma_start3A_228 : memref<1x8x64xi32, #tpu.memory_space<hbm>> -> memref<8x64xi32, #tpu.memory_space<hbm>>
      %dma_start3A_230 = arith.constant 0 : i32
      %dma_start3A_231 = arith.constant 0 : i32
      %dma_start3A_232 = tpu.memref_slice %arg5[%run_scoped3A_15, %dma_start3A_230, %dma_start3A_231] : memref<11x8x64xi32, #tpu.memory_space<vmem>> -> memref<1x8x64xi32, #tpu.memory_space<vmem>>
      %dma_start3A_233 = tpu.memref_squeeze %dma_start3A_232 : memref<1x8x64xi32, #tpu.memory_space<vmem>> -> memref<8x64xi32, #tpu.memory_space<vmem>>
      %dma_start3A_234 = arith.constant 0 : i32
      %dma_start3A_235 = tpu.memref_slice %arg2[%run_scoped3A_14, %mul3A_2, %dma_start3A_234] : memref<11x256x64xi32, #tpu.memory_space<hbm>> -> memref<1x8x64xi32, #tpu.memory_space<hbm>>
      %dma_start3A_236 = tpu.memref_squeeze %dma_start3A_235 : memref<1x8x64xi32, #tpu.memory_space<hbm>> -> memref<8x64xi32, #tpu.memory_space<hbm>>
      tpu.enqueue_dma source(%dma_start3A_236 : memref<8x64xi32, #tpu.memory_space<hbm>>) target(%dma_start3A_233 : memref<8x64xi32, #tpu.memory_space<vmem>>) target_semaphore(%run_scoped3A_223 : memref<!tpu.dma_semaphore, #tpu.memory_space<semaphore_mem>>)
      %dma_wait3A = arith.constant 0 : i32
      %dma_wait3A_237 = arith.constant 0 : i32
      %dma_wait3A_238 = tpu.memref_slice %arg5[%run_scoped3A_15, %dma_wait3A, %dma_wait3A_237] : memref<11x8x64xi32, #tpu.memory_space<vmem>> -> memref<1x8x64xi32, #tpu.memory_space<vmem>>
      %dma_wait3A_239 = tpu.memref_squeeze %dma_wait3A_238 : memref<1x8x64xi32, #tpu.memory_space<vmem>> -> memref<8x64xi32, #tpu.memory_space<vmem>>
      %dma_wait3A_240 = arith.constant 0 : i32
      %dma_wait3A_241 = tpu.memref_slice %arg2[%run_scoped3A_14, %mul3A_2, %dma_wait3A_240] : memref<11x256x64xi32, #tpu.memory_space<hbm>> -> memref<1x8x64xi32, #tpu.memory_space<hbm>>
      %dma_wait3A_242 = tpu.memref_squeeze %dma_wait3A_241 : memref<1x8x64xi32, #tpu.memory_space<hbm>> -> memref<8x64xi32, #tpu.memory_space<hbm>>
      %dma_wait3A_243 = arith.constant 0 : i32
      %dma_wait3A_244 = arith.constant 0 : i32
      %dma_wait3A_245 = tpu.memref_slice %arg5[%run_scoped3A_15, %dma_wait3A_243, %dma_wait3A_244] : memref<11x8x64xi32, #tpu.memory_space<vmem>> -> memref<1x8x64xi32, #tpu.memory_space<vmem>>
      %dma_wait3A_246 = tpu.memref_squeeze %dma_wait3A_245 : memref<1x8x64xi32, #tpu.memory_space<vmem>> -> memref<8x64xi32, #tpu.memory_space<vmem>>
      %dma_wait3A_247 = arith.constant 0 : i32
      %dma_wait3A_248 = tpu.memref_slice %arg2[%run_scoped3A_14, %mul3A_2, %dma_wait3A_247] : memref<11x256x64xi32, #tpu.memory_space<hbm>> -> memref<1x8x64xi32, #tpu.memory_space<hbm>>
      %dma_wait3A_249 = tpu.memref_squeeze %dma_wait3A_248 : memref<1x8x64xi32, #tpu.memory_space<hbm>> -> memref<8x64xi32, #tpu.memory_space<hbm>>
      tpu.wait_dma2 semaphore(%run_scoped3A_223 : memref<!tpu.dma_semaphore, #tpu.memory_space<semaphore_mem>>) src(%dma_wait3A_249 : memref<8x64xi32, #tpu.memory_space<hbm>>) dst(%dma_wait3A_246 : memref<8x64xi32, #tpu.memory_space<vmem>>)
      tpu.yield
    }) : () -> ()
    %run_scoped3A_16 = arith.constant 6 : i32
    %run_scoped3A_17 = arith.constant 6 : i32
    "tpu.region"() ({
      %run_scoped3A_223 = tpu.sem_alloc : memref<!tpu.dma_semaphore, #tpu.memory_space<semaphore_mem>>
      %dma_start3A = arith.constant 0 : i32
      %dma_start3A_224 = arith.constant 0 : i32
      %dma_start3A_225 = tpu.memref_slice %arg5[%run_scoped3A_17, %dma_start3A, %dma_start3A_224] : memref<11x8x64xi32, #tpu.memory_space<vmem>> -> memref<1x8x64xi32, #tpu.memory_space<vmem>>
      %dma_start3A_226 = tpu.memref_squeeze %dma_start3A_225 : memref<1x8x64xi32, #tpu.memory_space<vmem>> -> memref<8x64xi32, #tpu.memory_space<vmem>>
      %dma_start3A_227 = arith.constant 0 : i32
      %dma_start3A_228 = tpu.memref_slice %arg2[%run_scoped3A_16, %mul3A_2, %dma_start3A_227] : memref<11x256x64xi32, #tpu.memory_space<hbm>> -> memref<1x8x64xi32, #tpu.memory_space<hbm>>
      %dma_start3A_229 = tpu.memref_squeeze %dma_start3A_228 : memref<1x8x64xi32, #tpu.memory_space<hbm>> -> memref<8x64xi32, #tpu.memory_space<hbm>>
      %dma_start3A_230 = arith.constant 0 : i32
      %dma_start3A_231 = arith.constant 0 : i32
      %dma_start3A_232 = tpu.memref_slice %arg5[%run_scoped3A_17, %dma_start3A_230, %dma_start3A_231] : memref<11x8x64xi32, #tpu.memory_space<vmem>> -> memref<1x8x64xi32, #tpu.memory_space<vmem>>
      %dma_start3A_233 = tpu.memref_squeeze %dma_start3A_232 : memref<1x8x64xi32, #tpu.memory_space<vmem>> -> memref<8x64xi32, #tpu.memory_space<vmem>>
      %dma_start3A_234 = arith.constant 0 : i32
      %dma_start3A_235 = tpu.memref_slice %arg2[%run_scoped3A_16, %mul3A_2, %dma_start3A_234] : memref<11x256x64xi32, #tpu.memory_space<hbm>> -> memref<1x8x64xi32, #tpu.memory_space<hbm>>
      %dma_start3A_236 = tpu.memref_squeeze %dma_start3A_235 : memref<1x8x64xi32, #tpu.memory_space<hbm>> -> memref<8x64xi32, #tpu.memory_space<hbm>>
      tpu.enqueue_dma source(%dma_start3A_236 : memref<8x64xi32, #tpu.memory_space<hbm>>) target(%dma_start3A_233 : memref<8x64xi32, #tpu.memory_space<vmem>>) target_semaphore(%run_scoped3A_223 : memref<!tpu.dma_semaphore, #tpu.memory_space<semaphore_mem>>)
      %dma_wait3A = arith.constant 0 : i32
      %dma_wait3A_237 = arith.constant 0 : i32
      %dma_wait3A_238 = tpu.memref_slice %arg5[%run_scoped3A_17, %dma_wait3A, %dma_wait3A_237] : memref<11x8x64xi32, #tpu.memory_space<vmem>> -> memref<1x8x64xi32, #tpu.memory_space<vmem>>
      %dma_wait3A_239 = tpu.memref_squeeze %dma_wait3A_238 : memref<1x8x64xi32, #tpu.memory_space<vmem>> -> memref<8x64xi32, #tpu.memory_space<vmem>>
      %dma_wait3A_240 = arith.constant 0 : i32
      %dma_wait3A_241 = tpu.memref_slice %arg2[%run_scoped3A_16, %mul3A_2, %dma_wait3A_240] : memref<11x256x64xi32, #tpu.memory_space<hbm>> -> memref<1x8x64xi32, #tpu.memory_space<hbm>>
      %dma_wait3A_242 = tpu.memref_squeeze %dma_wait3A_241 : memref<1x8x64xi32, #tpu.memory_space<hbm>> -> memref<8x64xi32, #tpu.memory_space<hbm>>
      %dma_wait3A_243 = arith.constant 0 : i32
      %dma_wait3A_244 = arith.constant 0 : i32
      %dma_wait3A_245 = tpu.memref_slice %arg5[%run_scoped3A_17, %dma_wait3A_243, %dma_wait3A_244] : memref<11x8x64xi32, #tpu.memory_space<vmem>> -> memref<1x8x64xi32, #tpu.memory_space<vmem>>
      %dma_wait3A_246 = tpu.memref_squeeze %dma_wait3A_245 : memref<1x8x64xi32, #tpu.memory_space<vmem>> -> memref<8x64xi32, #tpu.memory_space<vmem>>
      %dma_wait3A_247 = arith.constant 0 : i32
      %dma_wait3A_248 = tpu.memref_slice %arg2[%run_scoped3A_16, %mul3A_2, %dma_wait3A_247] : memref<11x256x64xi32, #tpu.memory_space<hbm>> -> memref<1x8x64xi32, #tpu.memory_space<hbm>>
      %dma_wait3A_249 = tpu.memref_squeeze %dma_wait3A_248 : memref<1x8x64xi32, #tpu.memory_space<hbm>> -> memref<8x64xi32, #tpu.memory_space<hbm>>
      tpu.wait_dma2 semaphore(%run_scoped3A_223 : memref<!tpu.dma_semaphore, #tpu.memory_space<semaphore_mem>>) src(%dma_wait3A_249 : memref<8x64xi32, #tpu.memory_space<hbm>>) dst(%dma_wait3A_246 : memref<8x64xi32, #tpu.memory_space<vmem>>)
      tpu.yield
    }) : () -> ()
    %run_scoped3A_18 = arith.constant 7 : i32
    %run_scoped3A_19 = arith.constant 7 : i32
    "tpu.region"() ({
      %run_scoped3A_223 = tpu.sem_alloc : memref<!tpu.dma_semaphore, #tpu.memory_space<semaphore_mem>>
      %dma_start3A = arith.constant 0 : i32
      %dma_start3A_224 = arith.constant 0 : i32
      %dma_start3A_225 = tpu.memref_slice %arg5[%run_scoped3A_19, %dma_start3A, %dma_start3A_224] : memref<11x8x64xi32, #tpu.memory_space<vmem>> -> memref<1x8x64xi32, #tpu.memory_space<vmem>>
      %dma_start3A_226 = tpu.memref_squeeze %dma_start3A_225 : memref<1x8x64xi32, #tpu.memory_space<vmem>> -> memref<8x64xi32, #tpu.memory_space<vmem>>
      %dma_start3A_227 = arith.constant 0 : i32
      %dma_start3A_228 = tpu.memref_slice %arg2[%run_scoped3A_18, %mul3A_2, %dma_start3A_227] : memref<11x256x64xi32, #tpu.memory_space<hbm>> -> memref<1x8x64xi32, #tpu.memory_space<hbm>>
      %dma_start3A_229 = tpu.memref_squeeze %dma_start3A_228 : memref<1x8x64xi32, #tpu.memory_space<hbm>> -> memref<8x64xi32, #tpu.memory_space<hbm>>
      %dma_start3A_230 = arith.constant 0 : i32
      %dma_start3A_231 = arith.constant 0 : i32
      %dma_start3A_232 = tpu.memref_slice %arg5[%run_scoped3A_19, %dma_start3A_230, %dma_start3A_231] : memref<11x8x64xi32, #tpu.memory_space<vmem>> -> memref<1x8x64xi32, #tpu.memory_space<vmem>>
      %dma_start3A_233 = tpu.memref_squeeze %dma_start3A_232 : memref<1x8x64xi32, #tpu.memory_space<vmem>> -> memref<8x64xi32, #tpu.memory_space<vmem>>
      %dma_start3A_234 = arith.constant 0 : i32
      %dma_start3A_235 = tpu.memref_slice %arg2[%run_scoped3A_18, %mul3A_2, %dma_start3A_234] : memref<11x256x64xi32, #tpu.memory_space<hbm>> -> memref<1x8x64xi32, #tpu.memory_space<hbm>>
      %dma_start3A_236 = tpu.memref_squeeze %dma_start3A_235 : memref<1x8x64xi32, #tpu.memory_space<hbm>> -> memref<8x64xi32, #tpu.memory_space<hbm>>
      tpu.enqueue_dma source(%dma_start3A_236 : memref<8x64xi32, #tpu.memory_space<hbm>>) target(%dma_start3A_233 : memref<8x64xi32, #tpu.memory_space<vmem>>) target_semaphore(%run_scoped3A_223 : memref<!tpu.dma_semaphore, #tpu.memory_space<semaphore_mem>>)
      %dma_wait3A = arith.constant 0 : i32
      %dma_wait3A_237 = arith.constant 0 : i32
      %dma_wait3A_238 = tpu.memref_slice %arg5[%run_scoped3A_19, %dma_wait3A, %dma_wait3A_237] : memref<11x8x64xi32, #tpu.memory_space<vmem>> -> memref<1x8x64xi32, #tpu.memory_space<vmem>>
      %dma_wait3A_239 = tpu.memref_squeeze %dma_wait3A_238 : memref<1x8x64xi32, #tpu.memory_space<vmem>> -> memref<8x64xi32, #tpu.memory_space<vmem>>
      %dma_wait3A_240 = arith.constant 0 : i32
      %dma_wait3A_241 = tpu.memref_slice %arg2[%run_scoped3A_18, %mul3A_2, %dma_wait3A_240] : memref<11x256x64xi32, #tpu.memory_space<hbm>> -> memref<1x8x64xi32, #tpu.memory_space<hbm>>
      %dma_wait3A_242 = tpu.memref_squeeze %dma_wait3A_241 : memref<1x8x64xi32, #tpu.memory_space<hbm>> -> memref<8x64xi32, #tpu.memory_space<hbm>>
      %dma_wait3A_243 = arith.constant 0 : i32
      %dma_wait3A_244 = arith.constant 0 : i32
      %dma_wait3A_245 = tpu.memref_slice %arg5[%run_scoped3A_19, %dma_wait3A_243, %dma_wait3A_244] : memref<11x8x64xi32, #tpu.memory_space<vmem>> -> memref<1x8x64xi32, #tpu.memory_space<vmem>>
      %dma_wait3A_246 = tpu.memref_squeeze %dma_wait3A_245 : memref<1x8x64xi32, #tpu.memory_space<vmem>> -> memref<8x64xi32, #tpu.memory_space<vmem>>
      %dma_wait3A_247 = arith.constant 0 : i32
      %dma_wait3A_248 = tpu.memref_slice %arg2[%run_scoped3A_18, %mul3A_2, %dma_wait3A_247] : memref<11x256x64xi32, #tpu.memory_space<hbm>> -> memref<1x8x64xi32, #tpu.memory_space<hbm>>
      %dma_wait3A_249 = tpu.memref_squeeze %dma_wait3A_248 : memref<1x8x64xi32, #tpu.memory_space<hbm>> -> memref<8x64xi32, #tpu.memory_space<hbm>>
      tpu.wait_dma2 semaphore(%run_scoped3A_223 : memref<!tpu.dma_semaphore, #tpu.memory_space<semaphore_mem>>) src(%dma_wait3A_249 : memref<8x64xi32, #tpu.memory_space<hbm>>) dst(%dma_wait3A_246 : memref<8x64xi32, #tpu.memory_space<vmem>>)
      tpu.yield
    }) : () -> ()
    %run_scoped3A_20 = arith.constant 8 : i32
    %run_scoped3A_21 = arith.constant 8 : i32
    "tpu.region"() ({
      %run_scoped3A_223 = tpu.sem_alloc : memref<!tpu.dma_semaphore, #tpu.memory_space<semaphore_mem>>
      %dma_start3A = arith.constant 0 : i32
      %dma_start3A_224 = arith.constant 0 : i32
      %dma_start3A_225 = tpu.memref_slice %arg5[%run_scoped3A_21, %dma_start3A, %dma_start3A_224] : memref<11x8x64xi32, #tpu.memory_space<vmem>> -> memref<1x8x64xi32, #tpu.memory_space<vmem>>
      %dma_start3A_226 = tpu.memref_squeeze %dma_start3A_225 : memref<1x8x64xi32, #tpu.memory_space<vmem>> -> memref<8x64xi32, #tpu.memory_space<vmem>>
      %dma_start3A_227 = arith.constant 0 : i32
      %dma_start3A_228 = tpu.memref_slice %arg2[%run_scoped3A_20, %mul3A_2, %dma_start3A_227] : memref<11x256x64xi32, #tpu.memory_space<hbm>> -> memref<1x8x64xi32, #tpu.memory_space<hbm>>
      %dma_start3A_229 = tpu.memref_squeeze %dma_start3A_228 : memref<1x8x64xi32, #tpu.memory_space<hbm>> -> memref<8x64xi32, #tpu.memory_space<hbm>>
      %dma_start3A_230 = arith.constant 0 : i32
      %dma_start3A_231 = arith.constant 0 : i32
      %dma_start3A_232 = tpu.memref_slice %arg5[%run_scoped3A_21, %dma_start3A_230, %dma_start3A_231] : memref<11x8x64xi32, #tpu.memory_space<vmem>> -> memref<1x8x64xi32, #tpu.memory_space<vmem>>
      %dma_start3A_233 = tpu.memref_squeeze %dma_start3A_232 : memref<1x8x64xi32, #tpu.memory_space<vmem>> -> memref<8x64xi32, #tpu.memory_space<vmem>>
      %dma_start3A_234 = arith.constant 0 : i32
      %dma_start3A_235 = tpu.memref_slice %arg2[%run_scoped3A_20, %mul3A_2, %dma_start3A_234] : memref<11x256x64xi32, #tpu.memory_space<hbm>> -> memref<1x8x64xi32, #tpu.memory_space<hbm>>
      %dma_start3A_236 = tpu.memref_squeeze %dma_start3A_235 : memref<1x8x64xi32, #tpu.memory_space<hbm>> -> memref<8x64xi32, #tpu.memory_space<hbm>>
      tpu.enqueue_dma source(%dma_start3A_236 : memref<8x64xi32, #tpu.memory_space<hbm>>) target(%dma_start3A_233 : memref<8x64xi32, #tpu.memory_space<vmem>>) target_semaphore(%run_scoped3A_223 : memref<!tpu.dma_semaphore, #tpu.memory_space<semaphore_mem>>)
      %dma_wait3A = arith.constant 0 : i32
      %dma_wait3A_237 = arith.constant 0 : i32
      %dma_wait3A_238 = tpu.memref_slice %arg5[%run_scoped3A_21, %dma_wait3A, %dma_wait3A_237] : memref<11x8x64xi32, #tpu.memory_space<vmem>> -> memref<1x8x64xi32, #tpu.memory_space<vmem>>
      %dma_wait3A_239 = tpu.memref_squeeze %dma_wait3A_238 : memref<1x8x64xi32, #tpu.memory_space<vmem>> -> memref<8x64xi32, #tpu.memory_space<vmem>>
      %dma_wait3A_240 = arith.constant 0 : i32
      %dma_wait3A_241 = tpu.memref_slice %arg2[%run_scoped3A_20, %mul3A_2, %dma_wait3A_240] : memref<11x256x64xi32, #tpu.memory_space<hbm>> -> memref<1x8x64xi32, #tpu.memory_space<hbm>>
      %dma_wait3A_242 = tpu.memref_squeeze %dma_wait3A_241 : memref<1x8x64xi32, #tpu.memory_space<hbm>> -> memref<8x64xi32, #tpu.memory_space<hbm>>
      %dma_wait3A_243 = arith.constant 0 : i32
      %dma_wait3A_244 = arith.constant 0 : i32
      %dma_wait3A_245 = tpu.memref_slice %arg5[%run_scoped3A_21, %dma_wait3A_243, %dma_wait3A_244] : memref<11x8x64xi32, #tpu.memory_space<vmem>> -> memref<1x8x64xi32, #tpu.memory_space<vmem>>
      %dma_wait3A_246 = tpu.memref_squeeze %dma_wait3A_245 : memref<1x8x64xi32, #tpu.memory_space<vmem>> -> memref<8x64xi32, #tpu.memory_space<vmem>>
      %dma_wait3A_247 = arith.constant 0 : i32
      %dma_wait3A_248 = tpu.memref_slice %arg2[%run_scoped3A_20, %mul3A_2, %dma_wait3A_247] : memref<11x256x64xi32, #tpu.memory_space<hbm>> -> memref<1x8x64xi32, #tpu.memory_space<hbm>>
      %dma_wait3A_249 = tpu.memref_squeeze %dma_wait3A_248 : memref<1x8x64xi32, #tpu.memory_space<hbm>> -> memref<8x64xi32, #tpu.memory_space<hbm>>
      tpu.wait_dma2 semaphore(%run_scoped3A_223 : memref<!tpu.dma_semaphore, #tpu.memory_space<semaphore_mem>>) src(%dma_wait3A_249 : memref<8x64xi32, #tpu.memory_space<hbm>>) dst(%dma_wait3A_246 : memref<8x64xi32, #tpu.memory_space<vmem>>)
      tpu.yield
    }) : () -> ()
    %run_scoped3A_22 = arith.constant 9 : i32
    %run_scoped3A_23 = arith.constant 9 : i32
    "tpu.region"() ({
      %run_scoped3A_223 = tpu.sem_alloc : memref<!tpu.dma_semaphore, #tpu.memory_space<semaphore_mem>>
      %dma_start3A = arith.constant 0 : i32
      %dma_start3A_224 = arith.constant 0 : i32
      %dma_start3A_225 = tpu.memref_slice %arg5[%run_scoped3A_23, %dma_start3A, %dma_start3A_224] : memref<11x8x64xi32, #tpu.memory_space<vmem>> -> memref<1x8x64xi32, #tpu.memory_space<vmem>>
      %dma_start3A_226 = tpu.memref_squeeze %dma_start3A_225 : memref<1x8x64xi32, #tpu.memory_space<vmem>> -> memref<8x64xi32, #tpu.memory_space<vmem>>
      %dma_start3A_227 = arith.constant 0 : i32
      %dma_start3A_228 = tpu.memref_slice %arg2[%run_scoped3A_22, %mul3A_2, %dma_start3A_227] : memref<11x256x64xi32, #tpu.memory_space<hbm>> -> memref<1x8x64xi32, #tpu.memory_space<hbm>>
      %dma_start3A_229 = tpu.memref_squeeze %dma_start3A_228 : memref<1x8x64xi32, #tpu.memory_space<hbm>> -> memref<8x64xi32, #tpu.memory_space<hbm>>
      %dma_start3A_230 = arith.constant 0 : i32
      %dma_start3A_231 = arith.constant 0 : i32
      %dma_start3A_232 = tpu.memref_slice %arg5[%run_scoped3A_23, %dma_start3A_230, %dma_start3A_231] : memref<11x8x64xi32, #tpu.memory_space<vmem>> -> memref<1x8x64xi32, #tpu.memory_space<vmem>>
      %dma_start3A_233 = tpu.memref_squeeze %dma_start3A_232 : memref<1x8x64xi32, #tpu.memory_space<vmem>> -> memref<8x64xi32, #tpu.memory_space<vmem>>
      %dma_start3A_234 = arith.constant 0 : i32
      %dma_start3A_235 = tpu.memref_slice %arg2[%run_scoped3A_22, %mul3A_2, %dma_start3A_234] : memref<11x256x64xi32, #tpu.memory_space<hbm>> -> memref<1x8x64xi32, #tpu.memory_space<hbm>>
      %dma_start3A_236 = tpu.memref_squeeze %dma_start3A_235 : memref<1x8x64xi32, #tpu.memory_space<hbm>> -> memref<8x64xi32, #tpu.memory_space<hbm>>
      tpu.enqueue_dma source(%dma_start3A_236 : memref<8x64xi32, #tpu.memory_space<hbm>>) target(%dma_start3A_233 : memref<8x64xi32, #tpu.memory_space<vmem>>) target_semaphore(%run_scoped3A_223 : memref<!tpu.dma_semaphore, #tpu.memory_space<semaphore_mem>>)
      %dma_wait3A = arith.constant 0 : i32
      %dma_wait3A_237 = arith.constant 0 : i32
      %dma_wait3A_238 = tpu.memref_slice %arg5[%run_scoped3A_23, %dma_wait3A, %dma_wait3A_237] : memref<11x8x64xi32, #tpu.memory_space<vmem>> -> memref<1x8x64xi32, #tpu.memory_space<vmem>>
      %dma_wait3A_239 = tpu.memref_squeeze %dma_wait3A_238 : memref<1x8x64xi32, #tpu.memory_space<vmem>> -> memref<8x64xi32, #tpu.memory_space<vmem>>
      %dma_wait3A_240 = arith.constant 0 : i32
      %dma_wait3A_241 = tpu.memref_slice %arg2[%run_scoped3A_22, %mul3A_2, %dma_wait3A_240] : memref<11x256x64xi32, #tpu.memory_space<hbm>> -> memref<1x8x64xi32, #tpu.memory_space<hbm>>
      %dma_wait3A_242 = tpu.memref_squeeze %dma_wait3A_241 : memref<1x8x64xi32, #tpu.memory_space<hbm>> -> memref<8x64xi32, #tpu.memory_space<hbm>>
      %dma_wait3A_243 = arith.constant 0 : i32
      %dma_wait3A_244 = arith.constant 0 : i32
      %dma_wait3A_245 = tpu.memref_slice %arg5[%run_scoped3A_23, %dma_wait3A_243, %dma_wait3A_244] : memref<11x8x64xi32, #tpu.memory_space<vmem>> -> memref<1x8x64xi32, #tpu.memory_space<vmem>>
      %dma_wait3A_246 = tpu.memref_squeeze %dma_wait3A_245 : memref<1x8x64xi32, #tpu.memory_space<vmem>> -> memref<8x64xi32, #tpu.memory_space<vmem>>
      %dma_wait3A_247 = arith.constant 0 : i32
      %dma_wait3A_248 = tpu.memref_slice %arg2[%run_scoped3A_22, %mul3A_2, %dma_wait3A_247] : memref<11x256x64xi32, #tpu.memory_space<hbm>> -> memref<1x8x64xi32, #tpu.memory_space<hbm>>
      %dma_wait3A_249 = tpu.memref_squeeze %dma_wait3A_248 : memref<1x8x64xi32, #tpu.memory_space<hbm>> -> memref<8x64xi32, #tpu.memory_space<hbm>>
      tpu.wait_dma2 semaphore(%run_scoped3A_223 : memref<!tpu.dma_semaphore, #tpu.memory_space<semaphore_mem>>) src(%dma_wait3A_249 : memref<8x64xi32, #tpu.memory_space<hbm>>) dst(%dma_wait3A_246 : memref<8x64xi32, #tpu.memory_space<vmem>>)
      tpu.yield
    }) : () -> ()
    %run_scoped3A_24 = arith.constant 10 : i32
    %run_scoped3A_25 = arith.constant 10 : i32
    "tpu.region"() ({
      %run_scoped3A_223 = tpu.sem_alloc : memref<!tpu.dma_semaphore, #tpu.memory_space<semaphore_mem>>
      %dma_start3A = arith.constant 0 : i32
      %dma_start3A_224 = arith.constant 0 : i32
      %dma_start3A_225 = tpu.memref_slice %arg5[%run_scoped3A_25, %dma_start3A, %dma_start3A_224] : memref<11x8x64xi32, #tpu.memory_space<vmem>> -> memref<1x8x64xi32, #tpu.memory_space<vmem>>
      %dma_start3A_226 = tpu.memref_squeeze %dma_start3A_225 : memref<1x8x64xi32, #tpu.memory_space<vmem>> -> memref<8x64xi32, #tpu.memory_space<vmem>>
      %dma_start3A_227 = arith.constant 0 : i32
      %dma_start3A_228 = tpu.memref_slice %arg2[%run_scoped3A_24, %mul3A_2, %dma_start3A_227] : memref<11x256x64xi32, #tpu.memory_space<hbm>> -> memref<1x8x64xi32, #tpu.memory_space<hbm>>
      %dma_start3A_229 = tpu.memref_squeeze %dma_start3A_228 : memref<1x8x64xi32, #tpu.memory_space<hbm>> -> memref<8x64xi32, #tpu.memory_space<hbm>>
      %dma_start3A_230 = arith.constant 0 : i32
      %dma_start3A_231 = arith.constant 0 : i32
      %dma_start3A_232 = tpu.memref_slice %arg5[%run_scoped3A_25, %dma_start3A_230, %dma_start3A_231] : memref<11x8x64xi32, #tpu.memory_space<vmem>> -> memref<1x8x64xi32, #tpu.memory_space<vmem>>
      %dma_start3A_233 = tpu.memref_squeeze %dma_start3A_232 : memref<1x8x64xi32, #tpu.memory_space<vmem>> -> memref<8x64xi32, #tpu.memory_space<vmem>>
      %dma_start3A_234 = arith.constant 0 : i32
      %dma_start3A_235 = tpu.memref_slice %arg2[%run_scoped3A_24, %mul3A_2, %dma_start3A_234] : memref<11x256x64xi32, #tpu.memory_space<hbm>> -> memref<1x8x64xi32, #tpu.memory_space<hbm>>
      %dma_start3A_236 = tpu.memref_squeeze %dma_start3A_235 : memref<1x8x64xi32, #tpu.memory_space<hbm>> -> memref<8x64xi32, #tpu.memory_space<hbm>>
      tpu.enqueue_dma source(%dma_start3A_236 : memref<8x64xi32, #tpu.memory_space<hbm>>) target(%dma_start3A_233 : memref<8x64xi32, #tpu.memory_space<vmem>>) target_semaphore(%run_scoped3A_223 : memref<!tpu.dma_semaphore, #tpu.memory_space<semaphore_mem>>)
      %dma_wait3A = arith.constant 0 : i32
      %dma_wait3A_237 = arith.constant 0 : i32
      %dma_wait3A_238 = tpu.memref_slice %arg5[%run_scoped3A_25, %dma_wait3A, %dma_wait3A_237] : memref<11x8x64xi32, #tpu.memory_space<vmem>> -> memref<1x8x64xi32, #tpu.memory_space<vmem>>
      %dma_wait3A_239 = tpu.memref_squeeze %dma_wait3A_238 : memref<1x8x64xi32, #tpu.memory_space<vmem>> -> memref<8x64xi32, #tpu.memory_space<vmem>>
      %dma_wait3A_240 = arith.constant 0 : i32
      %dma_wait3A_241 = tpu.memref_slice %arg2[%run_scoped3A_24, %mul3A_2, %dma_wait3A_240] : memref<11x256x64xi32, #tpu.memory_space<hbm>> -> memref<1x8x64xi32, #tpu.memory_space<hbm>>
      %dma_wait3A_242 = tpu.memref_squeeze %dma_wait3A_241 : memref<1x8x64xi32, #tpu.memory_space<hbm>> -> memref<8x64xi32, #tpu.memory_space<hbm>>
      %dma_wait3A_243 = arith.constant 0 : i32
      %dma_wait3A_244 = arith.constant 0 : i32
      %dma_wait3A_245 = tpu.memref_slice %arg5[%run_scoped3A_25, %dma_wait3A_243, %dma_wait3A_244] : memref<11x8x64xi32, #tpu.memory_space<vmem>> -> memref<1x8x64xi32, #tpu.memory_space<vmem>>
      %dma_wait3A_246 = tpu.memref_squeeze %dma_wait3A_245 : memref<1x8x64xi32, #tpu.memory_space<vmem>> -> memref<8x64xi32, #tpu.memory_space<vmem>>
      %dma_wait3A_247 = arith.constant 0 : i32
      %dma_wait3A_248 = tpu.memref_slice %arg2[%run_scoped3A_24, %mul3A_2, %dma_wait3A_247] : memref<11x256x64xi32, #tpu.memory_space<hbm>> -> memref<1x8x64xi32, #tpu.memory_space<hbm>>
      %dma_wait3A_249 = tpu.memref_squeeze %dma_wait3A_248 : memref<1x8x64xi32, #tpu.memory_space<hbm>> -> memref<8x64xi32, #tpu.memory_space<hbm>>
      tpu.wait_dma2 semaphore(%run_scoped3A_223 : memref<!tpu.dma_semaphore, #tpu.memory_space<semaphore_mem>>) src(%dma_wait3A_249 : memref<8x64xi32, #tpu.memory_space<hbm>>) dst(%dma_wait3A_246 : memref<8x64xi32, #tpu.memory_space<vmem>>)
      tpu.yield
    }) : () -> ()
    %iota3A = tpu.iota {dimensions = array<i32: 0>} : vector<16xi32>
    %add3A_26 = arith.constant 0 : i32
    %add3A_27 = arith.addi %mul3A_4, %add3A_26 : i32
    %add3A_28 = arith.constant 0 : i32
    %add3A_29 = arith.addi %add3A_27, %add3A_28 : i32
    %add3A_30 = vector.broadcast %add3A_29 : i32 to vector<16xi32>
    %add3A_31 = arith.addi %add3A_30, %iota3A : vector<16xi32>
    %swap3A = arith.constant 0 : i32
    %swap3A_32 = arith.index_cast %swap3A : i32 to index
    %swap3A_33 = arith.constant 0 : index
    %swap3A_34 = tpu.vector_load %arg6[%swap3A_32, %swap3A_33] {strides = array<i32>} : memref<4x64xi32, #tpu.memory_space<vmem>>, vector<1x16xi32>,
    %swap3A_35 = vector.shape_cast %swap3A_34 : vector<1x16xi32> to vector<16xi32>
    %swap3A_36 = vector.shape_cast %add3A_31 : vector<16xi32> to vector<1x16xi32>
    tpu.vector_store %arg6[%swap3A_32, %swap3A_33], %swap3A_36 {strides = array<i32>} : memref<4x64xi32, #tpu.memory_space<vmem>>, vector<1x16xi32>,
    %add3A_37 = arith.constant 0 : i32
    %add3A_38 = arith.addi %mul3A_4, %add3A_37 : i32
    %add3A_39 = arith.constant 16 : i32
    %add3A_40 = arith.addi %add3A_38, %add3A_39 : i32
    %add3A_41 = vector.broadcast %add3A_40 : i32 to vector<16xi32>
    %add3A_42 = arith.addi %add3A_41, %iota3A : vector<16xi32>
    %swap3A_43 = arith.constant 0 : i32
    %swap3A_44 = arith.index_cast %swap3A_43 : i32 to index
    %swap3A_45 = arith.constant 16 : index
    %swap3A_46 = tpu.vector_load %arg6[%swap3A_44, %swap3A_45] {strides = array<i32>} : memref<4x64xi32, #tpu.memory_space<vmem>>, vector<1x16xi32>,
    %swap3A_47 = vector.shape_cast %swap3A_46 : vector<1x16xi32> to vector<16xi32>
    %swap3A_48 = vector.shape_cast %add3A_42 : vector<16xi32> to vector<1x16xi32>
    tpu.vector_store %arg6[%swap3A_44, %swap3A_45], %swap3A_48 {strides = array<i32>} : memref<4x64xi32, #tpu.memory_space<vmem>>, vector<1x16xi32>,
    %add3A_49 = arith.constant 0 : i32
    %add3A_50 = arith.addi %mul3A_4, %add3A_49 : i32
    %add3A_51 = arith.constant 32 : i32
    %add3A_52 = arith.addi %add3A_50, %add3A_51 : i32
    %add3A_53 = vector.broadcast %add3A_52 : i32 to vector<16xi32>
    %add3A_54 = arith.addi %add3A_53, %iota3A : vector<16xi32>
    %swap3A_55 = arith.constant 0 : i32
    %swap3A_56 = arith.index_cast %swap3A_55 : i32 to index
    %swap3A_57 = arith.constant 32 : index
    %swap3A_58 = tpu.vector_load %arg6[%swap3A_56, %swap3A_57] {strides = array<i32>} : memref<4x64xi32, #tpu.memory_space<vmem>>, vector<1x16xi32>,
    %swap3A_59 = vector.shape_cast %swap3A_58 : vector<1x16xi32> to vector<16xi32>
    %swap3A_60 = vector.shape_cast %add3A_54 : vector<16xi32> to vector<1x16xi32>
    tpu.vector_store %arg6[%swap3A_56, %swap3A_57], %swap3A_60 {strides = array<i32>} : memref<4x64xi32, #tpu.memory_space<vmem>>, vector<1x16xi32>,
    %add3A_61 = arith.constant 0 : i32
    %add3A_62 = arith.addi %mul3A_4, %add3A_61 : i32
    %add3A_63 = arith.constant 48 : i32
    %add3A_64 = arith.addi %add3A_62, %add3A_63 : i32
    %add3A_65 = vector.broadcast %add3A_64 : i32 to vector<16xi32>
    %add3A_66 = arith.addi %add3A_65, %iota3A : vector<16xi32>
    %swap3A_67 = arith.constant 0 : i32
    %swap3A_68 = arith.index_cast %swap3A_67 : i32 to index
    %swap3A_69 = arith.constant 48 : index
    %swap3A_70 = tpu.vector_load %arg6[%swap3A_68, %swap3A_69] {strides = array<i32>} : memref<4x64xi32, #tpu.memory_space<vmem>>, vector<1x16xi32>,
    %swap3A_71 = vector.shape_cast %swap3A_70 : vector<1x16xi32> to vector<16xi32>
    %swap3A_72 = vector.shape_cast %add3A_66 : vector<16xi32> to vector<1x16xi32>
    tpu.vector_store %arg6[%swap3A_68, %swap3A_69], %swap3A_72 {strides = array<i32>} : memref<4x64xi32, #tpu.memory_space<vmem>>, vector<1x16xi32>,
    %add3A_73 = arith.constant 64 : i32
    %add3A_74 = arith.addi %mul3A_4, %add3A_73 : i32
    %add3A_75 = arith.constant 0 : i32
    %add3A_76 = arith.addi %add3A_74, %add3A_75 : i32
    %add3A_77 = vector.broadcast %add3A_76 : i32 to vector<16xi32>
    %add3A_78 = arith.addi %add3A_77, %iota3A : vector<16xi32>
    %swap3A_79 = arith.constant 1 : i32
    %swap3A_80 = arith.index_cast %swap3A_79 : i32 to index
    %swap3A_81 = arith.constant 0 : index
    %swap3A_82 = tpu.vector_load %arg6[%swap3A_80, %swap3A_81] {strides = array<i32>} : memref<4x64xi32, #tpu.memory_space<vmem>>, vector<1x16xi32>,
    %swap3A_83 = vector.shape_cast %swap3A_82 : vector<1x16xi32> to vector<16xi32>
    %swap3A_84 = vector.shape_cast %add3A_78 : vector<16xi32> to vector<1x16xi32>
    tpu.vector_store %arg6[%swap3A_80, %swap3A_81], %swap3A_84 {strides = array<i32>} : memref<4x64xi32, #tpu.memory_space<vmem>>, vector<1x16xi32>,
    %add3A_85 = arith.constant 64 : i32
    %add3A_86 = arith.addi %mul3A_4, %add3A_85 : i32
    %add3A_87 = arith.constant 16 : i32
    %add3A_88 = arith.addi %add3A_86, %add3A_87 : i32
    %add3A_89 = vector.broadcast %add3A_88 : i32 to vector<16xi32>
    %add3A_90 = arith.addi %add3A_89, %iota3A : vector<16xi32>
    %swap3A_91 = arith.constant 1 : i32
    %swap3A_92 = arith.index_cast %swap3A_91 : i32 to index
    %swap3A_93 = arith.constant 16 : index
    %swap3A_94 = tpu.vector_load %arg6[%swap3A_92, %swap3A_93] {strides = array<i32>} : memref<4x64xi32, #tpu.memory_space<vmem>>, vector<1x16xi32>,
    %swap3A_95 = vector.shape_cast %swap3A_94 : vector<1x16xi32> to vector<16xi32>
    %swap3A_96 = vector.shape_cast %add3A_90 : vector<16xi32> to vector<1x16xi32>
    tpu.vector_store %arg6[%swap3A_92, %swap3A_93], %swap3A_96 {strides = array<i32>} : memref<4x64xi32, #tpu.memory_space<vmem>>, vector<1x16xi32>,
    %add3A_97 = arith.constant 64 : i32
    %add3A_98 = arith.addi %mul3A_4, %add3A_97 : i32
    %add3A_99 = arith.constant 32 : i32
    %add3A_100 = arith.addi %add3A_98, %add3A_99 : i32
    %add3A_101 = vector.broadcast %add3A_100 : i32 to vector<16xi32>
    %add3A_102 = arith.addi %add3A_101, %iota3A : vector<16xi32>
    %swap3A_103 = arith.constant 1 : i32
    %swap3A_104 = arith.index_cast %swap3A_103 : i32 to index
    %swap3A_105 = arith.constant 32 : index
    %swap3A_106 = tpu.vector_load %arg6[%swap3A_104, %swap3A_105] {strides = array<i32>} : memref<4x64xi32, #tpu.memory_space<vmem>>, vector<1x16xi32>,
    %swap3A_107 = vector.shape_cast %swap3A_106 : vector<1x16xi32> to vector<16xi32>
    %swap3A_108 = vector.shape_cast %add3A_102 : vector<16xi32> to vector<1x16xi32>
    tpu.vector_store %arg6[%swap3A_104, %swap3A_105], %swap3A_108 {strides = array<i32>} : memref<4x64xi32, #tpu.memory_space<vmem>>, vector<1x16xi32>,
    %add3A_109 = arith.constant 64 : i32
    %add3A_110 = arith.addi %mul3A_4, %add3A_109 : i32
    %add3A_111 = arith.constant 48 : i32
    %add3A_112 = arith.addi %add3A_110, %add3A_111 : i32
    %add3A_113 = vector.broadcast %add3A_112 : i32 to vector<16xi32>
    %add3A_114 = arith.addi %add3A_113, %iota3A : vector<16xi32>
    %swap3A_115 = arith.constant 1 : i32
    %swap3A_116 = arith.index_cast %swap3A_115 : i32 to index
    %swap3A_117 = arith.constant 48 : index
    %swap3A_118 = tpu.vector_load %arg6[%swap3A_116, %swap3A_117] {strides = array<i32>} : memref<4x64xi32, #tpu.memory_space<vmem>>, vector<1x16xi32>,
    %swap3A_119 = vector.shape_cast %swap3A_118 : vector<1x16xi32> to vector<16xi32>
    %swap3A_120 = vector.shape_cast %add3A_114 : vector<16xi32> to vector<1x16xi32>
    tpu.vector_store %arg6[%swap3A_116, %swap3A_117], %swap3A_120 {strides = array<i32>} : memref<4x64xi32, #tpu.memory_space<vmem>>, vector<1x16xi32>,
    %add3A_121 = arith.constant 128 : i32
    %add3A_122 = arith.addi %mul3A_4, %add3A_121 : i32
    %add3A_123 = arith.constant 0 : i32
    %add3A_124 = arith.addi %add3A_122, %add3A_123 : i32
    %add3A_125 = vector.broadcast %add3A_124 : i32 to vector<16xi32>
    %add3A_126 = arith.addi %add3A_125, %iota3A : vector<16xi32>
    %swap3A_127 = arith.constant 2 : i32
    %swap3A_128 = arith.index_cast %swap3A_127 : i32 to index
    %swap3A_129 = arith.constant 0 : index
    %swap3A_130 = tpu.vector_load %arg6[%swap3A_128, %swap3A_129] {strides = array<i32>} : memref<4x64xi32, #tpu.memory_space<vmem>>, vector<1x16xi32>,
    %swap3A_131 = vector.shape_cast %swap3A_130 : vector<1x16xi32> to vector<16xi32>
    %swap3A_132 = vector.shape_cast %add3A_126 : vector<16xi32> to vector<1x16xi32>
    tpu.vector_store %arg6[%swap3A_128, %swap3A_129], %swap3A_132 {strides = array<i32>} : memref<4x64xi32, #tpu.memory_space<vmem>>, vector<1x16xi32>,
    %add3A_133 = arith.constant 128 : i32
    %add3A_134 = arith.addi %mul3A_4, %add3A_133 : i32
    %add3A_135 = arith.constant 16 : i32
    %add3A_136 = arith.addi %add3A_134, %add3A_135 : i32
    %add3A_137 = vector.broadcast %add3A_136 : i32 to vector<16xi32>
    %add3A_138 = arith.addi %add3A_137, %iota3A : vector<16xi32>
    %swap3A_139 = arith.constant 2 : i32
    %swap3A_140 = arith.index_cast %swap3A_139 : i32 to index
    %swap3A_141 = arith.constant 16 : index
    %swap3A_142 = tpu.vector_load %arg6[%swap3A_140, %swap3A_141] {strides = array<i32>} : memref<4x64xi32, #tpu.memory_space<vmem>>, vector<1x16xi32>,
    %swap3A_143 = vector.shape_cast %swap3A_142 : vector<1x16xi32> to vector<16xi32>
    %swap3A_144 = vector.shape_cast %add3A_138 : vector<16xi32> to vector<1x16xi32>
    tpu.vector_store %arg6[%swap3A_140, %swap3A_141], %swap3A_144 {strides = array<i32>} : memref<4x64xi32, #tpu.memory_space<vmem>>, vector<1x16xi32>,
    %add3A_145 = arith.constant 128 : i32
    %add3A_146 = arith.addi %mul3A_4, %add3A_145 : i32
    %add3A_147 = arith.constant 32 : i32
    %add3A_148 = arith.addi %add3A_146, %add3A_147 : i32
    %add3A_149 = vector.broadcast %add3A_148 : i32 to vector<16xi32>
    %add3A_150 = arith.addi %add3A_149, %iota3A : vector<16xi32>
    %swap3A_151 = arith.constant 2 : i32
    %swap3A_152 = arith.index_cast %swap3A_151 : i32 to index
    %swap3A_153 = arith.constant 32 : index
    %swap3A_154 = tpu.vector_load %arg6[%swap3A_152, %swap3A_153] {strides = array<i32>} : memref<4x64xi32, #tpu.memory_space<vmem>>, vector<1x16xi32>,
    %swap3A_155 = vector.shape_cast %swap3A_154 : vector<1x16xi32> to vector<16xi32>
    %swap3A_156 = vector.shape_cast %add3A_150 : vector<16xi32> to vector<1x16xi32>
    tpu.vector_store %arg6[%swap3A_152, %swap3A_153], %swap3A_156 {strides = array<i32>} : memref<4x64xi32, #tpu.memory_space<vmem>>, vector<1x16xi32>,
    %add3A_157 = arith.constant 128 : i32
    %add3A_158 = arith.addi %mul3A_4, %add3A_157 : i32
    %add3A_159 = arith.constant 48 : i32
    %add3A_160 = arith.addi %add3A_158, %add3A_159 : i32
    %add3A_161 = vector.broadcast %add3A_160 : i32 to vector<16xi32>
    %add3A_162 = arith.addi %add3A_161, %iota3A : vector<16xi32>
    %swap3A_163 = arith.constant 2 : i32
    %swap3A_164 = arith.index_cast %swap3A_163 : i32 to index
    %swap3A_165 = arith.constant 48 : index
    %swap3A_166 = tpu.vector_load %arg6[%swap3A_164, %swap3A_165] {strides = array<i32>} : memref<4x64xi32, #tpu.memory_space<vmem>>, vector<1x16xi32>,
    %swap3A_167 = vector.shape_cast %swap3A_166 : vector<1x16xi32> to vector<16xi32>
    %swap3A_168 = vector.shape_cast %add3A_162 : vector<16xi32> to vector<1x16xi32>
    tpu.vector_store %arg6[%swap3A_164, %swap3A_165], %swap3A_168 {strides = array<i32>} : memref<4x64xi32, #tpu.memory_space<vmem>>, vector<1x16xi32>,
    %add3A_169 = arith.constant 192 : i32
    %add3A_170 = arith.addi %mul3A_4, %add3A_169 : i32
    %add3A_171 = arith.constant 0 : i32
    %add3A_172 = arith.addi %add3A_170, %add3A_171 : i32
    %add3A_173 = vector.broadcast %add3A_172 : i32 to vector<16xi32>
    %add3A_174 = arith.addi %add3A_173, %iota3A : vector<16xi32>
    %swap3A_175 = arith.constant 3 : i32
    %swap3A_176 = arith.index_cast %swap3A_175 : i32 to index
    %swap3A_177 = arith.constant 0 : index
    %swap3A_178 = tpu.vector_load %arg6[%swap3A_176, %swap3A_177] {strides = array<i32>} : memref<4x64xi32, #tpu.memory_space<vmem>>, vector<1x16xi32>,
    %swap3A_179 = vector.shape_cast %swap3A_178 : vector<1x16xi32> to vector<16xi32>
    %swap3A_180 = vector.shape_cast %add3A_174 : vector<16xi32> to vector<1x16xi32>
    tpu.vector_store %arg6[%swap3A_176, %swap3A_177], %swap3A_180 {strides = array<i32>} : memref<4x64xi32, #tpu.memory_space<vmem>>, vector<1x16xi32>,
    %add3A_181 = arith.constant 192 : i32
    %add3A_182 = arith.addi %mul3A_4, %add3A_181 : i32
    %add3A_183 = arith.constant 16 : i32
    %add3A_184 = arith.addi %add3A_182, %add3A_183 : i32
    %add3A_185 = vector.broadcast %add3A_184 : i32 to vector<16xi32>
    %add3A_186 = arith.addi %add3A_185, %iota3A : vector<16xi32>
    %swap3A_187 = arith.constant 3 : i32
    %swap3A_188 = arith.index_cast %swap3A_187 : i32 to index
    %swap3A_189 = arith.constant 16 : index
    %swap3A_190 = tpu.vector_load %arg6[%swap3A_188, %swap3A_189] {strides = array<i32>} : memref<4x64xi32, #tpu.memory_space<vmem>>, vector<1x16xi32>,
    %swap3A_191 = vector.shape_cast %swap3A_190 : vector<1x16xi32> to vector<16xi32>
    %swap3A_192 = vector.shape_cast %add3A_186 : vector<16xi32> to vector<1x16xi32>
    tpu.vector_store %arg6[%swap3A_188, %swap3A_189], %swap3A_192 {strides = array<i32>} : memref<4x64xi32, #tpu.memory_space<vmem>>, vector<1x16xi32>,
    %add3A_193 = arith.constant 192 : i32
    %add3A_194 = arith.addi %mul3A_4, %add3A_193 : i32
    %add3A_195 = arith.constant 32 : i32
    %add3A_196 = arith.addi %add3A_194, %add3A_195 : i32
    %add3A_197 = vector.broadcast %add3A_196 : i32 to vector<16xi32>
    %add3A_198 = arith.addi %add3A_197, %iota3A : vector<16xi32>
    %swap3A_199 = arith.constant 3 : i32
    %swap3A_200 = arith.index_cast %swap3A_199 : i32 to index
    %swap3A_201 = arith.constant 32 : index
    %swap3A_202 = tpu.vector_load %arg6[%swap3A_200, %swap3A_201] {strides = array<i32>} : memref<4x64xi32, #tpu.memory_space<vmem>>, vector<1x16xi32>,
    %swap3A_203 = vector.shape_cast %swap3A_202 : vector<1x16xi32> to vector<16xi32>
    %swap3A_204 = vector.shape_cast %add3A_198 : vector<16xi32> to vector<1x16xi32>
    tpu.vector_store %arg6[%swap3A_200, %swap3A_201], %swap3A_204 {strides = array<i32>} : memref<4x64xi32, #tpu.memory_space<vmem>>, vector<1x16xi32>,
    %add3A_205 = arith.constant 192 : i32
    %add3A_206 = arith.addi %mul3A_4, %add3A_205 : i32
    %add3A_207 = arith.constant 48 : i32
    %add3A_208 = arith.addi %add3A_206, %add3A_207 : i32
    %add3A_209 = vector.broadcast %add3A_208 : i32 to vector<16xi32>
    %add3A_210 = arith.addi %add3A_209, %iota3A : vector<16xi32>
    %swap3A_211 = arith.constant 3 : i32
    %swap3A_212 = arith.index_cast %swap3A_211 : i32 to index
    %swap3A_213 = arith.constant 48 : index
    %swap3A_214 = tpu.vector_load %arg6[%swap3A_212, %swap3A_213] {strides = array<i32>} : memref<4x64xi32, #tpu.memory_space<vmem>>, vector<1x16xi32>,
    %swap3A_215 = vector.shape_cast %swap3A_214 : vector<1x16xi32> to vector<16xi32>
    %swap3A_216 = vector.shape_cast %add3A_210 : vector<16xi32> to vector<1x16xi32>
    tpu.vector_store %arg6[%swap3A_212, %swap3A_213], %swap3A_216 {strides = array<i32>} : memref<4x64xi32, #tpu.memory_space<vmem>>, vector<1x16xi32>,
    %scan3A = arith.constant 0 : i32
    %scan3A_217 = arith.constant 0 : i32
    %scan3A_218 = arith.constant 2 : i32
    %scan3A_219 = arith.addi %scan3A_217, %scan3A_218 : i32
    %scan3A_220 = arith.constant 1 : i32
    %scan3A_221 = scf.for %scan3A_223 = %scan3A_217 to %scan3A_219 step %scan3A_220 iter_args(%scan3A_224 = %scan3A) -> (i32)  : i32 {
      %mul3A_225 = arith.constant 4 : i32
      %mul3A_226 = arith.muli %scan3A_223, %mul3A_225 : i32
      %add3A_227 = arith.constant 0 : i32
      %add3A_228 = arith.addi %mul3A_226, %add3A_227 : i32
      %mul3A_229 = arith.constant 4 : i32
      %mul3A_230 = arith.muli %scan3A_223, %mul3A_229 : i32
      %add3A_231 = arith.constant 1 : i32
      %add3A_232 = arith.addi %mul3A_230, %add3A_231 : i32
      %mul3A_233 = arith.constant 4 : i32
      %mul3A_234 = arith.muli %scan3A_223, %mul3A_233 : i32
      %add3A_235 = arith.constant 2 : i32
      %add3A_236 = arith.addi %mul3A_234, %add3A_235 : i32
      %mul3A_237 = arith.constant 4 : i32
      %mul3A_238 = arith.muli %scan3A_223, %mul3A_237 : i32
      %add3A_239 = arith.constant 3 : i32
      %add3A_240 = arith.addi %mul3A_238, %add3A_239 : i32
      %dma_start3A = arith.constant 0 : i32
      %dma_start3A_241 = arith.constant 0 : i32
      %dma_start3A_242 = tpu.memref_slice %arg5[%dma_start3A, %add3A_228, %dma_start3A_241] : memref<11x8x64xi32, #tpu.memory_space<vmem>> -> memref<1x1x64xi32, #tpu.memory_space<vmem>>
      %dma_start3A_243 = tpu.memref_squeeze %dma_start3A_242 : memref<1x1x64xi32, #tpu.memory_space<vmem>> -> memref<64xi32, #tpu.memory_space<vmem>>
      %dma_start3A_244 = arith.constant 0 : i32
      %dma_start3A_245 = arith.constant 0 : i32
      %dma_start3A_246 = tpu.memref_slice %arg3[%dma_start3A_244, %dma_start3A_245] : memref<100000x128xf32, #tpu.memory_space<hbm>> -> memref<100000x128xf32, #tpu.memory_space<hbm>>
      tpu.enqueue_indirect_dma source(%dma_start3A_246 : memref<100000x128xf32, #tpu.memory_space<hbm>>) target(%arg7 : memref<64x128xf32, #tpu.memory_space<vmem>>) offsets(%dma_start3A_243 : memref<64xi32, #tpu.memory_space<vmem>>) semaphore(%arg15 : memref<!tpu.dma_semaphore, #tpu.memory_space<semaphore_mem>>)
      %dma_start3A_247 = arith.constant 0 : i32
      %dma_start3A_248 = arith.constant 0 : i32
      %dma_start3A_249 = tpu.memref_slice %arg5[%dma_start3A_247, %add3A_232, %dma_start3A_248] : memref<11x8x64xi32, #tpu.memory_space<vmem>> -> memref<1x1x64xi32, #tpu.memory_space<vmem>>
      %dma_start3A_250 = tpu.memref_squeeze %dma_start3A_249 : memref<1x1x64xi32, #tpu.memory_space<vmem>> -> memref<64xi32, #tpu.memory_space<vmem>>
      %dma_start3A_251 = arith.constant 0 : i32
      %dma_start3A_252 = arith.constant 0 : i32
      %dma_start3A_253 = tpu.memref_slice %arg3[%dma_start3A_251, %dma_start3A_252] : memref<100000x128xf32, #tpu.memory_space<hbm>> -> memref<100000x128xf32, #tpu.memory_space<hbm>>
      tpu.enqueue_indirect_dma source(%dma_start3A_253 : memref<100000x128xf32, #tpu.memory_space<hbm>>) target(%arg8 : memref<64x128xf32, #tpu.memory_space<vmem>>) offsets(%dma_start3A_250 : memref<64xi32, #tpu.memory_space<vmem>>) semaphore(%arg16 : memref<!tpu.dma_semaphore, #tpu.memory_space<semaphore_mem>>)
      %dma_start3A_254 = arith.constant 0 : i32
      %dma_start3A_255 = arith.constant 0 : i32
      %dma_start3A_256 = tpu.memref_slice %arg5[%dma_start3A_254, %add3A_236, %dma_start3A_255] : memref<11x8x64xi32, #tpu.memory_space<vmem>> -> memref<1x1x64xi32, #tpu.memory_space<vmem>>
      %dma_start3A_257 = tpu.memref_squeeze %dma_start3A_256 : memref<1x1x64xi32, #tpu.memory_space<vmem>> -> memref<64xi32, #tpu.memory_space<vmem>>
      %dma_start3A_258 = arith.constant 0 : i32
      %dma_start3A_259 = arith.constant 0 : i32
      %dma_start3A_260 = tpu.memref_slice %arg3[%dma_start3A_258, %dma_start3A_259] : memref<100000x128xf32, #tpu.memory_space<hbm>> -> memref<100000x128xf32, #tpu.memory_space<hbm>>
      tpu.enqueue_indirect_dma source(%dma_start3A_260 : memref<100000x128xf32, #tpu.memory_space<hbm>>) target(%arg9 : memref<64x128xf32, #tpu.memory_space<vmem>>) offsets(%dma_start3A_257 : memref<64xi32, #tpu.memory_space<vmem>>) semaphore(%arg17 : memref<!tpu.dma_semaphore, #tpu.memory_space<semaphore_mem>>)
      %dma_start3A_261 = arith.constant 0 : i32
      %dma_start3A_262 = arith.constant 0 : i32
      %dma_start3A_263 = tpu.memref_slice %arg5[%dma_start3A_261, %add3A_240, %dma_start3A_262] : memref<11x8x64xi32, #tpu.memory_space<vmem>> -> memref<1x1x64xi32, #tpu.memory_space<vmem>>
      %dma_start3A_264 = tpu.memref_squeeze %dma_start3A_263 : memref<1x1x64xi32, #tpu.memory_space<vmem>> -> memref<64xi32, #tpu.memory_space<vmem>>
      %dma_start3A_265 = arith.constant 0 : i32
      %dma_start3A_266 = arith.constant 0 : i32
      %dma_start3A_267 = tpu.memref_slice %arg3[%dma_start3A_265, %dma_start3A_266] : memref<100000x128xf32, #tpu.memory_space<hbm>> -> memref<100000x128xf32, #tpu.memory_space<hbm>>
      tpu.enqueue_indirect_dma source(%dma_start3A_267 : memref<100000x128xf32, #tpu.memory_space<hbm>>) target(%arg10 : memref<64x128xf32, #tpu.memory_space<vmem>>) offsets(%dma_start3A_264 : memref<64xi32, #tpu.memory_space<vmem>>) semaphore(%arg18 : memref<!tpu.dma_semaphore, #tpu.memory_space<semaphore_mem>>)
      %dma_start3A_268 = arith.constant 1 : i32
      %dma_start3A_269 = arith.constant 0 : i32
      %dma_start3A_270 = tpu.memref_slice %arg5[%dma_start3A_268, %add3A_228, %dma_start3A_269] : memref<11x8x64xi32, #tpu.memory_space<vmem>> -> memref<1x1x64xi32, #tpu.memory_space<vmem>>
      %dma_start3A_271 = tpu.memref_squeeze %dma_start3A_270 : memref<1x1x64xi32, #tpu.memory_space<vmem>> -> memref<64xi32, #tpu.memory_space<vmem>>
      %dma_start3A_272 = arith.constant 0 : i32
      %dma_start3A_273 = arith.constant 0 : i32
      %dma_start3A_274 = tpu.memref_slice %arg3[%dma_start3A_272, %dma_start3A_273] : memref<100000x128xf32, #tpu.memory_space<hbm>> -> memref<100000x128xf32, #tpu.memory_space<hbm>>
      tpu.enqueue_indirect_dma source(%dma_start3A_274 : memref<100000x128xf32, #tpu.memory_space<hbm>>) target(%arg11 : memref<64x128xf32, #tpu.memory_space<vmem>>) offsets(%dma_start3A_271 : memref<64xi32, #tpu.memory_space<vmem>>) semaphore(%arg19 : memref<!tpu.dma_semaphore, #tpu.memory_space<semaphore_mem>>)
      %dma_start3A_275 = arith.constant 1 : i32
      %dma_start3A_276 = arith.constant 0 : i32
      %dma_start3A_277 = tpu.memref_slice %arg5[%dma_start3A_275, %add3A_232, %dma_start3A_276] : memref<11x8x64xi32, #tpu.memory_space<vmem>> -> memref<1x1x64xi32, #tpu.memory_space<vmem>>
      %dma_start3A_278 = tpu.memref_squeeze %dma_start3A_277 : memref<1x1x64xi32, #tpu.memory_space<vmem>> -> memref<64xi32, #tpu.memory_space<vmem>>
      %dma_start3A_279 = arith.constant 0 : i32
      %dma_start3A_280 = arith.constant 0 : i32
      %dma_start3A_281 = tpu.memref_slice %arg3[%dma_start3A_279, %dma_start3A_280] : memref<100000x128xf32, #tpu.memory_space<hbm>> -> memref<100000x128xf32, #tpu.memory_space<hbm>>
      tpu.enqueue_indirect_dma source(%dma_start3A_281 : memref<100000x128xf32, #tpu.memory_space<hbm>>) target(%arg12 : memref<64x128xf32, #tpu.memory_space<vmem>>) offsets(%dma_start3A_278 : memref<64xi32, #tpu.memory_space<vmem>>) semaphore(%arg20 : memref<!tpu.dma_semaphore, #tpu.memory_space<semaphore_mem>>)
      %dma_start3A_282 = arith.constant 1 : i32
      %dma_start3A_283 = arith.constant 0 : i32
      %dma_start3A_284 = tpu.memref_slice %arg5[%dma_start3A_282, %add3A_236, %dma_start3A_283] : memref<11x8x64xi32, #tpu.memory_space<vmem>> -> memref<1x1x64xi32, #tpu.memory_space<vmem>>
      %dma_start3A_285 = tpu.memref_squeeze %dma_start3A_284 : memref<1x1x64xi32, #tpu.memory_space<vmem>> -> memref<64xi32, #tpu.memory_space<vmem>>
      %dma_start3A_286 = arith.constant 0 : i32
      %dma_start3A_287 = arith.constant 0 : i32
      %dma_start3A_288 = tpu.memref_slice %arg3[%dma_start3A_286, %dma_start3A_287] : memref<100000x128xf32, #tpu.memory_space<hbm>> -> memref<100000x128xf32, #tpu.memory_space<hbm>>
      tpu.enqueue_indirect_dma source(%dma_start3A_288 : memref<100000x128xf32, #tpu.memory_space<hbm>>) target(%arg13 : memref<64x128xf32, #tpu.memory_space<vmem>>) offsets(%dma_start3A_285 : memref<64xi32, #tpu.memory_space<vmem>>) semaphore(%arg21 : memref<!tpu.dma_semaphore, #tpu.memory_space<semaphore_mem>>)
      %dma_start3A_289 = arith.constant 1 : i32
      %dma_start3A_290 = arith.constant 0 : i32
      %dma_start3A_291 = tpu.memref_slice %arg5[%dma_start3A_289, %add3A_240, %dma_start3A_290] : memref<11x8x64xi32, #tpu.memory_space<vmem>> -> memref<1x1x64xi32, #tpu.memory_space<vmem>>
      %dma_start3A_292 = tpu.memref_squeeze %dma_start3A_291 : memref<1x1x64xi32, #tpu.memory_space<vmem>> -> memref<64xi32, #tpu.memory_space<vmem>>
      %dma_start3A_293 = arith.constant 0 : i32
      %dma_start3A_294 = arith.constant 0 : i32
      %dma_start3A_295 = tpu.memref_slice %arg3[%dma_start3A_293, %dma_start3A_294] : memref<100000x128xf32, #tpu.memory_space<hbm>> -> memref<100000x128xf32, #tpu.memory_space<hbm>>
      tpu.enqueue_indirect_dma source(%dma_start3A_295 : memref<100000x128xf32, #tpu.memory_space<hbm>>) target(%arg14 : memref<64x128xf32, #tpu.memory_space<vmem>>) offsets(%dma_start3A_292 : memref<64xi32, #tpu.memory_space<vmem>>) semaphore(%arg22 : memref<!tpu.dma_semaphore, #tpu.memory_space<semaphore_mem>>)
      %dma_wait3A = arith.constant 0 : i32
      %dma_wait3A_296 = arith.constant 0 : i32
      %dma_wait3A_297 = arith.constant 0 : i32
      %dma_wait3A_298 = tpu.memref_slice %arg5[%dma_wait3A, %dma_wait3A_296, %dma_wait3A_297] : memref<11x8x64xi32, #tpu.memory_space<vmem>> -> memref<1x1x64xi32, #tpu.memory_space<vmem>>
      %dma_wait3A_299 = tpu.memref_squeeze %dma_wait3A_298 : memref<1x1x64xi32, #tpu.memory_space<vmem>> -> memref<64xi32, #tpu.memory_space<vmem>>
      %dma_wait3A_300 = arith.constant 0 : i32
      %dma_wait3A_301 = arith.constant 0 : i32
      %dma_wait3A_302 = tpu.memref_slice %arg3[%dma_wait3A_300, %dma_wait3A_301] : memref<100000x128xf32, #tpu.memory_space<hbm>> -> memref<100000x128xf32, #tpu.memory_space<hbm>>
      tpu.wait_indirect_dma semaphore(%arg15 : memref<!tpu.dma_semaphore, #tpu.memory_space<semaphore_mem>>) src(%dma_wait3A_302 : memref<100000x128xf32, #tpu.memory_space<hbm>>) dst(%arg7 : memref<64x128xf32, #tpu.memory_space<vmem>>)
      %add3A_303 = arith.constant 0 : i32
      %add3A_304 = arith.addi %mul3A_4, %add3A_303 : i32
      "tpu.region"() ({
        %run_scoped3A_460 = tpu.sem_alloc : memref<!tpu.dma_semaphore, #tpu.memory_space<semaphore_mem>>
        %dma_start3A_461 = arith.constant 0 : i32
        %dma_start3A_462 = tpu.memref_slice %arg23[%add3A_304, %dma_start3A_461] : memref<4096x128xf32, #tpu.memory_space<vmem_shared>> -> memref<64x128xf32, #tpu.memory_space<vmem_shared>>
        %dma_start3A_463 = arith.constant 0 : i32
        %dma_start3A_464 = tpu.memref_slice %arg23[%add3A_304, %dma_start3A_463] : memref<4096x128xf32, #tpu.memory_space<vmem_shared>> -> memref<64x128xf32, #tpu.memory_space<vmem_shared>>
        tpu.enqueue_dma source(%arg7 : memref<64x128xf32, #tpu.memory_space<vmem>>) target(%dma_start3A_464 : memref<64x128xf32, #tpu.memory_space<vmem_shared>>) target_semaphore(%run_scoped3A_460 : memref<!tpu.dma_semaphore, #tpu.memory_space<semaphore_mem>>)
        %dma_wait3A_465 = arith.constant 0 : i32
        %dma_wait3A_466 = tpu.memref_slice %arg23[%add3A_304, %dma_wait3A_465] : memref<4096x128xf32, #tpu.memory_space<vmem_shared>> -> memref<64x128xf32, #tpu.memory_space<vmem_shared>>
        %dma_wait3A_467 = arith.constant 0 : i32
        %dma_wait3A_468 = tpu.memref_slice %arg23[%add3A_304, %dma_wait3A_467] : memref<4096x128xf32, #tpu.memory_space<vmem_shared>> -> memref<64x128xf32, #tpu.memory_space<vmem_shared>>
        tpu.wait_dma2 semaphore(%run_scoped3A_460 : memref<!tpu.dma_semaphore, #tpu.memory_space<semaphore_mem>>) src(%arg7 : memref<64x128xf32, #tpu.memory_space<vmem>>) dst(%dma_wait3A_468 : memref<64x128xf32, #tpu.memory_space<vmem_shared>>)
        tpu.yield
      }) : () -> ()
      %dma_start3A_305 = arith.constant 2 : i32
      %dma_start3A_306 = arith.constant 0 : i32
      %dma_start3A_307 = tpu.memref_slice %arg5[%dma_start3A_305, %add3A_228, %dma_start3A_306] : memref<11x8x64xi32, #tpu.memory_space<vmem>> -> memref<1x1x64xi32, #tpu.memory_space<vmem>>
      %dma_start3A_308 = tpu.memref_squeeze %dma_start3A_307 : memref<1x1x64xi32, #tpu.memory_space<vmem>> -> memref<64xi32, #tpu.memory_space<vmem>>
      %dma_start3A_309 = arith.constant 0 : i32
      %dma_start3A_310 = arith.constant 0 : i32
      %dma_start3A_311 = tpu.memref_slice %arg3[%dma_start3A_309, %dma_start3A_310] : memref<100000x128xf32, #tpu.memory_space<hbm>> -> memref<100000x128xf32, #tpu.memory_space<hbm>>
      tpu.enqueue_indirect_dma source(%dma_start3A_311 : memref<100000x128xf32, #tpu.memory_space<hbm>>) target(%arg7 : memref<64x128xf32, #tpu.memory_space<vmem>>) offsets(%dma_start3A_308 : memref<64xi32, #tpu.memory_space<vmem>>) semaphore(%arg15 : memref<!tpu.dma_semaphore, #tpu.memory_space<semaphore_mem>>)
      %dma_wait3A_312 = arith.constant 0 : i32
      %dma_wait3A_313 = arith.constant 0 : i32
      %dma_wait3A_314 = arith.constant 0 : i32
      %dma_wait3A_315 = tpu.memref_slice %arg5[%dma_wait3A_312, %dma_wait3A_313, %dma_wait3A_314] : memref<11x8x64xi32, #tpu.memory_space<vmem>> -> memref<1x1x64xi32, #tpu.memory_space<vmem>>
      %dma_wait3A_316 = tpu.memref_squeeze %dma_wait3A_315 : memref<1x1x64xi32, #tpu.memory_space<vmem>> -> memref<64xi32, #tpu.memory_space<vmem>>
      %dma_wait3A_317 = arith.constant 0 : i32
      %dma_wait3A_318 = arith.constant 0 : i32
      %dma_wait3A_319 = tpu.memref_slice %arg3[%dma_wait3A_317, %dma_wait3A_318] : memref<100000x128xf32, #tpu.memory_space<hbm>> -> memref<100000x128xf32, #tpu.memory_space<hbm>>
      tpu.wait_indirect_dma semaphore(%arg16 : memref<!tpu.dma_semaphore, #tpu.memory_space<semaphore_mem>>) src(%dma_wait3A_319 : memref<100000x128xf32, #tpu.memory_space<hbm>>) dst(%arg8 : memref<64x128xf32, #tpu.memory_space<vmem>>)
      %add3A_320 = arith.constant 64 : i32
      %add3A_321 = arith.addi %mul3A_4, %add3A_320 : i32
      "tpu.region"() ({
        %run_scoped3A_460 = tpu.sem_alloc : memref<!tpu.dma_semaphore, #tpu.memory_space<semaphore_mem>>
        %dma_start3A_461 = arith.constant 0 : i32
        %dma_start3A_462 = tpu.memref_slice %arg23[%add3A_321, %dma_start3A_461] : memref<4096x128xf32, #tpu.memory_space<vmem_shared>> -> memref<64x128xf32, #tpu.memory_space<vmem_shared>>
        %dma_start3A_463 = arith.constant 0 : i32
        %dma_start3A_464 = tpu.memref_slice %arg23[%add3A_321, %dma_start3A_463] : memref<4096x128xf32, #tpu.memory_space<vmem_shared>> -> memref<64x128xf32, #tpu.memory_space<vmem_shared>>
        tpu.enqueue_dma source(%arg8 : memref<64x128xf32, #tpu.memory_space<vmem>>) target(%dma_start3A_464 : memref<64x128xf32, #tpu.memory_space<vmem_shared>>) target_semaphore(%run_scoped3A_460 : memref<!tpu.dma_semaphore, #tpu.memory_space<semaphore_mem>>)
        %dma_wait3A_465 = arith.constant 0 : i32
        %dma_wait3A_466 = tpu.memref_slice %arg23[%add3A_321, %dma_wait3A_465] : memref<4096x128xf32, #tpu.memory_space<vmem_shared>> -> memref<64x128xf32, #tpu.memory_space<vmem_shared>>
        %dma_wait3A_467 = arith.constant 0 : i32
        %dma_wait3A_468 = tpu.memref_slice %arg23[%add3A_321, %dma_wait3A_467] : memref<4096x128xf32, #tpu.memory_space<vmem_shared>> -> memref<64x128xf32, #tpu.memory_space<vmem_shared>>
        tpu.wait_dma2 semaphore(%run_scoped3A_460 : memref<!tpu.dma_semaphore, #tpu.memory_space<semaphore_mem>>) src(%arg8 : memref<64x128xf32, #tpu.memory_space<vmem>>) dst(%dma_wait3A_468 : memref<64x128xf32, #tpu.memory_space<vmem_shared>>)
        tpu.yield
      }) : () -> ()
      %dma_start3A_322 = arith.constant 2 : i32
      %dma_start3A_323 = arith.constant 0 : i32
      %dma_start3A_324 = tpu.memref_slice %arg5[%dma_start3A_322, %add3A_232, %dma_start3A_323] : memref<11x8x64xi32, #tpu.memory_space<vmem>> -> memref<1x1x64xi32, #tpu.memory_space<vmem>>
      %dma_start3A_325 = tpu.memref_squeeze %dma_start3A_324 : memref<1x1x64xi32, #tpu.memory_space<vmem>> -> memref<64xi32, #tpu.memory_space<vmem>>
      %dma_start3A_326 = arith.constant 0 : i32
      %dma_start3A_327 = arith.constant 0 : i32
      %dma_start3A_328 = tpu.memref_slice %arg3[%dma_start3A_326, %dma_start3A_327] : memref<100000x128xf32, #tpu.memory_space<hbm>> -> memref<100000x128xf32, #tpu.memory_space<hbm>>
      tpu.enqueue_indirect_dma source(%dma_start3A_328 : memref<100000x128xf32, #tpu.memory_space<hbm>>) target(%arg8 : memref<64x128xf32, #tpu.memory_space<vmem>>) offsets(%dma_start3A_325 : memref<64xi32, #tpu.memory_space<vmem>>) semaphore(%arg16 : memref<!tpu.dma_semaphore, #tpu.memory_space<semaphore_mem>>)
      %dma_wait3A_329 = arith.constant 0 : i32
      %dma_wait3A_330 = arith.constant 0 : i32
      %dma_wait3A_331 = arith.constant 0 : i32
      %dma_wait3A_332 = tpu.memref_slice %arg5[%dma_wait3A_329, %dma_wait3A_330, %dma_wait3A_331] : memref<11x8x64xi32, #tpu.memory_space<vmem>> -> memref<1x1x64xi32, #tpu.memory_space<vmem>>
      %dma_wait3A_333 = tpu.memref_squeeze %dma_wait3A_332 : memref<1x1x64xi32, #tpu.memory_space<vmem>> -> memref<64xi32, #tpu.memory_space<vmem>>
      %dma_wait3A_334 = arith.constant 0 : i32
      %dma_wait3A_335 = arith.constant 0 : i32
      %dma_wait3A_336 = tpu.memref_slice %arg3[%dma_wait3A_334, %dma_wait3A_335] : memref<100000x128xf32, #tpu.memory_space<hbm>> -> memref<100000x128xf32, #tpu.memory_space<hbm>>
      tpu.wait_indirect_dma semaphore(%arg17 : memref<!tpu.dma_semaphore, #tpu.memory_space<semaphore_mem>>) src(%dma_wait3A_336 : memref<100000x128xf32, #tpu.memory_space<hbm>>) dst(%arg9 : memref<64x128xf32, #tpu.memory_space<vmem>>)
      %add3A_337 = arith.constant 128 : i32
      %add3A_338 = arith.addi %mul3A_4, %add3A_337 : i32
      "tpu.region"() ({
        %run_scoped3A_460 = tpu.sem_alloc : memref<!tpu.dma_semaphore, #tpu.memory_space<semaphore_mem>>
        %dma_start3A_461 = arith.constant 0 : i32
        %dma_start3A_462 = tpu.memref_slice %arg23[%add3A_338, %dma_start3A_461] : memref<4096x128xf32, #tpu.memory_space<vmem_shared>> -> memref<64x128xf32, #tpu.memory_space<vmem_shared>>
        %dma_start3A_463 = arith.constant 0 : i32
        %dma_start3A_464 = tpu.memref_slice %arg23[%add3A_338, %dma_start3A_463] : memref<4096x128xf32, #tpu.memory_space<vmem_shared>> -> memref<64x128xf32, #tpu.memory_space<vmem_shared>>
        tpu.enqueue_dma source(%arg9 : memref<64x128xf32, #tpu.memory_space<vmem>>) target(%dma_start3A_464 : memref<64x128xf32, #tpu.memory_space<vmem_shared>>) target_semaphore(%run_scoped3A_460 : memref<!tpu.dma_semaphore, #tpu.memory_space<semaphore_mem>>)
        %dma_wait3A_465 = arith.constant 0 : i32
        %dma_wait3A_466 = tpu.memref_slice %arg23[%add3A_338, %dma_wait3A_465] : memref<4096x128xf32, #tpu.memory_space<vmem_shared>> -> memref<64x128xf32, #tpu.memory_space<vmem_shared>>
        %dma_wait3A_467 = arith.constant 0 : i32
        %dma_wait3A_468 = tpu.memref_slice %arg23[%add3A_338, %dma_wait3A_467] : memref<4096x128xf32, #tpu.memory_space<vmem_shared>> -> memref<64x128xf32, #tpu.memory_space<vmem_shared>>
        tpu.wait_dma2 semaphore(%run_scoped3A_460 : memref<!tpu.dma_semaphore, #tpu.memory_space<semaphore_mem>>) src(%arg9 : memref<64x128xf32, #tpu.memory_space<vmem>>) dst(%dma_wait3A_468 : memref<64x128xf32, #tpu.memory_space<vmem_shared>>)
        tpu.yield
      }) : () -> ()
      %dma_start3A_339 = arith.constant 2 : i32
      %dma_start3A_340 = arith.constant 0 : i32
      %dma_start3A_341 = tpu.memref_slice %arg5[%dma_start3A_339, %add3A_236, %dma_start3A_340] : memref<11x8x64xi32, #tpu.memory_space<vmem>> -> memref<1x1x64xi32, #tpu.memory_space<vmem>>
      %dma_start3A_342 = tpu.memref_squeeze %dma_start3A_341 : memref<1x1x64xi32, #tpu.memory_space<vmem>> -> memref<64xi32, #tpu.memory_space<vmem>>
      %dma_start3A_343 = arith.constant 0 : i32
      %dma_start3A_344 = arith.constant 0 : i32
      %dma_start3A_345 = tpu.memref_slice %arg3[%dma_start3A_343, %dma_start3A_344] : memref<100000x128xf32, #tpu.memory_space<hbm>> -> memref<100000x128xf32, #tpu.memory_space<hbm>>
      tpu.enqueue_indirect_dma source(%dma_start3A_345 : memref<100000x128xf32, #tpu.memory_space<hbm>>) target(%arg9 : memref<64x128xf32, #tpu.memory_space<vmem>>) offsets(%dma_start3A_342 : memref<64xi32, #tpu.memory_space<vmem>>) semaphore(%arg17 : memref<!tpu.dma_semaphore, #tpu.memory_space<semaphore_mem>>)
      %dma_wait3A_346 = arith.constant 0 : i32
      %dma_wait3A_347 = arith.constant 0 : i32
      %dma_wait3A_348 = arith.constant 0 : i32
      %dma_wait3A_349 = tpu.memref_slice %arg5[%dma_wait3A_346, %dma_wait3A_347, %dma_wait3A_348] : memref<11x8x64xi32, #tpu.memory_space<vmem>> -> memref<1x1x64xi32, #tpu.memory_space<vmem>>
      %dma_wait3A_350 = tpu.memref_squeeze %dma_wait3A_349 : memref<1x1x64xi32, #tpu.memory_space<vmem>> -> memref<64xi32, #tpu.memory_space<vmem>>
      %dma_wait3A_351 = arith.constant 0 : i32
      %dma_wait3A_352 = arith.constant 0 : i32
      %dma_wait3A_353 = tpu.memref_slice %arg3[%dma_wait3A_351, %dma_wait3A_352] : memref<100000x128xf32, #tpu.memory_space<hbm>> -> memref<100000x128xf32, #tpu.memory_space<hbm>>
      tpu.wait_indirect_dma semaphore(%arg18 : memref<!tpu.dma_semaphore, #tpu.memory_space<semaphore_mem>>) src(%dma_wait3A_353 : memref<100000x128xf32, #tpu.memory_space<hbm>>) dst(%arg10 : memref<64x128xf32, #tpu.memory_space<vmem>>)
      %add3A_354 = arith.constant 192 : i32
      %add3A_355 = arith.addi %mul3A_4, %add3A_354 : i32
      "tpu.region"() ({
        %run_scoped3A_460 = tpu.sem_alloc : memref<!tpu.dma_semaphore, #tpu.memory_space<semaphore_mem>>
        %dma_start3A_461 = arith.constant 0 : i32
        %dma_start3A_462 = tpu.memref_slice %arg23[%add3A_355, %dma_start3A_461] : memref<4096x128xf32, #tpu.memory_space<vmem_shared>> -> memref<64x128xf32, #tpu.memory_space<vmem_shared>>
        %dma_start3A_463 = arith.constant 0 : i32
        %dma_start3A_464 = tpu.memref_slice %arg23[%add3A_355, %dma_start3A_463] : memref<4096x128xf32, #tpu.memory_space<vmem_shared>> -> memref<64x128xf32, #tpu.memory_space<vmem_shared>>
        tpu.enqueue_dma source(%arg10 : memref<64x128xf32, #tpu.memory_space<vmem>>) target(%dma_start3A_464 : memref<64x128xf32, #tpu.memory_space<vmem_shared>>) target_semaphore(%run_scoped3A_460 : memref<!tpu.dma_semaphore, #tpu.memory_space<semaphore_mem>>)
        %dma_wait3A_465 = arith.constant 0 : i32
        %dma_wait3A_466 = tpu.memref_slice %arg23[%add3A_355, %dma_wait3A_465] : memref<4096x128xf32, #tpu.memory_space<vmem_shared>> -> memref<64x128xf32, #tpu.memory_space<vmem_shared>>
        %dma_wait3A_467 = arith.constant 0 : i32
        %dma_wait3A_468 = tpu.memref_slice %arg23[%add3A_355, %dma_wait3A_467] : memref<4096x128xf32, #tpu.memory_space<vmem_shared>> -> memref<64x128xf32, #tpu.memory_space<vmem_shared>>
        tpu.wait_dma2 semaphore(%run_scoped3A_460 : memref<!tpu.dma_semaphore, #tpu.memory_space<semaphore_mem>>) src(%arg10 : memref<64x128xf32, #tpu.memory_space<vmem>>) dst(%dma_wait3A_468 : memref<64x128xf32, #tpu.memory_space<vmem_shared>>)
        tpu.yield
      }) : () -> ()
      %dma_start3A_356 = arith.constant 2 : i32
      %dma_start3A_357 = arith.constant 0 : i32
      %dma_start3A_358 = tpu.memref_slice %arg5[%dma_start3A_356, %add3A_240, %dma_start3A_357] : memref<11x8x64xi32, #tpu.memory_space<vmem>> -> memref<1x1x64xi32, #tpu.memory_space<vmem>>
      %dma_start3A_359 = tpu.memref_squeeze %dma_start3A_358 : memref<1x1x64xi32, #tpu.memory_space<vmem>> -> memref<64xi32, #tpu.memory_space<vmem>>
      %dma_start3A_360 = arith.constant 0 : i32
      %dma_start3A_361 = arith.constant 0 : i32
      %dma_start3A_362 = tpu.memref_slice %arg3[%dma_start3A_360, %dma_start3A_361] : memref<100000x128xf32, #tpu.memory_space<hbm>> -> memref<100000x128xf32, #tpu.memory_space<hbm>>
      tpu.enqueue_indirect_dma source(%dma_start3A_362 : memref<100000x128xf32, #tpu.memory_space<hbm>>) target(%arg10 : memref<64x128xf32, #tpu.memory_space<vmem>>) offsets(%dma_start3A_359 : memref<64xi32, #tpu.memory_space<vmem>>) semaphore(%arg18 : memref<!tpu.dma_semaphore, #tpu.memory_space<semaphore_mem>>)
      %scan3A_363 = arith.constant 0 : i32
      %scan3A_364 = arith.constant 0 : i32
      %scan3A_365 = arith.constant 5 : i32
      %scan3A_366 = arith.addi %scan3A_364, %scan3A_365 : i32
      %scan3A_367 = arith.constant 1 : i32
      %scan3A_368 = scf.for %scan3A_460 = %scan3A_364 to %scan3A_366 step %scan3A_367 iter_args(%scan3A_461 = %scan3A_363) -> (i32)  : i32 {
        %mul3A_462 = arith.constant 2 : i32
        %mul3A_463 = arith.muli %mul3A_462, %scan3A_460 : i32
        %add3A_464 = arith.constant 3 : i32
        %add3A_465 = arith.addi %mul3A_463, %add3A_464 : i32
        %mul3A_466 = arith.constant 2 : i32
        %mul3A_467 = arith.muli %mul3A_466, %scan3A_460 : i32
        %add3A_468 = arith.constant 4 : i32
        %add3A_469 = arith.addi %mul3A_467, %add3A_468 : i32
        %dma_wait3A_470 = arith.constant 0 : i32
        %dma_wait3A_471 = arith.constant 0 : i32
        %dma_wait3A_472 = arith.constant 0 : i32
        %dma_wait3A_473 = tpu.memref_slice %arg5[%dma_wait3A_470, %dma_wait3A_471, %dma_wait3A_472] : memref<11x8x64xi32, #tpu.memory_space<vmem>> -> memref<1x1x64xi32, #tpu.memory_space<vmem>>
        %dma_wait3A_474 = tpu.memref_squeeze %dma_wait3A_473 : memref<1x1x64xi32, #tpu.memory_space<vmem>> -> memref<64xi32, #tpu.memory_space<vmem>>
        %dma_wait3A_475 = arith.constant 0 : i32
        %dma_wait3A_476 = arith.constant 0 : i32
        %dma_wait3A_477 = tpu.memref_slice %arg3[%dma_wait3A_475, %dma_wait3A_476] : memref<100000x128xf32, #tpu.memory_space<hbm>> -> memref<100000x128xf32, #tpu.memory_space<hbm>>
        tpu.wait_indirect_dma semaphore(%arg19 : memref<!tpu.dma_semaphore, #tpu.memory_space<semaphore_mem>>) src(%dma_wait3A_477 : memref<100000x128xf32, #tpu.memory_space<hbm>>) dst(%arg11 : memref<64x128xf32, #tpu.memory_space<vmem>>)
        %run_scoped3A_478 = arith.constant 0 : i32
        "tpu.region"() ({
          %run_scoped3A_580 = tpu.sem_alloc : memref<!tpu.dma_semaphore, #tpu.memory_space<semaphore_mem>>
          %dma_start3A_581 = arith.constant 0 : i32
          %dma_start3A_582 = tpu.memref_slice %arg6[%run_scoped3A_478, %dma_start3A_581] : memref<4x64xi32, #tpu.memory_space<vmem>> -> memref<1x64xi32, #tpu.memory_space<vmem>>
          %dma_start3A_583 = tpu.memref_squeeze %dma_start3A_582 : memref<1x64xi32, #tpu.memory_space<vmem>> -> memref<64xi32, #tpu.memory_space<vmem>>
          %dma_start3A_584 = arith.constant 0 : i32
          %dma_start3A_585 = arith.constant 0 : i32
          %dma_start3A_586 = tpu.memref_slice %arg23[%dma_start3A_584, %dma_start3A_585] : memref<4096x128xf32, #tpu.memory_space<vmem_shared>> -> memref<4096x128xf32, #tpu.memory_space<vmem_shared>>
          tpu.enqueue_indirect_dma source(%arg11 : memref<64x128xf32, #tpu.memory_space<vmem>>) target(%dma_start3A_586 : memref<4096x128xf32, #tpu.memory_space<vmem_shared>>) offsets(%dma_start3A_583 : memref<64xi32, #tpu.memory_space<vmem>>) semaphore(%run_scoped3A_580 : memref<!tpu.dma_semaphore, #tpu.memory_space<semaphore_mem>>) {add = true}
          %dma_wait3A_587 = arith.constant 0 : i32
          %dma_wait3A_588 = tpu.memref_slice %arg6[%run_scoped3A_478, %dma_wait3A_587] : memref<4x64xi32, #tpu.memory_space<vmem>> -> memref<1x64xi32, #tpu.memory_space<vmem>>
          %dma_wait3A_589 = tpu.memref_squeeze %dma_wait3A_588 : memref<1x64xi32, #tpu.memory_space<vmem>> -> memref<64xi32, #tpu.memory_space<vmem>>
          %dma_wait3A_590 = arith.constant 0 : i32
          %dma_wait3A_591 = arith.constant 0 : i32
          %dma_wait3A_592 = tpu.memref_slice %arg23[%dma_wait3A_590, %dma_wait3A_591] : memref<4096x128xf32, #tpu.memory_space<vmem_shared>> -> memref<4096x128xf32, #tpu.memory_space<vmem_shared>>
          tpu.wait_indirect_dma semaphore(%run_scoped3A_580 : memref<!tpu.dma_semaphore, #tpu.memory_space<semaphore_mem>>) src(%arg11 : memref<64x128xf32, #tpu.memory_space<vmem>>) dst(%dma_wait3A_592 : memref<4096x128xf32, #tpu.memory_space<vmem_shared>>)
          tpu.yield
        }) : () -> ()
        %lt3A = arith.constant 11 : i32
        %lt3A_479 = arith.cmpi slt, %add3A_465, %lt3A : i32
        %convert_element_type3A = arith.extui %lt3A_479 : i1 to i32
        %cond3A = arith.constant 0 : i32
        %cond3A_480 = arith.cmpi ne, %convert_element_type3A, %cond3A : i32
        scf.if %cond3A_480 {
          %dma_start3A_580 = arith.constant 0 : i32
          %dma_start3A_581 = tpu.memref_slice %arg5[%add3A_465, %add3A_228, %dma_start3A_580] : memref<11x8x64xi32, #tpu.memory_space<vmem>> -> memref<1x1x64xi32, #tpu.memory_space<vmem>>
          %dma_start3A_582 = tpu.memref_squeeze %dma_start3A_581 : memref<1x1x64xi32, #tpu.memory_space<vmem>> -> memref<64xi32, #tpu.memory_space<vmem>>
          %dma_start3A_583 = arith.constant 0 : i32
          %dma_start3A_584 = arith.constant 0 : i32
          %dma_start3A_585 = tpu.memref_slice %arg3[%dma_start3A_583, %dma_start3A_584] : memref<100000x128xf32, #tpu.memory_space<hbm>> -> memref<100000x128xf32, #tpu.memory_space<hbm>>
          tpu.enqueue_indirect_dma source(%dma_start3A_585 : memref<100000x128xf32, #tpu.memory_space<hbm>>) target(%arg11 : memref<64x128xf32, #tpu.memory_space<vmem>>) offsets(%dma_start3A_582 : memref<64xi32, #tpu.memory_space<vmem>>) semaphore(%arg19 : memref<!tpu.dma_semaphore, #tpu.memory_space<semaphore_mem>>)
        } else {
        }
        %dma_wait3A_481 = arith.constant 0 : i32
        %dma_wait3A_482 = arith.constant 0 : i32
        %dma_wait3A_483 = arith.constant 0 : i32
        %dma_wait3A_484 = tpu.memref_slice %arg5[%dma_wait3A_481, %dma_wait3A_482, %dma_wait3A_483] : memref<11x8x64xi32, #tpu.memory_space<vmem>> -> memref<1x1x64xi32, #tpu.memory_space<vmem>>
        %dma_wait3A_485 = tpu.memref_squeeze %dma_wait3A_484 : memref<1x1x64xi32, #tpu.memory_space<vmem>> -> memref<64xi32, #tpu.memory_space<vmem>>
        %dma_wait3A_486 = arith.constant 0 : i32
        %dma_wait3A_487 = arith.constant 0 : i32
        %dma_wait3A_488 = tpu.memref_slice %arg3[%dma_wait3A_486, %dma_wait3A_487] : memref<100000x128xf32, #tpu.memory_space<hbm>> -> memref<100000x128xf32, #tpu.memory_space<hbm>>
        tpu.wait_indirect_dma semaphore(%arg20 : memref<!tpu.dma_semaphore, #tpu.memory_space<semaphore_mem>>) src(%dma_wait3A_488 : memref<100000x128xf32, #tpu.memory_space<hbm>>) dst(%arg12 : memref<64x128xf32, #tpu.memory_space<vmem>>)
        %run_scoped3A_489 = arith.constant 1 : i32
        "tpu.region"() ({
          %run_scoped3A_580 = tpu.sem_alloc : memref<!tpu.dma_semaphore, #tpu.memory_space<semaphore_mem>>
          %dma_start3A_581 = arith.constant 0 : i32
          %dma_start3A_582 = tpu.memref_slice %arg6[%run_scoped3A_489, %dma_start3A_581] : memref<4x64xi32, #tpu.memory_space<vmem>> -> memref<1x64xi32, #tpu.memory_space<vmem>>
          %dma_start3A_583 = tpu.memref_squeeze %dma_start3A_582 : memref<1x64xi32, #tpu.memory_space<vmem>> -> memref<64xi32, #tpu.memory_space<vmem>>
          %dma_start3A_584 = arith.constant 0 : i32
          %dma_start3A_585 = arith.constant 0 : i32
          %dma_start3A_586 = tpu.memref_slice %arg23[%dma_start3A_584, %dma_start3A_585] : memref<4096x128xf32, #tpu.memory_space<vmem_shared>> -> memref<4096x128xf32, #tpu.memory_space<vmem_shared>>
          tpu.enqueue_indirect_dma source(%arg12 : memref<64x128xf32, #tpu.memory_space<vmem>>) target(%dma_start3A_586 : memref<4096x128xf32, #tpu.memory_space<vmem_shared>>) offsets(%dma_start3A_583 : memref<64xi32, #tpu.memory_space<vmem>>) semaphore(%run_scoped3A_580 : memref<!tpu.dma_semaphore, #tpu.memory_space<semaphore_mem>>) {add = true}
          %dma_wait3A_587 = arith.constant 0 : i32
          %dma_wait3A_588 = tpu.memref_slice %arg6[%run_scoped3A_489, %dma_wait3A_587] : memref<4x64xi32, #tpu.memory_space<vmem>> -> memref<1x64xi32, #tpu.memory_space<vmem>>
          %dma_wait3A_589 = tpu.memref_squeeze %dma_wait3A_588 : memref<1x64xi32, #tpu.memory_space<vmem>> -> memref<64xi32, #tpu.memory_space<vmem>>
          %dma_wait3A_590 = arith.constant 0 : i32
          %dma_wait3A_591 = arith.constant 0 : i32
          %dma_wait3A_592 = tpu.memref_slice %arg23[%dma_wait3A_590, %dma_wait3A_591] : memref<4096x128xf32, #tpu.memory_space<vmem_shared>> -> memref<4096x128xf32, #tpu.memory_space<vmem_shared>>
          tpu.wait_indirect_dma semaphore(%run_scoped3A_580 : memref<!tpu.dma_semaphore, #tpu.memory_space<semaphore_mem>>) src(%arg12 : memref<64x128xf32, #tpu.memory_space<vmem>>) dst(%dma_wait3A_592 : memref<4096x128xf32, #tpu.memory_space<vmem_shared>>)
          tpu.yield
        }) : () -> ()
        %lt3A_490 = arith.constant 11 : i32
        %lt3A_491 = arith.cmpi slt, %add3A_465, %lt3A_490 : i32
        %convert_element_type3A_492 = arith.extui %lt3A_491 : i1 to i32
        %cond3A_493 = arith.constant 0 : i32
        %cond3A_494 = arith.cmpi ne, %convert_element_type3A_492, %cond3A_493 : i32
        scf.if %cond3A_494 {
          %dma_start3A_580 = arith.constant 0 : i32
          %dma_start3A_581 = tpu.memref_slice %arg5[%add3A_465, %add3A_232, %dma_start3A_580] : memref<11x8x64xi32, #tpu.memory_space<vmem>> -> memref<1x1x64xi32, #tpu.memory_space<vmem>>
          %dma_start3A_582 = tpu.memref_squeeze %dma_start3A_581 : memref<1x1x64xi32, #tpu.memory_space<vmem>> -> memref<64xi32, #tpu.memory_space<vmem>>
          %dma_start3A_583 = arith.constant 0 : i32
          %dma_start3A_584 = arith.constant 0 : i32
          %dma_start3A_585 = tpu.memref_slice %arg3[%dma_start3A_583, %dma_start3A_584] : memref<100000x128xf32, #tpu.memory_space<hbm>> -> memref<100000x128xf32, #tpu.memory_space<hbm>>
          tpu.enqueue_indirect_dma source(%dma_start3A_585 : memref<100000x128xf32, #tpu.memory_space<hbm>>) target(%arg12 : memref<64x128xf32, #tpu.memory_space<vmem>>) offsets(%dma_start3A_582 : memref<64xi32, #tpu.memory_space<vmem>>) semaphore(%arg20 : memref<!tpu.dma_semaphore, #tpu.memory_space<semaphore_mem>>)
        } else {
        }
        %dma_wait3A_495 = arith.constant 0 : i32
        %dma_wait3A_496 = arith.constant 0 : i32
        %dma_wait3A_497 = arith.constant 0 : i32
        %dma_wait3A_498 = tpu.memref_slice %arg5[%dma_wait3A_495, %dma_wait3A_496, %dma_wait3A_497] : memref<11x8x64xi32, #tpu.memory_space<vmem>> -> memref<1x1x64xi32, #tpu.memory_space<vmem>>
        %dma_wait3A_499 = tpu.memref_squeeze %dma_wait3A_498 : memref<1x1x64xi32, #tpu.memory_space<vmem>> -> memref<64xi32, #tpu.memory_space<vmem>>
        %dma_wait3A_500 = arith.constant 0 : i32
        %dma_wait3A_501 = arith.constant 0 : i32
        %dma_wait3A_502 = tpu.memref_slice %arg3[%dma_wait3A_500, %dma_wait3A_501] : memref<100000x128xf32, #tpu.memory_space<hbm>> -> memref<100000x128xf32, #tpu.memory_space<hbm>>
        tpu.wait_indirect_dma semaphore(%arg21 : memref<!tpu.dma_semaphore, #tpu.memory_space<semaphore_mem>>) src(%dma_wait3A_502 : memref<100000x128xf32, #tpu.memory_space<hbm>>) dst(%arg13 : memref<64x128xf32, #tpu.memory_space<vmem>>)
        %run_scoped3A_503 = arith.constant 2 : i32
        "tpu.region"() ({
          %run_scoped3A_580 = tpu.sem_alloc : memref<!tpu.dma_semaphore, #tpu.memory_space<semaphore_mem>>
          %dma_start3A_581 = arith.constant 0 : i32
          %dma_start3A_582 = tpu.memref_slice %arg6[%run_scoped3A_503, %dma_start3A_581] : memref<4x64xi32, #tpu.memory_space<vmem>> -> memref<1x64xi32, #tpu.memory_space<vmem>>
          %dma_start3A_583 = tpu.memref_squeeze %dma_start3A_582 : memref<1x64xi32, #tpu.memory_space<vmem>> -> memref<64xi32, #tpu.memory_space<vmem>>
          %dma_start3A_584 = arith.constant 0 : i32
          %dma_start3A_585 = arith.constant 0 : i32
          %dma_start3A_586 = tpu.memref_slice %arg23[%dma_start3A_584, %dma_start3A_585] : memref<4096x128xf32, #tpu.memory_space<vmem_shared>> -> memref<4096x128xf32, #tpu.memory_space<vmem_shared>>
          tpu.enqueue_indirect_dma source(%arg13 : memref<64x128xf32, #tpu.memory_space<vmem>>) target(%dma_start3A_586 : memref<4096x128xf32, #tpu.memory_space<vmem_shared>>) offsets(%dma_start3A_583 : memref<64xi32, #tpu.memory_space<vmem>>) semaphore(%run_scoped3A_580 : memref<!tpu.dma_semaphore, #tpu.memory_space<semaphore_mem>>) {add = true}
          %dma_wait3A_587 = arith.constant 0 : i32
          %dma_wait3A_588 = tpu.memref_slice %arg6[%run_scoped3A_503, %dma_wait3A_587] : memref<4x64xi32, #tpu.memory_space<vmem>> -> memref<1x64xi32, #tpu.memory_space<vmem>>
          %dma_wait3A_589 = tpu.memref_squeeze %dma_wait3A_588 : memref<1x64xi32, #tpu.memory_space<vmem>> -> memref<64xi32, #tpu.memory_space<vmem>>
          %dma_wait3A_590 = arith.constant 0 : i32
          %dma_wait3A_591 = arith.constant 0 : i32
          %dma_wait3A_592 = tpu.memref_slice %arg23[%dma_wait3A_590, %dma_wait3A_591] : memref<4096x128xf32, #tpu.memory_space<vmem_shared>> -> memref<4096x128xf32, #tpu.memory_space<vmem_shared>>
          tpu.wait_indirect_dma semaphore(%run_scoped3A_580 : memref<!tpu.dma_semaphore, #tpu.memory_space<semaphore_mem>>) src(%arg13 : memref<64x128xf32, #tpu.memory_space<vmem>>) dst(%dma_wait3A_592 : memref<4096x128xf32, #tpu.memory_space<vmem_shared>>)
          tpu.yield
        }) : () -> ()
        %lt3A_504 = arith.constant 11 : i32
        %lt3A_505 = arith.cmpi slt, %add3A_465, %lt3A_504 : i32
        %convert_element_type3A_506 = arith.extui %lt3A_505 : i1 to i32
        %cond3A_507 = arith.constant 0 : i32
        %cond3A_508 = arith.cmpi ne, %convert_element_type3A_506, %cond3A_507 : i32
        scf.if %cond3A_508 {
          %dma_start3A_580 = arith.constant 0 : i32
          %dma_start3A_581 = tpu.memref_slice %arg5[%add3A_465, %add3A_236, %dma_start3A_580] : memref<11x8x64xi32, #tpu.memory_space<vmem>> -> memref<1x1x64xi32, #tpu.memory_space<vmem>>
          %dma_start3A_582 = tpu.memref_squeeze %dma_start3A_581 : memref<1x1x64xi32, #tpu.memory_space<vmem>> -> memref<64xi32, #tpu.memory_space<vmem>>
          %dma_start3A_583 = arith.constant 0 : i32
          %dma_start3A_584 = arith.constant 0 : i32
          %dma_start3A_585 = tpu.memref_slice %arg3[%dma_start3A_583, %dma_start3A_584] : memref<100000x128xf32, #tpu.memory_space<hbm>> -> memref<100000x128xf32, #tpu.memory_space<hbm>>
          tpu.enqueue_indirect_dma source(%dma_start3A_585 : memref<100000x128xf32, #tpu.memory_space<hbm>>) target(%arg13 : memref<64x128xf32, #tpu.memory_space<vmem>>) offsets(%dma_start3A_582 : memref<64xi32, #tpu.memory_space<vmem>>) semaphore(%arg21 : memref<!tpu.dma_semaphore, #tpu.memory_space<semaphore_mem>>)
        } else {
        }
        %dma_wait3A_509 = arith.constant 0 : i32
        %dma_wait3A_510 = arith.constant 0 : i32
        %dma_wait3A_511 = arith.constant 0 : i32
        %dma_wait3A_512 = tpu.memref_slice %arg5[%dma_wait3A_509, %dma_wait3A_510, %dma_wait3A_511] : memref<11x8x64xi32, #tpu.memory_space<vmem>> -> memref<1x1x64xi32, #tpu.memory_space<vmem>>
        %dma_wait3A_513 = tpu.memref_squeeze %dma_wait3A_512 : memref<1x1x64xi32, #tpu.memory_space<vmem>> -> memref<64xi32, #tpu.memory_space<vmem>>
        %dma_wait3A_514 = arith.constant 0 : i32
        %dma_wait3A_515 = arith.constant 0 : i32
        %dma_wait3A_516 = tpu.memref_slice %arg3[%dma_wait3A_514, %dma_wait3A_515] : memref<100000x128xf32, #tpu.memory_space<hbm>> -> memref<100000x128xf32, #tpu.memory_space<hbm>>
        tpu.wait_indirect_dma semaphore(%arg22 : memref<!tpu.dma_semaphore, #tpu.memory_space<semaphore_mem>>) src(%dma_wait3A_516 : memref<100000x128xf32, #tpu.memory_space<hbm>>) dst(%arg14 : memref<64x128xf32, #tpu.memory_space<vmem>>)
        %run_scoped3A_517 = arith.constant 3 : i32
        "tpu.region"() ({
          %run_scoped3A_580 = tpu.sem_alloc : memref<!tpu.dma_semaphore, #tpu.memory_space<semaphore_mem>>
          %dma_start3A_581 = arith.constant 0 : i32
          %dma_start3A_582 = tpu.memref_slice %arg6[%run_scoped3A_517, %dma_start3A_581] : memref<4x64xi32, #tpu.memory_space<vmem>> -> memref<1x64xi32, #tpu.memory_space<vmem>>
          %dma_start3A_583 = tpu.memref_squeeze %dma_start3A_582 : memref<1x64xi32, #tpu.memory_space<vmem>> -> memref<64xi32, #tpu.memory_space<vmem>>
          %dma_start3A_584 = arith.constant 0 : i32
          %dma_start3A_585 = arith.constant 0 : i32
          %dma_start3A_586 = tpu.memref_slice %arg23[%dma_start3A_584, %dma_start3A_585] : memref<4096x128xf32, #tpu.memory_space<vmem_shared>> -> memref<4096x128xf32, #tpu.memory_space<vmem_shared>>
          tpu.enqueue_indirect_dma source(%arg14 : memref<64x128xf32, #tpu.memory_space<vmem>>) target(%dma_start3A_586 : memref<4096x128xf32, #tpu.memory_space<vmem_shared>>) offsets(%dma_start3A_583 : memref<64xi32, #tpu.memory_space<vmem>>) semaphore(%run_scoped3A_580 : memref<!tpu.dma_semaphore, #tpu.memory_space<semaphore_mem>>) {add = true}
          %dma_wait3A_587 = arith.constant 0 : i32
          %dma_wait3A_588 = tpu.memref_slice %arg6[%run_scoped3A_517, %dma_wait3A_587] : memref<4x64xi32, #tpu.memory_space<vmem>> -> memref<1x64xi32, #tpu.memory_space<vmem>>
          %dma_wait3A_589 = tpu.memref_squeeze %dma_wait3A_588 : memref<1x64xi32, #tpu.memory_space<vmem>> -> memref<64xi32, #tpu.memory_space<vmem>>
          %dma_wait3A_590 = arith.constant 0 : i32
          %dma_wait3A_591 = arith.constant 0 : i32
          %dma_wait3A_592 = tpu.memref_slice %arg23[%dma_wait3A_590, %dma_wait3A_591] : memref<4096x128xf32, #tpu.memory_space<vmem_shared>> -> memref<4096x128xf32, #tpu.memory_space<vmem_shared>>
          tpu.wait_indirect_dma semaphore(%run_scoped3A_580 : memref<!tpu.dma_semaphore, #tpu.memory_space<semaphore_mem>>) src(%arg14 : memref<64x128xf32, #tpu.memory_space<vmem>>) dst(%dma_wait3A_592 : memref<4096x128xf32, #tpu.memory_space<vmem_shared>>)
          tpu.yield
        }) : () -> ()
        %lt3A_518 = arith.constant 11 : i32
        %lt3A_519 = arith.cmpi slt, %add3A_465, %lt3A_518 : i32
        %convert_element_type3A_520 = arith.extui %lt3A_519 : i1 to i32
        %cond3A_521 = arith.constant 0 : i32
        %cond3A_522 = arith.cmpi ne, %convert_element_type3A_520, %cond3A_521 : i32
        scf.if %cond3A_522 {
          %dma_start3A_580 = arith.constant 0 : i32
          %dma_start3A_581 = tpu.memref_slice %arg5[%add3A_465, %add3A_240, %dma_start3A_580] : memref<11x8x64xi32, #tpu.memory_space<vmem>> -> memref<1x1x64xi32, #tpu.memory_space<vmem>>
          %dma_start3A_582 = tpu.memref_squeeze %dma_start3A_581 : memref<1x1x64xi32, #tpu.memory_space<vmem>> -> memref<64xi32, #tpu.memory_space<vmem>>
          %dma_start3A_583 = arith.constant 0 : i32
          %dma_start3A_584 = arith.constant 0 : i32
          %dma_start3A_585 = tpu.memref_slice %arg3[%dma_start3A_583, %dma_start3A_584] : memref<100000x128xf32, #tpu.memory_space<hbm>> -> memref<100000x128xf32, #tpu.memory_space<hbm>>
          tpu.enqueue_indirect_dma source(%dma_start3A_585 : memref<100000x128xf32, #tpu.memory_space<hbm>>) target(%arg14 : memref<64x128xf32, #tpu.memory_space<vmem>>) offsets(%dma_start3A_582 : memref<64xi32, #tpu.memory_space<vmem>>) semaphore(%arg22 : memref<!tpu.dma_semaphore, #tpu.memory_space<semaphore_mem>>)
        } else {
        }
        %dma_wait3A_523 = arith.constant 0 : i32
        %dma_wait3A_524 = arith.constant 0 : i32
        %dma_wait3A_525 = arith.constant 0 : i32
        %dma_wait3A_526 = tpu.memref_slice %arg5[%dma_wait3A_523, %dma_wait3A_524, %dma_wait3A_525] : memref<11x8x64xi32, #tpu.memory_space<vmem>> -> memref<1x1x64xi32, #tpu.memory_space<vmem>>
        %dma_wait3A_527 = tpu.memref_squeeze %dma_wait3A_526 : memref<1x1x64xi32, #tpu.memory_space<vmem>> -> memref<64xi32, #tpu.memory_space<vmem>>
        %dma_wait3A_528 = arith.constant 0 : i32
        %dma_wait3A_529 = arith.constant 0 : i32
        %dma_wait3A_530 = tpu.memref_slice %arg3[%dma_wait3A_528, %dma_wait3A_529] : memref<100000x128xf32, #tpu.memory_space<hbm>> -> memref<100000x128xf32, #tpu.memory_space<hbm>>
        tpu.wait_indirect_dma semaphore(%arg15 : memref<!tpu.dma_semaphore, #tpu.memory_space<semaphore_mem>>) src(%dma_wait3A_530 : memref<100000x128xf32, #tpu.memory_space<hbm>>) dst(%arg7 : memref<64x128xf32, #tpu.memory_space<vmem>>)
        %run_scoped3A_531 = arith.constant 0 : i32
        "tpu.region"() ({
          %run_scoped3A_580 = tpu.sem_alloc : memref<!tpu.dma_semaphore, #tpu.memory_space<semaphore_mem>>
          %dma_start3A_581 = arith.constant 0 : i32
          %dma_start3A_582 = tpu.memref_slice %arg6[%run_scoped3A_531, %dma_start3A_581] : memref<4x64xi32, #tpu.memory_space<vmem>> -> memref<1x64xi32, #tpu.memory_space<vmem>>
          %dma_start3A_583 = tpu.memref_squeeze %dma_start3A_582 : memref<1x64xi32, #tpu.memory_space<vmem>> -> memref<64xi32, #tpu.memory_space<vmem>>
          %dma_start3A_584 = arith.constant 0 : i32
          %dma_start3A_585 = arith.constant 0 : i32
          %dma_start3A_586 = tpu.memref_slice %arg23[%dma_start3A_584, %dma_start3A_585] : memref<4096x128xf32, #tpu.memory_space<vmem_shared>> -> memref<4096x128xf32, #tpu.memory_space<vmem_shared>>
          tpu.enqueue_indirect_dma source(%arg7 : memref<64x128xf32, #tpu.memory_space<vmem>>) target(%dma_start3A_586 : memref<4096x128xf32, #tpu.memory_space<vmem_shared>>) offsets(%dma_start3A_583 : memref<64xi32, #tpu.memory_space<vmem>>) semaphore(%run_scoped3A_580 : memref<!tpu.dma_semaphore, #tpu.memory_space<semaphore_mem>>) {add = true}
          %dma_wait3A_587 = arith.constant 0 : i32
          %dma_wait3A_588 = tpu.memref_slice %arg6[%run_scoped3A_531, %dma_wait3A_587] : memref<4x64xi32, #tpu.memory_space<vmem>> -> memref<1x64xi32, #tpu.memory_space<vmem>>
          %dma_wait3A_589 = tpu.memref_squeeze %dma_wait3A_588 : memref<1x64xi32, #tpu.memory_space<vmem>> -> memref<64xi32, #tpu.memory_space<vmem>>
          %dma_wait3A_590 = arith.constant 0 : i32
          %dma_wait3A_591 = arith.constant 0 : i32
          %dma_wait3A_592 = tpu.memref_slice %arg23[%dma_wait3A_590, %dma_wait3A_591] : memref<4096x128xf32, #tpu.memory_space<vmem_shared>> -> memref<4096x128xf32, #tpu.memory_space<vmem_shared>>
          tpu.wait_indirect_dma semaphore(%run_scoped3A_580 : memref<!tpu.dma_semaphore, #tpu.memory_space<semaphore_mem>>) src(%arg7 : memref<64x128xf32, #tpu.memory_space<vmem>>) dst(%dma_wait3A_592 : memref<4096x128xf32, #tpu.memory_space<vmem_shared>>)
          tpu.yield
        }) : () -> ()
        %lt3A_532 = arith.constant 11 : i32
        %lt3A_533 = arith.cmpi slt, %add3A_469, %lt3A_532 : i32
        %convert_element_type3A_534 = arith.extui %lt3A_533 : i1 to i32
        %cond3A_535 = arith.constant 0 : i32
        %cond3A_536 = arith.cmpi ne, %convert_element_type3A_534, %cond3A_535 : i32
        scf.if %cond3A_536 {
          %dma_start3A_580 = arith.constant 0 : i32
          %dma_start3A_581 = tpu.memref_slice %arg5[%add3A_469, %add3A_228, %dma_start3A_580] : memref<11x8x64xi32, #tpu.memory_space<vmem>> -> memref<1x1x64xi32, #tpu.memory_space<vmem>>
          %dma_start3A_582 = tpu.memref_squeeze %dma_start3A_581 : memref<1x1x64xi32, #tpu.memory_space<vmem>> -> memref<64xi32, #tpu.memory_space<vmem>>
          %dma_start3A_583 = arith.constant 0 : i32
          %dma_start3A_584 = arith.constant 0 : i32
          %dma_start3A_585 = tpu.memref_slice %arg3[%dma_start3A_583, %dma_start3A_584] : memref<100000x128xf32, #tpu.memory_space<hbm>> -> memref<100000x128xf32, #tpu.memory_space<hbm>>
          tpu.enqueue_indirect_dma source(%dma_start3A_585 : memref<100000x128xf32, #tpu.memory_space<hbm>>) target(%arg7 : memref<64x128xf32, #tpu.memory_space<vmem>>) offsets(%dma_start3A_582 : memref<64xi32, #tpu.memory_space<vmem>>) semaphore(%arg15 : memref<!tpu.dma_semaphore, #tpu.memory_space<semaphore_mem>>)
        } else {
        }
        %dma_wait3A_537 = arith.constant 0 : i32
        %dma_wait3A_538 = arith.constant 0 : i32
        %dma_wait3A_539 = arith.constant 0 : i32
        %dma_wait3A_540 = tpu.memref_slice %arg5[%dma_wait3A_537, %dma_wait3A_538, %dma_wait3A_539] : memref<11x8x64xi32, #tpu.memory_space<vmem>> -> memref<1x1x64xi32, #tpu.memory_space<vmem>>
        %dma_wait3A_541 = tpu.memref_squeeze %dma_wait3A_540 : memref<1x1x64xi32, #tpu.memory_space<vmem>> -> memref<64xi32, #tpu.memory_space<vmem>>
        %dma_wait3A_542 = arith.constant 0 : i32
        %dma_wait3A_543 = arith.constant 0 : i32
        %dma_wait3A_544 = tpu.memref_slice %arg3[%dma_wait3A_542, %dma_wait3A_543] : memref<100000x128xf32, #tpu.memory_space<hbm>> -> memref<100000x128xf32, #tpu.memory_space<hbm>>
        tpu.wait_indirect_dma semaphore(%arg16 : memref<!tpu.dma_semaphore, #tpu.memory_space<semaphore_mem>>) src(%dma_wait3A_544 : memref<100000x128xf32, #tpu.memory_space<hbm>>) dst(%arg8 : memref<64x128xf32, #tpu.memory_space<vmem>>)
        %run_scoped3A_545 = arith.constant 1 : i32
        "tpu.region"() ({
          %run_scoped3A_580 = tpu.sem_alloc : memref<!tpu.dma_semaphore, #tpu.memory_space<semaphore_mem>>
          %dma_start3A_581 = arith.constant 0 : i32
          %dma_start3A_582 = tpu.memref_slice %arg6[%run_scoped3A_545, %dma_start3A_581] : memref<4x64xi32, #tpu.memory_space<vmem>> -> memref<1x64xi32, #tpu.memory_space<vmem>>
          %dma_start3A_583 = tpu.memref_squeeze %dma_start3A_582 : memref<1x64xi32, #tpu.memory_space<vmem>> -> memref<64xi32, #tpu.memory_space<vmem>>
          %dma_start3A_584 = arith.constant 0 : i32
          %dma_start3A_585 = arith.constant 0 : i32
          %dma_start3A_586 = tpu.memref_slice %arg23[%dma_start3A_584, %dma_start3A_585] : memref<4096x128xf32, #tpu.memory_space<vmem_shared>> -> memref<4096x128xf32, #tpu.memory_space<vmem_shared>>
          tpu.enqueue_indirect_dma source(%arg8 : memref<64x128xf32, #tpu.memory_space<vmem>>) target(%dma_start3A_586 : memref<4096x128xf32, #tpu.memory_space<vmem_shared>>) offsets(%dma_start3A_583 : memref<64xi32, #tpu.memory_space<vmem>>) semaphore(%run_scoped3A_580 : memref<!tpu.dma_semaphore, #tpu.memory_space<semaphore_mem>>) {add = true}
          %dma_wait3A_587 = arith.constant 0 : i32
          %dma_wait3A_588 = tpu.memref_slice %arg6[%run_scoped3A_545, %dma_wait3A_587] : memref<4x64xi32, #tpu.memory_space<vmem>> -> memref<1x64xi32, #tpu.memory_space<vmem>>
          %dma_wait3A_589 = tpu.memref_squeeze %dma_wait3A_588 : memref<1x64xi32, #tpu.memory_space<vmem>> -> memref<64xi32, #tpu.memory_space<vmem>>
          %dma_wait3A_590 = arith.constant 0 : i32
          %dma_wait3A_591 = arith.constant 0 : i32
          %dma_wait3A_592 = tpu.memref_slice %arg23[%dma_wait3A_590, %dma_wait3A_591] : memref<4096x128xf32, #tpu.memory_space<vmem_shared>> -> memref<4096x128xf32, #tpu.memory_space<vmem_shared>>
          tpu.wait_indirect_dma semaphore(%run_scoped3A_580 : memref<!tpu.dma_semaphore, #tpu.memory_space<semaphore_mem>>) src(%arg8 : memref<64x128xf32, #tpu.memory_space<vmem>>) dst(%dma_wait3A_592 : memref<4096x128xf32, #tpu.memory_space<vmem_shared>>)
          tpu.yield
        }) : () -> ()
        %lt3A_546 = arith.constant 11 : i32
        %lt3A_547 = arith.cmpi slt, %add3A_469, %lt3A_546 : i32
        %convert_element_type3A_548 = arith.extui %lt3A_547 : i1 to i32
        %cond3A_549 = arith.constant 0 : i32
        %cond3A_550 = arith.cmpi ne, %convert_element_type3A_548, %cond3A_549 : i32
        scf.if %cond3A_550 {
          %dma_start3A_580 = arith.constant 0 : i32
          %dma_start3A_581 = tpu.memref_slice %arg5[%add3A_469, %add3A_232, %dma_start3A_580] : memref<11x8x64xi32, #tpu.memory_space<vmem>> -> memref<1x1x64xi32, #tpu.memory_space<vmem>>
          %dma_start3A_582 = tpu.memref_squeeze %dma_start3A_581 : memref<1x1x64xi32, #tpu.memory_space<vmem>> -> memref<64xi32, #tpu.memory_space<vmem>>
          %dma_start3A_583 = arith.constant 0 : i32
          %dma_start3A_584 = arith.constant 0 : i32
          %dma_start3A_585 = tpu.memref_slice %arg3[%dma_start3A_583, %dma_start3A_584] : memref<100000x128xf32, #tpu.memory_space<hbm>> -> memref<100000x128xf32, #tpu.memory_space<hbm>>
          tpu.enqueue_indirect_dma source(%dma_start3A_585 : memref<100000x128xf32, #tpu.memory_space<hbm>>) target(%arg8 : memref<64x128xf32, #tpu.memory_space<vmem>>) offsets(%dma_start3A_582 : memref<64xi32, #tpu.memory_space<vmem>>) semaphore(%arg16 : memref<!tpu.dma_semaphore, #tpu.memory_space<semaphore_mem>>)
        } else {
        }
        %dma_wait3A_551 = arith.constant 0 : i32
        %dma_wait3A_552 = arith.constant 0 : i32
        %dma_wait3A_553 = arith.constant 0 : i32
        %dma_wait3A_554 = tpu.memref_slice %arg5[%dma_wait3A_551, %dma_wait3A_552, %dma_wait3A_553] : memref<11x8x64xi32, #tpu.memory_space<vmem>> -> memref<1x1x64xi32, #tpu.memory_space<vmem>>
        %dma_wait3A_555 = tpu.memref_squeeze %dma_wait3A_554 : memref<1x1x64xi32, #tpu.memory_space<vmem>> -> memref<64xi32, #tpu.memory_space<vmem>>
        %dma_wait3A_556 = arith.constant 0 : i32
        %dma_wait3A_557 = arith.constant 0 : i32
        %dma_wait3A_558 = tpu.memref_slice %arg3[%dma_wait3A_556, %dma_wait3A_557] : memref<100000x128xf32, #tpu.memory_space<hbm>> -> memref<100000x128xf32, #tpu.memory_space<hbm>>
        tpu.wait_indirect_dma semaphore(%arg17 : memref<!tpu.dma_semaphore, #tpu.memory_space<semaphore_mem>>) src(%dma_wait3A_558 : memref<100000x128xf32, #tpu.memory_space<hbm>>) dst(%arg9 : memref<64x128xf32, #tpu.memory_space<vmem>>)
        %run_scoped3A_559 = arith.constant 2 : i32
        "tpu.region"() ({
          %run_scoped3A_580 = tpu.sem_alloc : memref<!tpu.dma_semaphore, #tpu.memory_space<semaphore_mem>>
          %dma_start3A_581 = arith.constant 0 : i32
          %dma_start3A_582 = tpu.memref_slice %arg6[%run_scoped3A_559, %dma_start3A_581] : memref<4x64xi32, #tpu.memory_space<vmem>> -> memref<1x64xi32, #tpu.memory_space<vmem>>
          %dma_start3A_583 = tpu.memref_squeeze %dma_start3A_582 : memref<1x64xi32, #tpu.memory_space<vmem>> -> memref<64xi32, #tpu.memory_space<vmem>>
          %dma_start3A_584 = arith.constant 0 : i32
          %dma_start3A_585 = arith.constant 0 : i32
          %dma_start3A_586 = tpu.memref_slice %arg23[%dma_start3A_584, %dma_start3A_585] : memref<4096x128xf32, #tpu.memory_space<vmem_shared>> -> memref<4096x128xf32, #tpu.memory_space<vmem_shared>>
          tpu.enqueue_indirect_dma source(%arg9 : memref<64x128xf32, #tpu.memory_space<vmem>>) target(%dma_start3A_586 : memref<4096x128xf32, #tpu.memory_space<vmem_shared>>) offsets(%dma_start3A_583 : memref<64xi32, #tpu.memory_space<vmem>>) semaphore(%run_scoped3A_580 : memref<!tpu.dma_semaphore, #tpu.memory_space<semaphore_mem>>) {add = true}
          %dma_wait3A_587 = arith.constant 0 : i32
          %dma_wait3A_588 = tpu.memref_slice %arg6[%run_scoped3A_559, %dma_wait3A_587] : memref<4x64xi32, #tpu.memory_space<vmem>> -> memref<1x64xi32, #tpu.memory_space<vmem>>
          %dma_wait3A_589 = tpu.memref_squeeze %dma_wait3A_588 : memref<1x64xi32, #tpu.memory_space<vmem>> -> memref<64xi32, #tpu.memory_space<vmem>>
          %dma_wait3A_590 = arith.constant 0 : i32
          %dma_wait3A_591 = arith.constant 0 : i32
          %dma_wait3A_592 = tpu.memref_slice %arg23[%dma_wait3A_590, %dma_wait3A_591] : memref<4096x128xf32, #tpu.memory_space<vmem_shared>> -> memref<4096x128xf32, #tpu.memory_space<vmem_shared>>
          tpu.wait_indirect_dma semaphore(%run_scoped3A_580 : memref<!tpu.dma_semaphore, #tpu.memory_space<semaphore_mem>>) src(%arg9 : memref<64x128xf32, #tpu.memory_space<vmem>>) dst(%dma_wait3A_592 : memref<4096x128xf32, #tpu.memory_space<vmem_shared>>)
          tpu.yield
        }) : () -> ()
        %lt3A_560 = arith.constant 11 : i32
        %lt3A_561 = arith.cmpi slt, %add3A_469, %lt3A_560 : i32
        %convert_element_type3A_562 = arith.extui %lt3A_561 : i1 to i32
        %cond3A_563 = arith.constant 0 : i32
        %cond3A_564 = arith.cmpi ne, %convert_element_type3A_562, %cond3A_563 : i32
        scf.if %cond3A_564 {
          %dma_start3A_580 = arith.constant 0 : i32
          %dma_start3A_581 = tpu.memref_slice %arg5[%add3A_469, %add3A_236, %dma_start3A_580] : memref<11x8x64xi32, #tpu.memory_space<vmem>> -> memref<1x1x64xi32, #tpu.memory_space<vmem>>
          %dma_start3A_582 = tpu.memref_squeeze %dma_start3A_581 : memref<1x1x64xi32, #tpu.memory_space<vmem>> -> memref<64xi32, #tpu.memory_space<vmem>>
          %dma_start3A_583 = arith.constant 0 : i32
          %dma_start3A_584 = arith.constant 0 : i32
          %dma_start3A_585 = tpu.memref_slice %arg3[%dma_start3A_583, %dma_start3A_584] : memref<100000x128xf32, #tpu.memory_space<hbm>> -> memref<100000x128xf32, #tpu.memory_space<hbm>>
          tpu.enqueue_indirect_dma source(%dma_start3A_585 : memref<100000x128xf32, #tpu.memory_space<hbm>>) target(%arg9 : memref<64x128xf32, #tpu.memory_space<vmem>>) offsets(%dma_start3A_582 : memref<64xi32, #tpu.memory_space<vmem>>) semaphore(%arg17 : memref<!tpu.dma_semaphore, #tpu.memory_space<semaphore_mem>>)
        } else {
        }
        %dma_wait3A_565 = arith.constant 0 : i32
        %dma_wait3A_566 = arith.constant 0 : i32
        %dma_wait3A_567 = arith.constant 0 : i32
        %dma_wait3A_568 = tpu.memref_slice %arg5[%dma_wait3A_565, %dma_wait3A_566, %dma_wait3A_567] : memref<11x8x64xi32, #tpu.memory_space<vmem>> -> memref<1x1x64xi32, #tpu.memory_space<vmem>>
        %dma_wait3A_569 = tpu.memref_squeeze %dma_wait3A_568 : memref<1x1x64xi32, #tpu.memory_space<vmem>> -> memref<64xi32, #tpu.memory_space<vmem>>
        %dma_wait3A_570 = arith.constant 0 : i32
        %dma_wait3A_571 = arith.constant 0 : i32
        %dma_wait3A_572 = tpu.memref_slice %arg3[%dma_wait3A_570, %dma_wait3A_571] : memref<100000x128xf32, #tpu.memory_space<hbm>> -> memref<100000x128xf32, #tpu.memory_space<hbm>>
        tpu.wait_indirect_dma semaphore(%arg18 : memref<!tpu.dma_semaphore, #tpu.memory_space<semaphore_mem>>) src(%dma_wait3A_572 : memref<100000x128xf32, #tpu.memory_space<hbm>>) dst(%arg10 : memref<64x128xf32, #tpu.memory_space<vmem>>)
        %run_scoped3A_573 = arith.constant 3 : i32
        "tpu.region"() ({
          %run_scoped3A_580 = tpu.sem_alloc : memref<!tpu.dma_semaphore, #tpu.memory_space<semaphore_mem>>
          %dma_start3A_581 = arith.constant 0 : i32
          %dma_start3A_582 = tpu.memref_slice %arg6[%run_scoped3A_573, %dma_start3A_581] : memref<4x64xi32, #tpu.memory_space<vmem>> -> memref<1x64xi32, #tpu.memory_space<vmem>>
          %dma_start3A_583 = tpu.memref_squeeze %dma_start3A_582 : memref<1x64xi32, #tpu.memory_space<vmem>> -> memref<64xi32, #tpu.memory_space<vmem>>
          %dma_start3A_584 = arith.constant 0 : i32
          %dma_start3A_585 = arith.constant 0 : i32
          %dma_start3A_586 = tpu.memref_slice %arg23[%dma_start3A_584, %dma_start3A_585] : memref<4096x128xf32, #tpu.memory_space<vmem_shared>> -> memref<4096x128xf32, #tpu.memory_space<vmem_shared>>
          tpu.enqueue_indirect_dma source(%arg10 : memref<64x128xf32, #tpu.memory_space<vmem>>) target(%dma_start3A_586 : memref<4096x128xf32, #tpu.memory_space<vmem_shared>>) offsets(%dma_start3A_583 : memref<64xi32, #tpu.memory_space<vmem>>) semaphore(%run_scoped3A_580 : memref<!tpu.dma_semaphore, #tpu.memory_space<semaphore_mem>>) {add = true}
          %dma_wait3A_587 = arith.constant 0 : i32
          %dma_wait3A_588 = tpu.memref_slice %arg6[%run_scoped3A_573, %dma_wait3A_587] : memref<4x64xi32, #tpu.memory_space<vmem>> -> memref<1x64xi32, #tpu.memory_space<vmem>>
          %dma_wait3A_589 = tpu.memref_squeeze %dma_wait3A_588 : memref<1x64xi32, #tpu.memory_space<vmem>> -> memref<64xi32, #tpu.memory_space<vmem>>
          %dma_wait3A_590 = arith.constant 0 : i32
          %dma_wait3A_591 = arith.constant 0 : i32
          %dma_wait3A_592 = tpu.memref_slice %arg23[%dma_wait3A_590, %dma_wait3A_591] : memref<4096x128xf32, #tpu.memory_space<vmem_shared>> -> memref<4096x128xf32, #tpu.memory_space<vmem_shared>>
          tpu.wait_indirect_dma semaphore(%run_scoped3A_580 : memref<!tpu.dma_semaphore, #tpu.memory_space<semaphore_mem>>) src(%arg10 : memref<64x128xf32, #tpu.memory_space<vmem>>) dst(%dma_wait3A_592 : memref<4096x128xf32, #tpu.memory_space<vmem_shared>>)
          tpu.yield
        }) : () -> ()
        %lt3A_574 = arith.constant 11 : i32
        %lt3A_575 = arith.cmpi slt, %add3A_469, %lt3A_574 : i32
        %convert_element_type3A_576 = arith.extui %lt3A_575 : i1 to i32
        %cond3A_577 = arith.constant 0 : i32
        %cond3A_578 = arith.cmpi ne, %convert_element_type3A_576, %cond3A_577 : i32
        scf.if %cond3A_578 {
          %dma_start3A_580 = arith.constant 0 : i32
          %dma_start3A_581 = tpu.memref_slice %arg5[%add3A_469, %add3A_240, %dma_start3A_580] : memref<11x8x64xi32, #tpu.memory_space<vmem>> -> memref<1x1x64xi32, #tpu.memory_space<vmem>>
          %dma_start3A_582 = tpu.memref_squeeze %dma_start3A_581 : memref<1x1x64xi32, #tpu.memory_space<vmem>> -> memref<64xi32, #tpu.memory_space<vmem>>
          %dma_start3A_583 = arith.constant 0 : i32
          %dma_start3A_584 = arith.constant 0 : i32
          %dma_start3A_585 = tpu.memref_slice %arg3[%dma_start3A_583, %dma_start3A_584] : memref<100000x128xf32, #tpu.memory_space<hbm>> -> memref<100000x128xf32, #tpu.memory_space<hbm>>
          tpu.enqueue_indirect_dma source(%dma_start3A_585 : memref<100000x128xf32, #tpu.memory_space<hbm>>) target(%arg10 : memref<64x128xf32, #tpu.memory_space<vmem>>) offsets(%dma_start3A_582 : memref<64xi32, #tpu.memory_space<vmem>>) semaphore(%arg18 : memref<!tpu.dma_semaphore, #tpu.memory_space<semaphore_mem>>)
        } else {
        }
        %scan3A_579 = arith.constant 0 : i32
        scf.yield %scan3A_579 : i32
      }
      %scan3A_369 = arith.constant 5 : i32
      %mul3A_370 = arith.constant 512 : i32
      %mul3A_371 = arith.muli %add3A, %mul3A_370 : i32
      %mul3A_372 = arith.constant 256 : i32
      %mul3A_373 = arith.muli %scan3A_223, %mul3A_372 : i32
      %add3A_374 = arith.addi %mul3A_371, %mul3A_373 : i32
      %add3A_375 = arith.constant 0 : i32
      %add3A_376 = arith.addi %mul3A_4, %add3A_375 : i32
      "tpu.region"() ({
        %run_scoped3A_460 = tpu.sem_alloc : memref<!tpu.dma_semaphore, #tpu.memory_space<semaphore_mem>>
        %dma_start3A_461 = arith.constant 0 : i32
        %dma_start3A_462 = tpu.memref_slice %arg23[%add3A_376, %dma_start3A_461] : memref<4096x128xf32, #tpu.memory_space<vmem_shared>> -> memref<64x128xf32, #tpu.memory_space<vmem_shared>>
        %dma_start3A_463 = arith.constant 0 : i32
        %dma_start3A_464 = tpu.memref_slice %arg23[%add3A_376, %dma_start3A_463] : memref<4096x128xf32, #tpu.memory_space<vmem_shared>> -> memref<64x128xf32, #tpu.memory_space<vmem_shared>>
        tpu.enqueue_dma source(%dma_start3A_464 : memref<64x128xf32, #tpu.memory_space<vmem_shared>>) target(%arg7 : memref<64x128xf32, #tpu.memory_space<vmem>>) target_semaphore(%run_scoped3A_460 : memref<!tpu.dma_semaphore, #tpu.memory_space<semaphore_mem>>)
        %dma_wait3A_465 = arith.constant 0 : i32
        %dma_wait3A_466 = tpu.memref_slice %arg23[%add3A_376, %dma_wait3A_465] : memref<4096x128xf32, #tpu.memory_space<vmem_shared>> -> memref<64x128xf32, #tpu.memory_space<vmem_shared>>
        %dma_wait3A_467 = arith.constant 0 : i32
        %dma_wait3A_468 = tpu.memref_slice %arg23[%add3A_376, %dma_wait3A_467] : memref<4096x128xf32, #tpu.memory_space<vmem_shared>> -> memref<64x128xf32, #tpu.memory_space<vmem_shared>>
        tpu.wait_dma2 semaphore(%run_scoped3A_460 : memref<!tpu.dma_semaphore, #tpu.memory_space<semaphore_mem>>) src(%dma_wait3A_468 : memref<64x128xf32, #tpu.memory_space<vmem_shared>>) dst(%arg7 : memref<64x128xf32, #tpu.memory_space<vmem>>)
        tpu.yield
      }) : () -> ()
      %scan3A_377 = arith.constant 0 : i32
      %scan3A_378 = arith.constant 0 : i32
      %scan3A_379 = arith.constant 64 : i32
      %scan3A_380 = arith.addi %scan3A_378, %scan3A_379 : i32
      %scan3A_381 = arith.constant 1 : i32
      %scan3A_382 = scf.for %scan3A_460 = %scan3A_378 to %scan3A_380 step %scan3A_381 iter_args(%scan3A_461 = %scan3A_377) -> (i32)  : i32 {
        %get3A = arith.index_cast %scan3A_460 : i32 to index
        %get3A_462 = arith.constant 0 : index
        %get3A_463 = tpu.vector_load %arg7[%get3A, %get3A_462] {strides = array<i32>} : memref<64x128xf32, #tpu.memory_space<vmem>>, vector<1x16xf32>,
        %get3A_464 = vector.shape_cast %get3A_463 : vector<1x16xf32> to vector<16xf32>
        %mul3A_465 = arith.constant 0.0909090936 : f32
        %mul3A_466 = vector.broadcast %mul3A_465 : f32 to vector<16xf32>
        %mul3A_467 = arith.mulf %get3A_464, %mul3A_466 : vector<16xf32>
        %swap3A_468 = arith.index_cast %scan3A_460 : i32 to index
        %swap3A_469 = arith.constant 0 : index
        %swap3A_470 = tpu.vector_load %arg7[%swap3A_468, %swap3A_469] {strides = array<i32>} : memref<64x128xf32, #tpu.memory_space<vmem>>, vector<1x16xf32>,
        %swap3A_471 = vector.shape_cast %swap3A_470 : vector<1x16xf32> to vector<16xf32>
        %swap3A_472 = vector.shape_cast %mul3A_467 : vector<16xf32> to vector<1x16xf32>
        tpu.vector_store %arg7[%swap3A_468, %swap3A_469], %swap3A_472 {strides = array<i32>} : memref<64x128xf32, #tpu.memory_space<vmem>>, vector<1x16xf32>,
        %get3A_473 = arith.index_cast %scan3A_460 : i32 to index
        %get3A_474 = arith.constant 16 : index
        %get3A_475 = tpu.vector_load %arg7[%get3A_473, %get3A_474] {strides = array<i32>} : memref<64x128xf32, #tpu.memory_space<vmem>>, vector<1x16xf32>,
        %get3A_476 = vector.shape_cast %get3A_475 : vector<1x16xf32> to vector<16xf32>
        %mul3A_477 = arith.constant 0.0909090936 : f32
        %mul3A_478 = vector.broadcast %mul3A_477 : f32 to vector<16xf32>
        %mul3A_479 = arith.mulf %get3A_476, %mul3A_478 : vector<16xf32>
        %swap3A_480 = arith.index_cast %scan3A_460 : i32 to index
        %swap3A_481 = arith.constant 16 : index
        %swap3A_482 = tpu.vector_load %arg7[%swap3A_480, %swap3A_481] {strides = array<i32>} : memref<64x128xf32, #tpu.memory_space<vmem>>, vector<1x16xf32>,
        %swap3A_483 = vector.shape_cast %swap3A_482 : vector<1x16xf32> to vector<16xf32>
        %swap3A_484 = vector.shape_cast %mul3A_479 : vector<16xf32> to vector<1x16xf32>
        tpu.vector_store %arg7[%swap3A_480, %swap3A_481], %swap3A_484 {strides = array<i32>} : memref<64x128xf32, #tpu.memory_space<vmem>>, vector<1x16xf32>,
        %get3A_485 = arith.index_cast %scan3A_460 : i32 to index
        %get3A_486 = arith.constant 32 : index
        %get3A_487 = tpu.vector_load %arg7[%get3A_485, %get3A_486] {strides = array<i32>} : memref<64x128xf32, #tpu.memory_space<vmem>>, vector<1x16xf32>,
        %get3A_488 = vector.shape_cast %get3A_487 : vector<1x16xf32> to vector<16xf32>
        %mul3A_489 = arith.constant 0.0909090936 : f32
        %mul3A_490 = vector.broadcast %mul3A_489 : f32 to vector<16xf32>
        %mul3A_491 = arith.mulf %get3A_488, %mul3A_490 : vector<16xf32>
        %swap3A_492 = arith.index_cast %scan3A_460 : i32 to index
        %swap3A_493 = arith.constant 32 : index
        %swap3A_494 = tpu.vector_load %arg7[%swap3A_492, %swap3A_493] {strides = array<i32>} : memref<64x128xf32, #tpu.memory_space<vmem>>, vector<1x16xf32>,
        %swap3A_495 = vector.shape_cast %swap3A_494 : vector<1x16xf32> to vector<16xf32>
        %swap3A_496 = vector.shape_cast %mul3A_491 : vector<16xf32> to vector<1x16xf32>
        tpu.vector_store %arg7[%swap3A_492, %swap3A_493], %swap3A_496 {strides = array<i32>} : memref<64x128xf32, #tpu.memory_space<vmem>>, vector<1x16xf32>,
        %get3A_497 = arith.index_cast %scan3A_460 : i32 to index
        %get3A_498 = arith.constant 48 : index
        %get3A_499 = tpu.vector_load %arg7[%get3A_497, %get3A_498] {strides = array<i32>} : memref<64x128xf32, #tpu.memory_space<vmem>>, vector<1x16xf32>,
        %get3A_500 = vector.shape_cast %get3A_499 : vector<1x16xf32> to vector<16xf32>
        %mul3A_501 = arith.constant 0.0909090936 : f32
        %mul3A_502 = vector.broadcast %mul3A_501 : f32 to vector<16xf32>
        %mul3A_503 = arith.mulf %get3A_500, %mul3A_502 : vector<16xf32>
        %swap3A_504 = arith.index_cast %scan3A_460 : i32 to index
        %swap3A_505 = arith.constant 48 : index
        %swap3A_506 = tpu.vector_load %arg7[%swap3A_504, %swap3A_505] {strides = array<i32>} : memref<64x128xf32, #tpu.memory_space<vmem>>, vector<1x16xf32>,
        %swap3A_507 = vector.shape_cast %swap3A_506 : vector<1x16xf32> to vector<16xf32>
        %swap3A_508 = vector.shape_cast %mul3A_503 : vector<16xf32> to vector<1x16xf32>
        tpu.vector_store %arg7[%swap3A_504, %swap3A_505], %swap3A_508 {strides = array<i32>} : memref<64x128xf32, #tpu.memory_space<vmem>>, vector<1x16xf32>,
        %get3A_509 = arith.index_cast %scan3A_460 : i32 to index
        %get3A_510 = arith.constant 64 : index
        %get3A_511 = tpu.vector_load %arg7[%get3A_509, %get3A_510] {strides = array<i32>} : memref<64x128xf32, #tpu.memory_space<vmem>>, vector<1x16xf32>,
        %get3A_512 = vector.shape_cast %get3A_511 : vector<1x16xf32> to vector<16xf32>
        %mul3A_513 = arith.constant 0.0909090936 : f32
        %mul3A_514 = vector.broadcast %mul3A_513 : f32 to vector<16xf32>
        %mul3A_515 = arith.mulf %get3A_512, %mul3A_514 : vector<16xf32>
        %swap3A_516 = arith.index_cast %scan3A_460 : i32 to index
        %swap3A_517 = arith.constant 64 : index
        %swap3A_518 = tpu.vector_load %arg7[%swap3A_516, %swap3A_517] {strides = array<i32>} : memref<64x128xf32, #tpu.memory_space<vmem>>, vector<1x16xf32>,
        %swap3A_519 = vector.shape_cast %swap3A_518 : vector<1x16xf32> to vector<16xf32>
        %swap3A_520 = vector.shape_cast %mul3A_515 : vector<16xf32> to vector<1x16xf32>
        tpu.vector_store %arg7[%swap3A_516, %swap3A_517], %swap3A_520 {strides = array<i32>} : memref<64x128xf32, #tpu.memory_space<vmem>>, vector<1x16xf32>,
        %get3A_521 = arith.index_cast %scan3A_460 : i32 to index
        %get3A_522 = arith.constant 80 : index
        %get3A_523 = tpu.vector_load %arg7[%get3A_521, %get3A_522] {strides = array<i32>} : memref<64x128xf32, #tpu.memory_space<vmem>>, vector<1x16xf32>,
        %get3A_524 = vector.shape_cast %get3A_523 : vector<1x16xf32> to vector<16xf32>
        %mul3A_525 = arith.constant 0.0909090936 : f32
        %mul3A_526 = vector.broadcast %mul3A_525 : f32 to vector<16xf32>
        %mul3A_527 = arith.mulf %get3A_524, %mul3A_526 : vector<16xf32>
        %swap3A_528 = arith.index_cast %scan3A_460 : i32 to index
        %swap3A_529 = arith.constant 80 : index
        %swap3A_530 = tpu.vector_load %arg7[%swap3A_528, %swap3A_529] {strides = array<i32>} : memref<64x128xf32, #tpu.memory_space<vmem>>, vector<1x16xf32>,
        %swap3A_531 = vector.shape_cast %swap3A_530 : vector<1x16xf32> to vector<16xf32>
        %swap3A_532 = vector.shape_cast %mul3A_527 : vector<16xf32> to vector<1x16xf32>
        tpu.vector_store %arg7[%swap3A_528, %swap3A_529], %swap3A_532 {strides = array<i32>} : memref<64x128xf32, #tpu.memory_space<vmem>>, vector<1x16xf32>,
        %get3A_533 = arith.index_cast %scan3A_460 : i32 to index
        %get3A_534 = arith.constant 96 : index
        %get3A_535 = tpu.vector_load %arg7[%get3A_533, %get3A_534] {strides = array<i32>} : memref<64x128xf32, #tpu.memory_space<vmem>>, vector<1x16xf32>,
        %get3A_536 = vector.shape_cast %get3A_535 : vector<1x16xf32> to vector<16xf32>
        %mul3A_537 = arith.constant 0.0909090936 : f32
        %mul3A_538 = vector.broadcast %mul3A_537 : f32 to vector<16xf32>
        %mul3A_539 = arith.mulf %get3A_536, %mul3A_538 : vector<16xf32>
        %swap3A_540 = arith.index_cast %scan3A_460 : i32 to index
        %swap3A_541 = arith.constant 96 : index
        %swap3A_542 = tpu.vector_load %arg7[%swap3A_540, %swap3A_541] {strides = array<i32>} : memref<64x128xf32, #tpu.memory_space<vmem>>, vector<1x16xf32>,
        %swap3A_543 = vector.shape_cast %swap3A_542 : vector<1x16xf32> to vector<16xf32>
        %swap3A_544 = vector.shape_cast %mul3A_539 : vector<16xf32> to vector<1x16xf32>
        tpu.vector_store %arg7[%swap3A_540, %swap3A_541], %swap3A_544 {strides = array<i32>} : memref<64x128xf32, #tpu.memory_space<vmem>>, vector<1x16xf32>,
        %get3A_545 = arith.index_cast %scan3A_460 : i32 to index
        %get3A_546 = arith.constant 112 : index
        %get3A_547 = tpu.vector_load %arg7[%get3A_545, %get3A_546] {strides = array<i32>} : memref<64x128xf32, #tpu.memory_space<vmem>>, vector<1x16xf32>,
        %get3A_548 = vector.shape_cast %get3A_547 : vector<1x16xf32> to vector<16xf32>
        %mul3A_549 = arith.constant 0.0909090936 : f32
        %mul3A_550 = vector.broadcast %mul3A_549 : f32 to vector<16xf32>
        %mul3A_551 = arith.mulf %get3A_548, %mul3A_550 : vector<16xf32>
        %swap3A_552 = arith.index_cast %scan3A_460 : i32 to index
        %swap3A_553 = arith.constant 112 : index
        %swap3A_554 = tpu.vector_load %arg7[%swap3A_552, %swap3A_553] {strides = array<i32>} : memref<64x128xf32, #tpu.memory_space<vmem>>, vector<1x16xf32>,
        %swap3A_555 = vector.shape_cast %swap3A_554 : vector<1x16xf32> to vector<16xf32>
        %swap3A_556 = vector.shape_cast %mul3A_551 : vector<16xf32> to vector<1x16xf32>
        tpu.vector_store %arg7[%swap3A_552, %swap3A_553], %swap3A_556 {strides = array<i32>} : memref<64x128xf32, #tpu.memory_space<vmem>>, vector<1x16xf32>,
        %scan3A_557 = arith.constant 0 : i32
        scf.yield %scan3A_557 : i32
      }
      %scan3A_383 = arith.constant 64 : i32
      %add3A_384 = arith.constant 0 : i32
      %add3A_385 = arith.addi %add3A_374, %add3A_384 : i32
      %dma_start3A_386 = arith.constant 0 : i32
      %dma_start3A_387 = tpu.memref_slice %arg4[%add3A_385, %dma_start3A_386] : memref<16384x128xf32, #tpu.memory_space<hbm>> -> memref<64x128xf32, #tpu.memory_space<hbm>>
      %dma_start3A_388 = arith.constant 0 : i32
      %dma_start3A_389 = tpu.memref_slice %arg4[%add3A_385, %dma_start3A_388] : memref<16384x128xf32, #tpu.memory_space<hbm>> -> memref<64x128xf32, #tpu.memory_space<hbm>>
      tpu.enqueue_dma source(%arg7 : memref<64x128xf32, #tpu.memory_space<vmem>>) target(%dma_start3A_389 : memref<64x128xf32, #tpu.memory_space<hbm>>) target_semaphore(%arg15 : memref<!tpu.dma_semaphore, #tpu.memory_space<semaphore_mem>>)
      %add3A_390 = arith.constant 64 : i32
      %add3A_391 = arith.addi %mul3A_4, %add3A_390 : i32
      "tpu.region"() ({
        %run_scoped3A_460 = tpu.sem_alloc : memref<!tpu.dma_semaphore, #tpu.memory_space<semaphore_mem>>
        %dma_start3A_461 = arith.constant 0 : i32
        %dma_start3A_462 = tpu.memref_slice %arg23[%add3A_391, %dma_start3A_461] : memref<4096x128xf32, #tpu.memory_space<vmem_shared>> -> memref<64x128xf32, #tpu.memory_space<vmem_shared>>
        %dma_start3A_463 = arith.constant 0 : i32
        %dma_start3A_464 = tpu.memref_slice %arg23[%add3A_391, %dma_start3A_463] : memref<4096x128xf32, #tpu.memory_space<vmem_shared>> -> memref<64x128xf32, #tpu.memory_space<vmem_shared>>
        tpu.enqueue_dma source(%dma_start3A_464 : memref<64x128xf32, #tpu.memory_space<vmem_shared>>) target(%arg8 : memref<64x128xf32, #tpu.memory_space<vmem>>) target_semaphore(%run_scoped3A_460 : memref<!tpu.dma_semaphore, #tpu.memory_space<semaphore_mem>>)
        %dma_wait3A_465 = arith.constant 0 : i32
        %dma_wait3A_466 = tpu.memref_slice %arg23[%add3A_391, %dma_wait3A_465] : memref<4096x128xf32, #tpu.memory_space<vmem_shared>> -> memref<64x128xf32, #tpu.memory_space<vmem_shared>>
        %dma_wait3A_467 = arith.constant 0 : i32
        %dma_wait3A_468 = tpu.memref_slice %arg23[%add3A_391, %dma_wait3A_467] : memref<4096x128xf32, #tpu.memory_space<vmem_shared>> -> memref<64x128xf32, #tpu.memory_space<vmem_shared>>
        tpu.wait_dma2 semaphore(%run_scoped3A_460 : memref<!tpu.dma_semaphore, #tpu.memory_space<semaphore_mem>>) src(%dma_wait3A_468 : memref<64x128xf32, #tpu.memory_space<vmem_shared>>) dst(%arg8 : memref<64x128xf32, #tpu.memory_space<vmem>>)
        tpu.yield
      }) : () -> ()
      %scan3A_392 = arith.constant 0 : i32
      %scan3A_393 = arith.constant 0 : i32
      %scan3A_394 = arith.constant 64 : i32
      %scan3A_395 = arith.addi %scan3A_393, %scan3A_394 : i32
      %scan3A_396 = arith.constant 1 : i32
      %scan3A_397 = scf.for %scan3A_460 = %scan3A_393 to %scan3A_395 step %scan3A_396 iter_args(%scan3A_461 = %scan3A_392) -> (i32)  : i32 {
        %get3A = arith.index_cast %scan3A_460 : i32 to index
        %get3A_462 = arith.constant 0 : index
        %get3A_463 = tpu.vector_load %arg8[%get3A, %get3A_462] {strides = array<i32>} : memref<64x128xf32, #tpu.memory_space<vmem>>, vector<1x16xf32>,
        %get3A_464 = vector.shape_cast %get3A_463 : vector<1x16xf32> to vector<16xf32>
        %mul3A_465 = arith.constant 0.0909090936 : f32
        %mul3A_466 = vector.broadcast %mul3A_465 : f32 to vector<16xf32>
        %mul3A_467 = arith.mulf %get3A_464, %mul3A_466 : vector<16xf32>
        %swap3A_468 = arith.index_cast %scan3A_460 : i32 to index
        %swap3A_469 = arith.constant 0 : index
        %swap3A_470 = tpu.vector_load %arg8[%swap3A_468, %swap3A_469] {strides = array<i32>} : memref<64x128xf32, #tpu.memory_space<vmem>>, vector<1x16xf32>,
        %swap3A_471 = vector.shape_cast %swap3A_470 : vector<1x16xf32> to vector<16xf32>
        %swap3A_472 = vector.shape_cast %mul3A_467 : vector<16xf32> to vector<1x16xf32>
        tpu.vector_store %arg8[%swap3A_468, %swap3A_469], %swap3A_472 {strides = array<i32>} : memref<64x128xf32, #tpu.memory_space<vmem>>, vector<1x16xf32>,
        %get3A_473 = arith.index_cast %scan3A_460 : i32 to index
        %get3A_474 = arith.constant 16 : index
        %get3A_475 = tpu.vector_load %arg8[%get3A_473, %get3A_474] {strides = array<i32>} : memref<64x128xf32, #tpu.memory_space<vmem>>, vector<1x16xf32>,
        %get3A_476 = vector.shape_cast %get3A_475 : vector<1x16xf32> to vector<16xf32>
        %mul3A_477 = arith.constant 0.0909090936 : f32
        %mul3A_478 = vector.broadcast %mul3A_477 : f32 to vector<16xf32>
        %mul3A_479 = arith.mulf %get3A_476, %mul3A_478 : vector<16xf32>
        %swap3A_480 = arith.index_cast %scan3A_460 : i32 to index
        %swap3A_481 = arith.constant 16 : index
        %swap3A_482 = tpu.vector_load %arg8[%swap3A_480, %swap3A_481] {strides = array<i32>} : memref<64x128xf32, #tpu.memory_space<vmem>>, vector<1x16xf32>,
        %swap3A_483 = vector.shape_cast %swap3A_482 : vector<1x16xf32> to vector<16xf32>
        %swap3A_484 = vector.shape_cast %mul3A_479 : vector<16xf32> to vector<1x16xf32>
        tpu.vector_store %arg8[%swap3A_480, %swap3A_481], %swap3A_484 {strides = array<i32>} : memref<64x128xf32, #tpu.memory_space<vmem>>, vector<1x16xf32>,
        %get3A_485 = arith.index_cast %scan3A_460 : i32 to index
        %get3A_486 = arith.constant 32 : index
        %get3A_487 = tpu.vector_load %arg8[%get3A_485, %get3A_486] {strides = array<i32>} : memref<64x128xf32, #tpu.memory_space<vmem>>, vector<1x16xf32>,
        %get3A_488 = vector.shape_cast %get3A_487 : vector<1x16xf32> to vector<16xf32>
        %mul3A_489 = arith.constant 0.0909090936 : f32
        %mul3A_490 = vector.broadcast %mul3A_489 : f32 to vector<16xf32>
        %mul3A_491 = arith.mulf %get3A_488, %mul3A_490 : vector<16xf32>
        %swap3A_492 = arith.index_cast %scan3A_460 : i32 to index
        %swap3A_493 = arith.constant 32 : index
        %swap3A_494 = tpu.vector_load %arg8[%swap3A_492, %swap3A_493] {strides = array<i32>} : memref<64x128xf32, #tpu.memory_space<vmem>>, vector<1x16xf32>,
        %swap3A_495 = vector.shape_cast %swap3A_494 : vector<1x16xf32> to vector<16xf32>
        %swap3A_496 = vector.shape_cast %mul3A_491 : vector<16xf32> to vector<1x16xf32>
        tpu.vector_store %arg8[%swap3A_492, %swap3A_493], %swap3A_496 {strides = array<i32>} : memref<64x128xf32, #tpu.memory_space<vmem>>, vector<1x16xf32>,
        %get3A_497 = arith.index_cast %scan3A_460 : i32 to index
        %get3A_498 = arith.constant 48 : index
        %get3A_499 = tpu.vector_load %arg8[%get3A_497, %get3A_498] {strides = array<i32>} : memref<64x128xf32, #tpu.memory_space<vmem>>, vector<1x16xf32>,
        %get3A_500 = vector.shape_cast %get3A_499 : vector<1x16xf32> to vector<16xf32>
        %mul3A_501 = arith.constant 0.0909090936 : f32
        %mul3A_502 = vector.broadcast %mul3A_501 : f32 to vector<16xf32>
        %mul3A_503 = arith.mulf %get3A_500, %mul3A_502 : vector<16xf32>
        %swap3A_504 = arith.index_cast %scan3A_460 : i32 to index
        %swap3A_505 = arith.constant 48 : index
        %swap3A_506 = tpu.vector_load %arg8[%swap3A_504, %swap3A_505] {strides = array<i32>} : memref<64x128xf32, #tpu.memory_space<vmem>>, vector<1x16xf32>,
        %swap3A_507 = vector.shape_cast %swap3A_506 : vector<1x16xf32> to vector<16xf32>
        %swap3A_508 = vector.shape_cast %mul3A_503 : vector<16xf32> to vector<1x16xf32>
        tpu.vector_store %arg8[%swap3A_504, %swap3A_505], %swap3A_508 {strides = array<i32>} : memref<64x128xf32, #tpu.memory_space<vmem>>, vector<1x16xf32>,
        %get3A_509 = arith.index_cast %scan3A_460 : i32 to index
        %get3A_510 = arith.constant 64 : index
        %get3A_511 = tpu.vector_load %arg8[%get3A_509, %get3A_510] {strides = array<i32>} : memref<64x128xf32, #tpu.memory_space<vmem>>, vector<1x16xf32>,
        %get3A_512 = vector.shape_cast %get3A_511 : vector<1x16xf32> to vector<16xf32>
        %mul3A_513 = arith.constant 0.0909090936 : f32
        %mul3A_514 = vector.broadcast %mul3A_513 : f32 to vector<16xf32>
        %mul3A_515 = arith.mulf %get3A_512, %mul3A_514 : vector<16xf32>
        %swap3A_516 = arith.index_cast %scan3A_460 : i32 to index
        %swap3A_517 = arith.constant 64 : index
        %swap3A_518 = tpu.vector_load %arg8[%swap3A_516, %swap3A_517] {strides = array<i32>} : memref<64x128xf32, #tpu.memory_space<vmem>>, vector<1x16xf32>,
        %swap3A_519 = vector.shape_cast %swap3A_518 : vector<1x16xf32> to vector<16xf32>
        %swap3A_520 = vector.shape_cast %mul3A_515 : vector<16xf32> to vector<1x16xf32>
        tpu.vector_store %arg8[%swap3A_516, %swap3A_517], %swap3A_520 {strides = array<i32>} : memref<64x128xf32, #tpu.memory_space<vmem>>, vector<1x16xf32>,
        %get3A_521 = arith.index_cast %scan3A_460 : i32 to index
        %get3A_522 = arith.constant 80 : index
        %get3A_523 = tpu.vector_load %arg8[%get3A_521, %get3A_522] {strides = array<i32>} : memref<64x128xf32, #tpu.memory_space<vmem>>, vector<1x16xf32>,
        %get3A_524 = vector.shape_cast %get3A_523 : vector<1x16xf32> to vector<16xf32>
        %mul3A_525 = arith.constant 0.0909090936 : f32
        %mul3A_526 = vector.broadcast %mul3A_525 : f32 to vector<16xf32>
        %mul3A_527 = arith.mulf %get3A_524, %mul3A_526 : vector<16xf32>
        %swap3A_528 = arith.index_cast %scan3A_460 : i32 to index
        %swap3A_529 = arith.constant 80 : index
        %swap3A_530 = tpu.vector_load %arg8[%swap3A_528, %swap3A_529] {strides = array<i32>} : memref<64x128xf32, #tpu.memory_space<vmem>>, vector<1x16xf32>,
        %swap3A_531 = vector.shape_cast %swap3A_530 : vector<1x16xf32> to vector<16xf32>
        %swap3A_532 = vector.shape_cast %mul3A_527 : vector<16xf32> to vector<1x16xf32>
        tpu.vector_store %arg8[%swap3A_528, %swap3A_529], %swap3A_532 {strides = array<i32>} : memref<64x128xf32, #tpu.memory_space<vmem>>, vector<1x16xf32>,
        %get3A_533 = arith.index_cast %scan3A_460 : i32 to index
        %get3A_534 = arith.constant 96 : index
        %get3A_535 = tpu.vector_load %arg8[%get3A_533, %get3A_534] {strides = array<i32>} : memref<64x128xf32, #tpu.memory_space<vmem>>, vector<1x16xf32>,
        %get3A_536 = vector.shape_cast %get3A_535 : vector<1x16xf32> to vector<16xf32>
        %mul3A_537 = arith.constant 0.0909090936 : f32
        %mul3A_538 = vector.broadcast %mul3A_537 : f32 to vector<16xf32>
        %mul3A_539 = arith.mulf %get3A_536, %mul3A_538 : vector<16xf32>
        %swap3A_540 = arith.index_cast %scan3A_460 : i32 to index
        %swap3A_541 = arith.constant 96 : index
        %swap3A_542 = tpu.vector_load %arg8[%swap3A_540, %swap3A_541] {strides = array<i32>} : memref<64x128xf32, #tpu.memory_space<vmem>>, vector<1x16xf32>,
        %swap3A_543 = vector.shape_cast %swap3A_542 : vector<1x16xf32> to vector<16xf32>
        %swap3A_544 = vector.shape_cast %mul3A_539 : vector<16xf32> to vector<1x16xf32>
        tpu.vector_store %arg8[%swap3A_540, %swap3A_541], %swap3A_544 {strides = array<i32>} : memref<64x128xf32, #tpu.memory_space<vmem>>, vector<1x16xf32>,
        %get3A_545 = arith.index_cast %scan3A_460 : i32 to index
        %get3A_546 = arith.constant 112 : index
        %get3A_547 = tpu.vector_load %arg8[%get3A_545, %get3A_546] {strides = array<i32>} : memref<64x128xf32, #tpu.memory_space<vmem>>, vector<1x16xf32>,
        %get3A_548 = vector.shape_cast %get3A_547 : vector<1x16xf32> to vector<16xf32>
        %mul3A_549 = arith.constant 0.0909090936 : f32
        %mul3A_550 = vector.broadcast %mul3A_549 : f32 to vector<16xf32>
        %mul3A_551 = arith.mulf %get3A_548, %mul3A_550 : vector<16xf32>
        %swap3A_552 = arith.index_cast %scan3A_460 : i32 to index
        %swap3A_553 = arith.constant 112 : index
        %swap3A_554 = tpu.vector_load %arg8[%swap3A_552, %swap3A_553] {strides = array<i32>} : memref<64x128xf32, #tpu.memory_space<vmem>>, vector<1x16xf32>,
        %swap3A_555 = vector.shape_cast %swap3A_554 : vector<1x16xf32> to vector<16xf32>
        %swap3A_556 = vector.shape_cast %mul3A_551 : vector<16xf32> to vector<1x16xf32>
        tpu.vector_store %arg8[%swap3A_552, %swap3A_553], %swap3A_556 {strides = array<i32>} : memref<64x128xf32, #tpu.memory_space<vmem>>, vector<1x16xf32>,
        %scan3A_557 = arith.constant 0 : i32
        scf.yield %scan3A_557 : i32
      }
      %scan3A_398 = arith.constant 64 : i32
      %add3A_399 = arith.constant 64 : i32
      %add3A_400 = arith.addi %add3A_374, %add3A_399 : i32
      %dma_start3A_401 = arith.constant 0 : i32
      %dma_start3A_402 = tpu.memref_slice %arg4[%add3A_400, %dma_start3A_401] : memref<16384x128xf32, #tpu.memory_space<hbm>> -> memref<64x128xf32, #tpu.memory_space<hbm>>
      %dma_start3A_403 = arith.constant 0 : i32
      %dma_start3A_404 = tpu.memref_slice %arg4[%add3A_400, %dma_start3A_403] : memref<16384x128xf32, #tpu.memory_space<hbm>> -> memref<64x128xf32, #tpu.memory_space<hbm>>
      tpu.enqueue_dma source(%arg8 : memref<64x128xf32, #tpu.memory_space<vmem>>) target(%dma_start3A_404 : memref<64x128xf32, #tpu.memory_space<hbm>>) target_semaphore(%arg16 : memref<!tpu.dma_semaphore, #tpu.memory_space<semaphore_mem>>)
      %add3A_405 = arith.constant 128 : i32
      %add3A_406 = arith.addi %mul3A_4, %add3A_405 : i32
      "tpu.region"() ({
        %run_scoped3A_460 = tpu.sem_alloc : memref<!tpu.dma_semaphore, #tpu.memory_space<semaphore_mem>>
        %dma_start3A_461 = arith.constant 0 : i32
        %dma_start3A_462 = tpu.memref_slice %arg23[%add3A_406, %dma_start3A_461] : memref<4096x128xf32, #tpu.memory_space<vmem_shared>> -> memref<64x128xf32, #tpu.memory_space<vmem_shared>>
        %dma_start3A_463 = arith.constant 0 : i32
        %dma_start3A_464 = tpu.memref_slice %arg23[%add3A_406, %dma_start3A_463] : memref<4096x128xf32, #tpu.memory_space<vmem_shared>> -> memref<64x128xf32, #tpu.memory_space<vmem_shared>>
        tpu.enqueue_dma source(%dma_start3A_464 : memref<64x128xf32, #tpu.memory_space<vmem_shared>>) target(%arg9 : memref<64x128xf32, #tpu.memory_space<vmem>>) target_semaphore(%run_scoped3A_460 : memref<!tpu.dma_semaphore, #tpu.memory_space<semaphore_mem>>)
        %dma_wait3A_465 = arith.constant 0 : i32
        %dma_wait3A_466 = tpu.memref_slice %arg23[%add3A_406, %dma_wait3A_465] : memref<4096x128xf32, #tpu.memory_space<vmem_shared>> -> memref<64x128xf32, #tpu.memory_space<vmem_shared>>
        %dma_wait3A_467 = arith.constant 0 : i32
        %dma_wait3A_468 = tpu.memref_slice %arg23[%add3A_406, %dma_wait3A_467] : memref<4096x128xf32, #tpu.memory_space<vmem_shared>> -> memref<64x128xf32, #tpu.memory_space<vmem_shared>>
        tpu.wait_dma2 semaphore(%run_scoped3A_460 : memref<!tpu.dma_semaphore, #tpu.memory_space<semaphore_mem>>) src(%dma_wait3A_468 : memref<64x128xf32, #tpu.memory_space<vmem_shared>>) dst(%arg9 : memref<64x128xf32, #tpu.memory_space<vmem>>)
        tpu.yield
      }) : () -> ()
      %scan3A_407 = arith.constant 0 : i32
      %scan3A_408 = arith.constant 0 : i32
      %scan3A_409 = arith.constant 64 : i32
      %scan3A_410 = arith.addi %scan3A_408, %scan3A_409 : i32
      %scan3A_411 = arith.constant 1 : i32
      %scan3A_412 = scf.for %scan3A_460 = %scan3A_408 to %scan3A_410 step %scan3A_411 iter_args(%scan3A_461 = %scan3A_407) -> (i32)  : i32 {
        %get3A = arith.index_cast %scan3A_460 : i32 to index
        %get3A_462 = arith.constant 0 : index
        %get3A_463 = tpu.vector_load %arg9[%get3A, %get3A_462] {strides = array<i32>} : memref<64x128xf32, #tpu.memory_space<vmem>>, vector<1x16xf32>,
        %get3A_464 = vector.shape_cast %get3A_463 : vector<1x16xf32> to vector<16xf32>
        %mul3A_465 = arith.constant 0.0909090936 : f32
        %mul3A_466 = vector.broadcast %mul3A_465 : f32 to vector<16xf32>
        %mul3A_467 = arith.mulf %get3A_464, %mul3A_466 : vector<16xf32>
        %swap3A_468 = arith.index_cast %scan3A_460 : i32 to index
        %swap3A_469 = arith.constant 0 : index
        %swap3A_470 = tpu.vector_load %arg9[%swap3A_468, %swap3A_469] {strides = array<i32>} : memref<64x128xf32, #tpu.memory_space<vmem>>, vector<1x16xf32>,
        %swap3A_471 = vector.shape_cast %swap3A_470 : vector<1x16xf32> to vector<16xf32>
        %swap3A_472 = vector.shape_cast %mul3A_467 : vector<16xf32> to vector<1x16xf32>
        tpu.vector_store %arg9[%swap3A_468, %swap3A_469], %swap3A_472 {strides = array<i32>} : memref<64x128xf32, #tpu.memory_space<vmem>>, vector<1x16xf32>,
        %get3A_473 = arith.index_cast %scan3A_460 : i32 to index
        %get3A_474 = arith.constant 16 : index
        %get3A_475 = tpu.vector_load %arg9[%get3A_473, %get3A_474] {strides = array<i32>} : memref<64x128xf32, #tpu.memory_space<vmem>>, vector<1x16xf32>,
        %get3A_476 = vector.shape_cast %get3A_475 : vector<1x16xf32> to vector<16xf32>
        %mul3A_477 = arith.constant 0.0909090936 : f32
        %mul3A_478 = vector.broadcast %mul3A_477 : f32 to vector<16xf32>
        %mul3A_479 = arith.mulf %get3A_476, %mul3A_478 : vector<16xf32>
        %swap3A_480 = arith.index_cast %scan3A_460 : i32 to index
        %swap3A_481 = arith.constant 16 : index
        %swap3A_482 = tpu.vector_load %arg9[%swap3A_480, %swap3A_481] {strides = array<i32>} : memref<64x128xf32, #tpu.memory_space<vmem>>, vector<1x16xf32>,
        %swap3A_483 = vector.shape_cast %swap3A_482 : vector<1x16xf32> to vector<16xf32>
        %swap3A_484 = vector.shape_cast %mul3A_479 : vector<16xf32> to vector<1x16xf32>
        tpu.vector_store %arg9[%swap3A_480, %swap3A_481], %swap3A_484 {strides = array<i32>} : memref<64x128xf32, #tpu.memory_space<vmem>>, vector<1x16xf32>,
        %get3A_485 = arith.index_cast %scan3A_460 : i32 to index
        %get3A_486 = arith.constant 32 : index
        %get3A_487 = tpu.vector_load %arg9[%get3A_485, %get3A_486] {strides = array<i32>} : memref<64x128xf32, #tpu.memory_space<vmem>>, vector<1x16xf32>,
        %get3A_488 = vector.shape_cast %get3A_487 : vector<1x16xf32> to vector<16xf32>
        %mul3A_489 = arith.constant 0.0909090936 : f32
        %mul3A_490 = vector.broadcast %mul3A_489 : f32 to vector<16xf32>
        %mul3A_491 = arith.mulf %get3A_488, %mul3A_490 : vector<16xf32>
        %swap3A_492 = arith.index_cast %scan3A_460 : i32 to index
        %swap3A_493 = arith.constant 32 : index
        %swap3A_494 = tpu.vector_load %arg9[%swap3A_492, %swap3A_493] {strides = array<i32>} : memref<64x128xf32, #tpu.memory_space<vmem>>, vector<1x16xf32>,
        %swap3A_495 = vector.shape_cast %swap3A_494 : vector<1x16xf32> to vector<16xf32>
        %swap3A_496 = vector.shape_cast %mul3A_491 : vector<16xf32> to vector<1x16xf32>
        tpu.vector_store %arg9[%swap3A_492, %swap3A_493], %swap3A_496 {strides = array<i32>} : memref<64x128xf32, #tpu.memory_space<vmem>>, vector<1x16xf32>,
        %get3A_497 = arith.index_cast %scan3A_460 : i32 to index
        %get3A_498 = arith.constant 48 : index
        %get3A_499 = tpu.vector_load %arg9[%get3A_497, %get3A_498] {strides = array<i32>} : memref<64x128xf32, #tpu.memory_space<vmem>>, vector<1x16xf32>,
        %get3A_500 = vector.shape_cast %get3A_499 : vector<1x16xf32> to vector<16xf32>
        %mul3A_501 = arith.constant 0.0909090936 : f32
        %mul3A_502 = vector.broadcast %mul3A_501 : f32 to vector<16xf32>
        %mul3A_503 = arith.mulf %get3A_500, %mul3A_502 : vector<16xf32>
        %swap3A_504 = arith.index_cast %scan3A_460 : i32 to index
        %swap3A_505 = arith.constant 48 : index
        %swap3A_506 = tpu.vector_load %arg9[%swap3A_504, %swap3A_505] {strides = array<i32>} : memref<64x128xf32, #tpu.memory_space<vmem>>, vector<1x16xf32>,
        %swap3A_507 = vector.shape_cast %swap3A_506 : vector<1x16xf32> to vector<16xf32>
        %swap3A_508 = vector.shape_cast %mul3A_503 : vector<16xf32> to vector<1x16xf32>
        tpu.vector_store %arg9[%swap3A_504, %swap3A_505], %swap3A_508 {strides = array<i32>} : memref<64x128xf32, #tpu.memory_space<vmem>>, vector<1x16xf32>,
        %get3A_509 = arith.index_cast %scan3A_460 : i32 to index
        %get3A_510 = arith.constant 64 : index
        %get3A_511 = tpu.vector_load %arg9[%get3A_509, %get3A_510] {strides = array<i32>} : memref<64x128xf32, #tpu.memory_space<vmem>>, vector<1x16xf32>,
        %get3A_512 = vector.shape_cast %get3A_511 : vector<1x16xf32> to vector<16xf32>
        %mul3A_513 = arith.constant 0.0909090936 : f32
        %mul3A_514 = vector.broadcast %mul3A_513 : f32 to vector<16xf32>
        %mul3A_515 = arith.mulf %get3A_512, %mul3A_514 : vector<16xf32>
        %swap3A_516 = arith.index_cast %scan3A_460 : i32 to index
        %swap3A_517 = arith.constant 64 : index
        %swap3A_518 = tpu.vector_load %arg9[%swap3A_516, %swap3A_517] {strides = array<i32>} : memref<64x128xf32, #tpu.memory_space<vmem>>, vector<1x16xf32>,
        %swap3A_519 = vector.shape_cast %swap3A_518 : vector<1x16xf32> to vector<16xf32>
        %swap3A_520 = vector.shape_cast %mul3A_515 : vector<16xf32> to vector<1x16xf32>
        tpu.vector_store %arg9[%swap3A_516, %swap3A_517], %swap3A_520 {strides = array<i32>} : memref<64x128xf32, #tpu.memory_space<vmem>>, vector<1x16xf32>,
        %get3A_521 = arith.index_cast %scan3A_460 : i32 to index
        %get3A_522 = arith.constant 80 : index
        %get3A_523 = tpu.vector_load %arg9[%get3A_521, %get3A_522] {strides = array<i32>} : memref<64x128xf32, #tpu.memory_space<vmem>>, vector<1x16xf32>,
        %get3A_524 = vector.shape_cast %get3A_523 : vector<1x16xf32> to vector<16xf32>
        %mul3A_525 = arith.constant 0.0909090936 : f32
        %mul3A_526 = vector.broadcast %mul3A_525 : f32 to vector<16xf32>
        %mul3A_527 = arith.mulf %get3A_524, %mul3A_526 : vector<16xf32>
        %swap3A_528 = arith.index_cast %scan3A_460 : i32 to index
        %swap3A_529 = arith.constant 80 : index
        %swap3A_530 = tpu.vector_load %arg9[%swap3A_528, %swap3A_529] {strides = array<i32>} : memref<64x128xf32, #tpu.memory_space<vmem>>, vector<1x16xf32>,
        %swap3A_531 = vector.shape_cast %swap3A_530 : vector<1x16xf32> to vector<16xf32>
        %swap3A_532 = vector.shape_cast %mul3A_527 : vector<16xf32> to vector<1x16xf32>
        tpu.vector_store %arg9[%swap3A_528, %swap3A_529], %swap3A_532 {strides = array<i32>} : memref<64x128xf32, #tpu.memory_space<vmem>>, vector<1x16xf32>,
        %get3A_533 = arith.index_cast %scan3A_460 : i32 to index
        %get3A_534 = arith.constant 96 : index
        %get3A_535 = tpu.vector_load %arg9[%get3A_533, %get3A_534] {strides = array<i32>} : memref<64x128xf32, #tpu.memory_space<vmem>>, vector<1x16xf32>,
        %get3A_536 = vector.shape_cast %get3A_535 : vector<1x16xf32> to vector<16xf32>
        %mul3A_537 = arith.constant 0.0909090936 : f32
        %mul3A_538 = vector.broadcast %mul3A_537 : f32 to vector<16xf32>
        %mul3A_539 = arith.mulf %get3A_536, %mul3A_538 : vector<16xf32>
        %swap3A_540 = arith.index_cast %scan3A_460 : i32 to index
        %swap3A_541 = arith.constant 96 : index
        %swap3A_542 = tpu.vector_load %arg9[%swap3A_540, %swap3A_541] {strides = array<i32>} : memref<64x128xf32, #tpu.memory_space<vmem>>, vector<1x16xf32>,
        %swap3A_543 = vector.shape_cast %swap3A_542 : vector<1x16xf32> to vector<16xf32>
        %swap3A_544 = vector.shape_cast %mul3A_539 : vector<16xf32> to vector<1x16xf32>
        tpu.vector_store %arg9[%swap3A_540, %swap3A_541], %swap3A_544 {strides = array<i32>} : memref<64x128xf32, #tpu.memory_space<vmem>>, vector<1x16xf32>,
        %get3A_545 = arith.index_cast %scan3A_460 : i32 to index
        %get3A_546 = arith.constant 112 : index
        %get3A_547 = tpu.vector_load %arg9[%get3A_545, %get3A_546] {strides = array<i32>} : memref<64x128xf32, #tpu.memory_space<vmem>>, vector<1x16xf32>,
        %get3A_548 = vector.shape_cast %get3A_547 : vector<1x16xf32> to vector<16xf32>
        %mul3A_549 = arith.constant 0.0909090936 : f32
        %mul3A_550 = vector.broadcast %mul3A_549 : f32 to vector<16xf32>
        %mul3A_551 = arith.mulf %get3A_548, %mul3A_550 : vector<16xf32>
        %swap3A_552 = arith.index_cast %scan3A_460 : i32 to index
        %swap3A_553 = arith.constant 112 : index
        %swap3A_554 = tpu.vector_load %arg9[%swap3A_552, %swap3A_553] {strides = array<i32>} : memref<64x128xf32, #tpu.memory_space<vmem>>, vector<1x16xf32>,
        %swap3A_555 = vector.shape_cast %swap3A_554 : vector<1x16xf32> to vector<16xf32>
        %swap3A_556 = vector.shape_cast %mul3A_551 : vector<16xf32> to vector<1x16xf32>
        tpu.vector_store %arg9[%swap3A_552, %swap3A_553], %swap3A_556 {strides = array<i32>} : memref<64x128xf32, #tpu.memory_space<vmem>>, vector<1x16xf32>,
        %scan3A_557 = arith.constant 0 : i32
        scf.yield %scan3A_557 : i32
      }
      %scan3A_413 = arith.constant 64 : i32
      %add3A_414 = arith.constant 128 : i32
      %add3A_415 = arith.addi %add3A_374, %add3A_414 : i32
      %dma_start3A_416 = arith.constant 0 : i32
      %dma_start3A_417 = tpu.memref_slice %arg4[%add3A_415, %dma_start3A_416] : memref<16384x128xf32, #tpu.memory_space<hbm>> -> memref<64x128xf32, #tpu.memory_space<hbm>>
      %dma_start3A_418 = arith.constant 0 : i32
      %dma_start3A_419 = tpu.memref_slice %arg4[%add3A_415, %dma_start3A_418] : memref<16384x128xf32, #tpu.memory_space<hbm>> -> memref<64x128xf32, #tpu.memory_space<hbm>>
      tpu.enqueue_dma source(%arg9 : memref<64x128xf32, #tpu.memory_space<vmem>>) target(%dma_start3A_419 : memref<64x128xf32, #tpu.memory_space<hbm>>) target_semaphore(%arg17 : memref<!tpu.dma_semaphore, #tpu.memory_space<semaphore_mem>>)
      %add3A_420 = arith.constant 192 : i32
      %add3A_421 = arith.addi %mul3A_4, %add3A_420 : i32
      "tpu.region"() ({
        %run_scoped3A_460 = tpu.sem_alloc : memref<!tpu.dma_semaphore, #tpu.memory_space<semaphore_mem>>
        %dma_start3A_461 = arith.constant 0 : i32
        %dma_start3A_462 = tpu.memref_slice %arg23[%add3A_421, %dma_start3A_461] : memref<4096x128xf32, #tpu.memory_space<vmem_shared>> -> memref<64x128xf32, #tpu.memory_space<vmem_shared>>
        %dma_start3A_463 = arith.constant 0 : i32
        %dma_start3A_464 = tpu.memref_slice %arg23[%add3A_421, %dma_start3A_463] : memref<4096x128xf32, #tpu.memory_space<vmem_shared>> -> memref<64x128xf32, #tpu.memory_space<vmem_shared>>
        tpu.enqueue_dma source(%dma_start3A_464 : memref<64x128xf32, #tpu.memory_space<vmem_shared>>) target(%arg10 : memref<64x128xf32, #tpu.memory_space<vmem>>) target_semaphore(%run_scoped3A_460 : memref<!tpu.dma_semaphore, #tpu.memory_space<semaphore_mem>>)
        %dma_wait3A_465 = arith.constant 0 : i32
        %dma_wait3A_466 = tpu.memref_slice %arg23[%add3A_421, %dma_wait3A_465] : memref<4096x128xf32, #tpu.memory_space<vmem_shared>> -> memref<64x128xf32, #tpu.memory_space<vmem_shared>>
        %dma_wait3A_467 = arith.constant 0 : i32
        %dma_wait3A_468 = tpu.memref_slice %arg23[%add3A_421, %dma_wait3A_467] : memref<4096x128xf32, #tpu.memory_space<vmem_shared>> -> memref<64x128xf32, #tpu.memory_space<vmem_shared>>
        tpu.wait_dma2 semaphore(%run_scoped3A_460 : memref<!tpu.dma_semaphore, #tpu.memory_space<semaphore_mem>>) src(%dma_wait3A_468 : memref<64x128xf32, #tpu.memory_space<vmem_shared>>) dst(%arg10 : memref<64x128xf32, #tpu.memory_space<vmem>>)
        tpu.yield
      }) : () -> ()
      %scan3A_422 = arith.constant 0 : i32
      %scan3A_423 = arith.constant 0 : i32
      %scan3A_424 = arith.constant 64 : i32
      %scan3A_425 = arith.addi %scan3A_423, %scan3A_424 : i32
      %scan3A_426 = arith.constant 1 : i32
      %scan3A_427 = scf.for %scan3A_460 = %scan3A_423 to %scan3A_425 step %scan3A_426 iter_args(%scan3A_461 = %scan3A_422) -> (i32)  : i32 {
        %get3A = arith.index_cast %scan3A_460 : i32 to index
        %get3A_462 = arith.constant 0 : index
        %get3A_463 = tpu.vector_load %arg10[%get3A, %get3A_462] {strides = array<i32>} : memref<64x128xf32, #tpu.memory_space<vmem>>, vector<1x16xf32>,
        %get3A_464 = vector.shape_cast %get3A_463 : vector<1x16xf32> to vector<16xf32>
        %mul3A_465 = arith.constant 0.0909090936 : f32
        %mul3A_466 = vector.broadcast %mul3A_465 : f32 to vector<16xf32>
        %mul3A_467 = arith.mulf %get3A_464, %mul3A_466 : vector<16xf32>
        %swap3A_468 = arith.index_cast %scan3A_460 : i32 to index
        %swap3A_469 = arith.constant 0 : index
        %swap3A_470 = tpu.vector_load %arg10[%swap3A_468, %swap3A_469] {strides = array<i32>} : memref<64x128xf32, #tpu.memory_space<vmem>>, vector<1x16xf32>,
        %swap3A_471 = vector.shape_cast %swap3A_470 : vector<1x16xf32> to vector<16xf32>
        %swap3A_472 = vector.shape_cast %mul3A_467 : vector<16xf32> to vector<1x16xf32>
        tpu.vector_store %arg10[%swap3A_468, %swap3A_469], %swap3A_472 {strides = array<i32>} : memref<64x128xf32, #tpu.memory_space<vmem>>, vector<1x16xf32>,
        %get3A_473 = arith.index_cast %scan3A_460 : i32 to index
        %get3A_474 = arith.constant 16 : index
        %get3A_475 = tpu.vector_load %arg10[%get3A_473, %get3A_474] {strides = array<i32>} : memref<64x128xf32, #tpu.memory_space<vmem>>, vector<1x16xf32>,
        %get3A_476 = vector.shape_cast %get3A_475 : vector<1x16xf32> to vector<16xf32>
        %mul3A_477 = arith.constant 0.0909090936 : f32
        %mul3A_478 = vector.broadcast %mul3A_477 : f32 to vector<16xf32>
        %mul3A_479 = arith.mulf %get3A_476, %mul3A_478 : vector<16xf32>
        %swap3A_480 = arith.index_cast %scan3A_460 : i32 to index
        %swap3A_481 = arith.constant 16 : index
        %swap3A_482 = tpu.vector_load %arg10[%swap3A_480, %swap3A_481] {strides = array<i32>} : memref<64x128xf32, #tpu.memory_space<vmem>>, vector<1x16xf32>,
        %swap3A_483 = vector.shape_cast %swap3A_482 : vector<1x16xf32> to vector<16xf32>
        %swap3A_484 = vector.shape_cast %mul3A_479 : vector<16xf32> to vector<1x16xf32>
        tpu.vector_store %arg10[%swap3A_480, %swap3A_481], %swap3A_484 {strides = array<i32>} : memref<64x128xf32, #tpu.memory_space<vmem>>, vector<1x16xf32>,
        %get3A_485 = arith.index_cast %scan3A_460 : i32 to index
        %get3A_486 = arith.constant 32 : index
        %get3A_487 = tpu.vector_load %arg10[%get3A_485, %get3A_486] {strides = array<i32>} : memref<64x128xf32, #tpu.memory_space<vmem>>, vector<1x16xf32>,
        %get3A_488 = vector.shape_cast %get3A_487 : vector<1x16xf32> to vector<16xf32>
        %mul3A_489 = arith.constant 0.0909090936 : f32
        %mul3A_490 = vector.broadcast %mul3A_489 : f32 to vector<16xf32>
        %mul3A_491 = arith.mulf %get3A_488, %mul3A_490 : vector<16xf32>
        %swap3A_492 = arith.index_cast %scan3A_460 : i32 to index
        %swap3A_493 = arith.constant 32 : index
        %swap3A_494 = tpu.vector_load %arg10[%swap3A_492, %swap3A_493] {strides = array<i32>} : memref<64x128xf32, #tpu.memory_space<vmem>>, vector<1x16xf32>,
        %swap3A_495 = vector.shape_cast %swap3A_494 : vector<1x16xf32> to vector<16xf32>
        %swap3A_496 = vector.shape_cast %mul3A_491 : vector<16xf32> to vector<1x16xf32>
        tpu.vector_store %arg10[%swap3A_492, %swap3A_493], %swap3A_496 {strides = array<i32>} : memref<64x128xf32, #tpu.memory_space<vmem>>, vector<1x16xf32>,
        %get3A_497 = arith.index_cast %scan3A_460 : i32 to index
        %get3A_498 = arith.constant 48 : index
        %get3A_499 = tpu.vector_load %arg10[%get3A_497, %get3A_498] {strides = array<i32>} : memref<64x128xf32, #tpu.memory_space<vmem>>, vector<1x16xf32>,
        %get3A_500 = vector.shape_cast %get3A_499 : vector<1x16xf32> to vector<16xf32>
        %mul3A_501 = arith.constant 0.0909090936 : f32
        %mul3A_502 = vector.broadcast %mul3A_501 : f32 to vector<16xf32>
        %mul3A_503 = arith.mulf %get3A_500, %mul3A_502 : vector<16xf32>
        %swap3A_504 = arith.index_cast %scan3A_460 : i32 to index
        %swap3A_505 = arith.constant 48 : index
        %swap3A_506 = tpu.vector_load %arg10[%swap3A_504, %swap3A_505] {strides = array<i32>} : memref<64x128xf32, #tpu.memory_space<vmem>>, vector<1x16xf32>,
        %swap3A_507 = vector.shape_cast %swap3A_506 : vector<1x16xf32> to vector<16xf32>
        %swap3A_508 = vector.shape_cast %mul3A_503 : vector<16xf32> to vector<1x16xf32>
        tpu.vector_store %arg10[%swap3A_504, %swap3A_505], %swap3A_508 {strides = array<i32>} : memref<64x128xf32, #tpu.memory_space<vmem>>, vector<1x16xf32>,
        %get3A_509 = arith.index_cast %scan3A_460 : i32 to index
        %get3A_510 = arith.constant 64 : index
        %get3A_511 = tpu.vector_load %arg10[%get3A_509, %get3A_510] {strides = array<i32>} : memref<64x128xf32, #tpu.memory_space<vmem>>, vector<1x16xf32>,
        %get3A_512 = vector.shape_cast %get3A_511 : vector<1x16xf32> to vector<16xf32>
        %mul3A_513 = arith.constant 0.0909090936 : f32
        %mul3A_514 = vector.broadcast %mul3A_513 : f32 to vector<16xf32>
        %mul3A_515 = arith.mulf %get3A_512, %mul3A_514 : vector<16xf32>
        %swap3A_516 = arith.index_cast %scan3A_460 : i32 to index
        %swap3A_517 = arith.constant 64 : index
        %swap3A_518 = tpu.vector_load %arg10[%swap3A_516, %swap3A_517] {strides = array<i32>} : memref<64x128xf32, #tpu.memory_space<vmem>>, vector<1x16xf32>,
        %swap3A_519 = vector.shape_cast %swap3A_518 : vector<1x16xf32> to vector<16xf32>
        %swap3A_520 = vector.shape_cast %mul3A_515 : vector<16xf32> to vector<1x16xf32>
        tpu.vector_store %arg10[%swap3A_516, %swap3A_517], %swap3A_520 {strides = array<i32>} : memref<64x128xf32, #tpu.memory_space<vmem>>, vector<1x16xf32>,
        %get3A_521 = arith.index_cast %scan3A_460 : i32 to index
        %get3A_522 = arith.constant 80 : index
        %get3A_523 = tpu.vector_load %arg10[%get3A_521, %get3A_522] {strides = array<i32>} : memref<64x128xf32, #tpu.memory_space<vmem>>, vector<1x16xf32>,
        %get3A_524 = vector.shape_cast %get3A_523 : vector<1x16xf32> to vector<16xf32>
        %mul3A_525 = arith.constant 0.0909090936 : f32
        %mul3A_526 = vector.broadcast %mul3A_525 : f32 to vector<16xf32>
        %mul3A_527 = arith.mulf %get3A_524, %mul3A_526 : vector<16xf32>
        %swap3A_528 = arith.index_cast %scan3A_460 : i32 to index
        %swap3A_529 = arith.constant 80 : index
        %swap3A_530 = tpu.vector_load %arg10[%swap3A_528, %swap3A_529] {strides = array<i32>} : memref<64x128xf32, #tpu.memory_space<vmem>>, vector<1x16xf32>,
        %swap3A_531 = vector.shape_cast %swap3A_530 : vector<1x16xf32> to vector<16xf32>
        %swap3A_532 = vector.shape_cast %mul3A_527 : vector<16xf32> to vector<1x16xf32>
        tpu.vector_store %arg10[%swap3A_528, %swap3A_529], %swap3A_532 {strides = array<i32>} : memref<64x128xf32, #tpu.memory_space<vmem>>, vector<1x16xf32>,
        %get3A_533 = arith.index_cast %scan3A_460 : i32 to index
        %get3A_534 = arith.constant 96 : index
        %get3A_535 = tpu.vector_load %arg10[%get3A_533, %get3A_534] {strides = array<i32>} : memref<64x128xf32, #tpu.memory_space<vmem>>, vector<1x16xf32>,
        %get3A_536 = vector.shape_cast %get3A_535 : vector<1x16xf32> to vector<16xf32>
        %mul3A_537 = arith.constant 0.0909090936 : f32
        %mul3A_538 = vector.broadcast %mul3A_537 : f32 to vector<16xf32>
        %mul3A_539 = arith.mulf %get3A_536, %mul3A_538 : vector<16xf32>
        %swap3A_540 = arith.index_cast %scan3A_460 : i32 to index
        %swap3A_541 = arith.constant 96 : index
        %swap3A_542 = tpu.vector_load %arg10[%swap3A_540, %swap3A_541] {strides = array<i32>} : memref<64x128xf32, #tpu.memory_space<vmem>>, vector<1x16xf32>,
        %swap3A_543 = vector.shape_cast %swap3A_542 : vector<1x16xf32> to vector<16xf32>
        %swap3A_544 = vector.shape_cast %mul3A_539 : vector<16xf32> to vector<1x16xf32>
        tpu.vector_store %arg10[%swap3A_540, %swap3A_541], %swap3A_544 {strides = array<i32>} : memref<64x128xf32, #tpu.memory_space<vmem>>, vector<1x16xf32>,
        %get3A_545 = arith.index_cast %scan3A_460 : i32 to index
        %get3A_546 = arith.constant 112 : index
        %get3A_547 = tpu.vector_load %arg10[%get3A_545, %get3A_546] {strides = array<i32>} : memref<64x128xf32, #tpu.memory_space<vmem>>, vector<1x16xf32>,
        %get3A_548 = vector.shape_cast %get3A_547 : vector<1x16xf32> to vector<16xf32>
        %mul3A_549 = arith.constant 0.0909090936 : f32
        %mul3A_550 = vector.broadcast %mul3A_549 : f32 to vector<16xf32>
        %mul3A_551 = arith.mulf %get3A_548, %mul3A_550 : vector<16xf32>
        %swap3A_552 = arith.index_cast %scan3A_460 : i32 to index
        %swap3A_553 = arith.constant 112 : index
        %swap3A_554 = tpu.vector_load %arg10[%swap3A_552, %swap3A_553] {strides = array<i32>} : memref<64x128xf32, #tpu.memory_space<vmem>>, vector<1x16xf32>,
        %swap3A_555 = vector.shape_cast %swap3A_554 : vector<1x16xf32> to vector<16xf32>
        %swap3A_556 = vector.shape_cast %mul3A_551 : vector<16xf32> to vector<1x16xf32>
        tpu.vector_store %arg10[%swap3A_552, %swap3A_553], %swap3A_556 {strides = array<i32>} : memref<64x128xf32, #tpu.memory_space<vmem>>, vector<1x16xf32>,
        %scan3A_557 = arith.constant 0 : i32
        scf.yield %scan3A_557 : i32
      }
      %scan3A_428 = arith.constant 64 : i32
      %add3A_429 = arith.constant 192 : i32
      %add3A_430 = arith.addi %add3A_374, %add3A_429 : i32
      %dma_start3A_431 = arith.constant 0 : i32
      %dma_start3A_432 = tpu.memref_slice %arg4[%add3A_430, %dma_start3A_431] : memref<16384x128xf32, #tpu.memory_space<hbm>> -> memref<64x128xf32, #tpu.memory_space<hbm>>
      %dma_start3A_433 = arith.constant 0 : i32
      %dma_start3A_434 = tpu.memref_slice %arg4[%add3A_430, %dma_start3A_433] : memref<16384x128xf32, #tpu.memory_space<hbm>> -> memref<64x128xf32, #tpu.memory_space<hbm>>
      tpu.enqueue_dma source(%arg10 : memref<64x128xf32, #tpu.memory_space<vmem>>) target(%dma_start3A_434 : memref<64x128xf32, #tpu.memory_space<hbm>>) target_semaphore(%arg18 : memref<!tpu.dma_semaphore, #tpu.memory_space<semaphore_mem>>)
      %add3A_435 = arith.constant 0 : i32
      %add3A_436 = arith.addi %add3A_374, %add3A_435 : i32
      %dma_wait3A_437 = arith.constant 0 : i32
      %dma_wait3A_438 = tpu.memref_slice %arg4[%add3A_436, %dma_wait3A_437] : memref<16384x128xf32, #tpu.memory_space<hbm>> -> memref<64x128xf32, #tpu.memory_space<hbm>>
      %dma_wait3A_439 = arith.constant 0 : i32
      %dma_wait3A_440 = tpu.memref_slice %arg4[%add3A_436, %dma_wait3A_439] : memref<16384x128xf32, #tpu.memory_space<hbm>> -> memref<64x128xf32, #tpu.memory_space<hbm>>
      tpu.wait_dma2 semaphore(%arg15 : memref<!tpu.dma_semaphore, #tpu.memory_space<semaphore_mem>>) src(%arg7 : memref<64x128xf32, #tpu.memory_space<vmem>>) dst(%dma_wait3A_440 : memref<64x128xf32, #tpu.memory_space<hbm>>)
      %add3A_441 = arith.constant 64 : i32
      %add3A_442 = arith.addi %add3A_374, %add3A_441 : i32
      %dma_wait3A_443 = arith.constant 0 : i32
      %dma_wait3A_444 = tpu.memref_slice %arg4[%add3A_442, %dma_wait3A_443] : memref<16384x128xf32, #tpu.memory_space<hbm>> -> memref<64x128xf32, #tpu.memory_space<hbm>>
      %dma_wait3A_445 = arith.constant 0 : i32
      %dma_wait3A_446 = tpu.memref_slice %arg4[%add3A_442, %dma_wait3A_445] : memref<16384x128xf32, #tpu.memory_space<hbm>> -> memref<64x128xf32, #tpu.memory_space<hbm>>
      tpu.wait_dma2 semaphore(%arg16 : memref<!tpu.dma_semaphore, #tpu.memory_space<semaphore_mem>>) src(%arg8 : memref<64x128xf32, #tpu.memory_space<vmem>>) dst(%dma_wait3A_446 : memref<64x128xf32, #tpu.memory_space<hbm>>)
      %add3A_447 = arith.constant 128 : i32
      %add3A_448 = arith.addi %add3A_374, %add3A_447 : i32
      %dma_wait3A_449 = arith.constant 0 : i32
      %dma_wait3A_450 = tpu.memref_slice %arg4[%add3A_448, %dma_wait3A_449] : memref<16384x128xf32, #tpu.memory_space<hbm>> -> memref<64x128xf32, #tpu.memory_space<hbm>>
      %dma_wait3A_451 = arith.constant 0 : i32
      %dma_wait3A_452 = tpu.memref_slice %arg4[%add3A_448, %dma_wait3A_451] : memref<16384x128xf32, #tpu.memory_space<hbm>> -> memref<64x128xf32, #tpu.memory_space<hbm>>
      tpu.wait_dma2 semaphore(%arg17 : memref<!tpu.dma_semaphore, #tpu.memory_space<semaphore_mem>>) src(%arg9 : memref<64x128xf32, #tpu.memory_space<vmem>>) dst(%dma_wait3A_452 : memref<64x128xf32, #tpu.memory_space<hbm>>)
      %add3A_453 = arith.constant 192 : i32
      %add3A_454 = arith.addi %add3A_374, %add3A_453 : i32
      %dma_wait3A_455 = arith.constant 0 : i32
      %dma_wait3A_456 = tpu.memref_slice %arg4[%add3A_454, %dma_wait3A_455] : memref<16384x128xf32, #tpu.memory_space<hbm>> -> memref<64x128xf32, #tpu.memory_space<hbm>>
      %dma_wait3A_457 = arith.constant 0 : i32
      %dma_wait3A_458 = tpu.memref_slice %arg4[%add3A_454, %dma_wait3A_457] : memref<16384x128xf32, #tpu.memory_space<hbm>> -> memref<64x128xf32, #tpu.memory_space<hbm>>
      tpu.wait_dma2 semaphore(%arg18 : memref<!tpu.dma_semaphore, #tpu.memory_space<semaphore_mem>>) src(%arg10 : memref<64x128xf32, #tpu.memory_space<vmem>>) dst(%dma_wait3A_458 : memref<64x128xf32, #tpu.memory_space<hbm>>)
      %scan3A_459 = arith.constant 0 : i32
      scf.yield %scan3A_459 : i32
    }
    %scan3A_222 = arith.constant 2 : i32
    return
  }
}

</mosaic_0001>

<sc_bundles>
// kernel: _agg.3.cloned.1.call-start
scs
__scs_entry_jumppad:
0x0: {  	(pc) =	sbr.rel $0x88, $3  }
0x1: {  	(tag) =	ssettag $0x0;
	lr =	simm.s32 $0x1  }
0x2: {  	[smem:$0x3F9F] =	sst lr;
	_ =	strace $0xD0000000  }
0x3: {  	_ = 	snop  }
0x4: {  	_ = 	snop  }
0x5: {  	_ = 	snop  }
0x6: {  	_ = 	snop  }
0x7: {  	_ = 	snop  }
__scs_overlays_trampoline_lowered:
0x8: {  	[smem:$0x3FAE] =	sst s0  }
0x9: {  	[smem:$0x3FAF] =	sst s1  }
0xa: {  	[smem:$0x3FB0] =	sst s2  }
0xb: {  	[smem:$0x3FB1] =	sst s3  }
0xc: {  	[smem:$0x3FB2] =	sst s4  }
0xd: {  	[smem:$0x3FB3] =	sst s5  }
0xe: {  	[smem:$0x3FB4] =	sst s6  }
0xf: {  	[smem:$0x3FB5] =	sst s7  }
0x10: {  	[smem:$0x3FB6] =	sst s8  }
0x11: {  	[smem:$0x3FB7] =	sst s9;
	s0 =	simm.s32 @!p0 $0x0  }
0x12: {  	s1 =	sld [smem:$0x3F9D];
	s0 =	simm.s32 @p0 $0x1  }
0x13: {  	[smem:$0x3FB8] =	sst s0;
	s0 =	simm.s32 @!p1 $0x0  }
0x14: {  	s2 =	sld [smem:$0x3F9C];
	s0 =	simm.s32 @p1 $0x1  }
0x15: {  	[smem:$0x3FB9] =	sst s0;
	s0 =	simm.s32 @!p2 $0x0  }
0x16: {  	s3 =	sld [smem:$0x3FDB];
	s0 =	simm.s32 @p2 $0x1  }
0x17: {  	s4 =	simm.s32 $0x1BF5;
	[smem:$0x3FBB] =	sst s0  }
0x18: {  	s0 =	sld [smem:$0x3F9E];
	_ =	swait.ge [sflag:s4], $0x0  }
0x19: {  	s7 =	sld [smem:$0x3F9F]  }
0x1a: {  	s8 =	sadd.s32 $0xFFFFE003, lr  }
0x1b: {  	s9 =	sadd.s32 $0xFFFFFEF7, lr;
	s5 =	simm.s32 $0xFFFFFFFF;
	p2 =	slt.u32 s8, $0xFFFFF086  }
0x1c: {  	p1 =	slt.u32 s9, $0xF7A;
	s5 =	simm.s32 @!p2 $0x0  }
0x1d: {  	s5 =	simm.s32 @p1 $0x1;
	p0 =	seq.s32 s7, s2  }
0x1e: {  	s7 =	smul.u32 @!p0 $0xF7A, s2;
	p2 =	seq.s32 @!p0 s5, $0x0  }
0x1f: {  	s9 =	smul.u32 $0xF7A, s1;
	s8 =	simm.s32 @!p0 $0x1BF5;
	p2 =	por !p2, p0  }
0x20: {  	[sflag:s8] =	ssyncset.s32 @!p0 $0xFFFFF086;
	s6 =	sadd.s32 @!p0 s3, s7;
	s7 =	simm.s32 @!p0 $0x108  }
0x21: {  	s3 =	sadd.s32 s3, s9;
	s6 =	sadd.s32 @!p0 $0x88, s6;
	s7 =	simm.s32 @p2 $0x1082  }
0x22: {  	[simem:s7], [sflag:s8] =	dma.local @!p0 [hbm:s6], $0xF7A  }
0x23: {  	s9 =	sor.u32 $0xD0000000, s2;
	s6 =	simm.s32 $0x108;
	_ =	swait.ge @!p0 [sflag:s8], $0x0  }
0x24: {  	s3 =	sadd.s32 $0x88, s3;
	s6 =	simm.s32 @!p1 $0x1082;
	[sflag:s4] =	ssyncset.s32 $0xFFFFF086  }
0x25: {  	[simem:s6], [sflag:s4] =	dma.local [hbm:s3], $0xF7A  }
0x26: {  	[smem:$0x3F9F] =	sst s1;
	(tag) =	ssettag s2;
	_ =	strace s9  }
0x27: {  	s1 =	sld [smem:$0x3FAF]  }
0x28: {  	s2 =	sld [smem:$0x3FB0]  }
0x29: {  	s4 =	sld [smem:$0x3FB2]  }
0x2a: {  	p0 =	seq.s32 s5, $0x0;
	s5 =	sld [smem:$0x3FB3]  }
0x2b: {  	s6 =	sld [smem:$0x3FB4]  }
0x2c: {  	s7 =	sld [smem:$0x3FB5]  }
0x2d: {  	s3 =	simm.s32 $0x108;
	s8 =	sld [smem:$0x3FB6]  }
0x2e: {  	s3 =	simm.s32 @!p0 $0x1082;
	s9 =	sld [smem:$0x3FB7]  }
0x2f: {  	lr =	sadd.s32 s0, s3;
	s0 =	sld [smem:$0x3FAE]  }
0x30: {  	s3 =	sld [smem:$0x3FB1]  }
0x31: {  	[smem:$0x3FBA] =	sst s10  }
0x32: {  	s10 =	sld [smem:$0x3FB8];
	_ =	sdelay $0x3  }
0x33: {  	p0 =	seq.s32 s10, $0x1;
	s10 =	sld [smem:$0x3FBA];
	_ =	sdelay $0x3  }
0x34: {  	[smem:$0x3FBA] =	sst s10  }
0x35: {  	s10 =	sld [smem:$0x3FB9];
	_ =	sdelay $0x3  }
0x36: {  	p1 =	seq.s32 s10, $0x1;
	s10 =	sld [smem:$0x3FBA];
	_ =	sdelay $0x3  }
0x37: {  	[smem:$0x3FBA] =	sst s10  }
0x38: {  	s10 =	sld [smem:$0x3FBB]  }
0x39: {  	_ = 	snop;
	(pc) =	sbr.ind lr, $3  }
0x3a: {  	_ = 	snop  }
0x3b: {  	_ = 	snop  }
0x3c: {  	p2 =	seq.s32 s10, $0x1;
	s10 =	sld [smem:$0x3FBA]  }
0x3d: {  	_ =	shalt  }
0x3e: {  	_ =	shalt  }
0x3f: {  	_ =	shalt  }
0x40: {  	_ =	shalt  }
0x41: {  	_ =	shalt  }
0x42: {  	_ =	shalt  }
0x43: {  	_ =	shalt  }
0x44: {  	_ =	shalt  }
0x45: {  	_ =	shalt  }
0x46: {  	_ =	shalt  }
0x47: {  	_ =	shalt  }
0x48: {  	_ =	shalt  }
0x49: {  	_ =	shalt  }
0x4a: {  	_ =	shalt  }
0x4b: {  	_ =	shalt  }
0x4c: {  	_ =	shalt  }
0x4d: {  	_ =	shalt  }
0x4e: {  	_ =	shalt  }
0x4f: {  	_ =	shalt  }
0x50: {  	_ =	shalt  }
0x51: {  	_ =	shalt  }
0x52: {  	_ =	shalt  }
0x53: {  	_ =	shalt  }
0x54: {  	_ =	shalt  }
0x55: {  	_ =	shalt  }
0x56: {  	_ =	shalt  }
0x57: {  	_ =	shalt  }
0x58: {  	_ =	shalt  }
0x59: {  	_ =	shalt  }
0x5a: {  	_ =	shalt  }
0x5b: {  	_ =	shalt  }
0x5c: {  	_ =	shalt  }
0x5d: {  	_ =	shalt  }
0x5e: {  	_ =	shalt  }
0x5f: {  	_ =	shalt  }
0x60: {  	_ =	shalt  }
0x61: {  	_ =	shalt  }
0x62: {  	_ =	shalt  }
0x63: {  	_ =	shalt  }
0x64: {  	_ =	shalt  }
0x65: {  	_ =	shalt  }
0x66: {  	_ =	shalt  }
0x67: {  	_ =	shalt  }
0x68: {  	_ =	shalt  }
0x69: {  	_ =	shalt  }
0x6a: {  	_ =	shalt  }
0x6b: {  	_ =	shalt  }
0x6c: {  	_ =	shalt  }
0x6d: {  	_ =	shalt  }
0x6e: {  	_ =	shalt  }
0x6f: {  	_ =	shalt  }
0x70: {  	_ =	shalt  }
0x71: {  	_ =	shalt  }
0x72: {  	_ =	shalt  }
0x73: {  	_ =	shalt  }
0x74: {  	_ =	shalt  }
0x75: {  	_ =	shalt  }
0x76: {  	_ =	shalt  }
0x77: {  	_ =	shalt  }
0x78: {  	_ =	shalt  }
0x79: {  	_ =	shalt  }
0x7a: {  	_ =	shalt  }
0x7b: {  	_ =	shalt  }
0x7c: {  	_ =	shalt  }
0x7d: {  	_ =	shalt  }
0x7e: {  	_ =	shalt  }
0x7f: {  	_ =	shalt  }
0x80: {  	_ =	shalt  }
0x81: {  	_ =	shalt  }
0x82: {  	_ =	shalt  }
0x83: {  	_ =	shalt  }
0x84: {  	_ =	shalt  }
0x85: {  	_ =	shalt  }
0x86: {  	_ =	shalt  }
0x87: {  	_ =	shalt  }
.Lfunc_end0:
.L_simem_size_0:
called_computation_lowered:
.L_overlay_start_0:
0x88: {  	s2 =	sld [smem:$0x3FD9]  }
0x89: {  	s3 =	sld [smem:$0x3FFE];
	_ =	sdelay $0x1  }
0x8a: {  	s1 =	srdreg.scid  }
0x8b: {  	s0 =	sand.u32 $0x1, s1  }
0x8c: {  	s17 =	sshll.u32 s0, $0xA;
	s2 =	sadd.s32 s3, s2  }
0x8d: {  	s2 =	sadd.s32 s2, s17  }
0x8e: {  	[smem:$0x3FC6] =	sst s2  }
0x8f: {  	_ = 	snop  }
0x90: {  	s2 =	sld [smem:$0x3FC8]  }
0x91: {  	s18 =	sld [smem:$0x3FD0];
	(tm) =	ssettm $0x1  }
0x92: {  	s4 =	sld [smem:$0x3FFB];
	_ =	sdelay $0x3  }
0x93: {  	_ =	strace s4  }
0x94: {  	s4 =	sld [smem:$0x3FFC];
	_ =	sdelay $0x3  }
0x95: {  	_ =	strace s4  }
0x96: {  	s4 =	sld [smem:$0x3FFD];
	_ =	sdelay $0x3  }
0x97: {  	_ =	strace s4  }
0x98: {  	_ =	strace $0x8FFFFFFF  }
0x99: {  	s19 =	sld [smem:$0x3FDB];
	_ =	sdelay $0x1  }
0x9a: {  	s5 =	simm.s32 $_scs_section_size  }
0x9b: {  	s6 =	simm.s32 $_size__tile_overlayer_lowered;
	s7 =	simm.s32 $_tile_overlayer_lowered  }
0x9c: {  	s22 =	simm.s32 $0x1BFF;
	s21 =	sshll.u32 s7, $0x1;
	s4 =	sadd.s32 s5, s19  }
0x9d: {  	s8 =	simm.s32 $0x0;
	s20 =	sshll.u32 s6, $0x1;
	s6 =	sadd.s32 s21, s4  }
0x9e: {  	[timem:s8], [sflag:s22] =	dma.local [hbm:s6], s20  }
0x9f: {  	_ =	swait.ge [sflag:s22], s20  }
0xa0: {  	s5 =	ssub.s32 $0x0, s20;
	[sflag:s22] =	ssyncset.done $0x0  }
0xa1: {  	[sflag:s22] =	ssyncadd.s32 s5;
	_ =	sdelay $0x1  }
0xa2: {  	s23 =	simm.s32 $0x1B8B  }
0xa3: {  	_ =	swait.ge [sflag:s23], $0x1  }
0xa4: {  	[sflag:s23] =	ssyncset.done $0x0  }
0xa5: {  	s25 =	simm.s32 $0x1B8E;
	s24 =	sld [smem:$0x3FFE];
	[sflag:s23] =	ssyncadd.s32 $0xFFFFFFFF  }
0xa6: {  	s26 =	simm.s32 $execute0_lowered;
	[smem:$0x3FD2] =	sst s25  }
0xa7: {  	s6 =	sshll.u32 s26, $0x1;
	_ =	strace $0x80000046;
	[dreg:$0x1] =	wrdreg $0xFFFFFFFF  }
0xa8: {  	s28 =	simm.s32 $_size_execute0_lowered;
	s4 =	sadd.s32 s4, s6;
	[dreg:$0x0] =	wrdreg $0x0  }
0xa9: {  	s6 =	sshll.u32 s28, $0x1;
	[dreg:$0x2] =	wrdreg s4  }
0xaa: {  	[dreg:$0x3] =	wrdreg s6  }
0xab: {  	[dreg:$0x4] =	wrdreg $0xC0  }
0xac: {  	_ =	task [dreg:s8], $0x5FFFF  }
0xad: {  	[dreg:$0x1] =	wrdreg $0xFFFFFFFF  }
0xae: {  	[dreg:$0x0] =	wrdreg $0x60  }
0xaf: {  	[dreg:$0x2] =	wrdreg s24  }
0xb0: {  	[dreg:$0x3] =	wrdreg s2  }
0xb1: {  	[dreg:$0x4] =	wrdreg s18  }
0xb2: {  	[dreg:$0x5] =	wrdreg $0x12E000  }
0xb3: {  	[dreg:$0x6] =	wrdreg $0x9  }
0xb4: {  	_ =	task.clear_ibuf [dreg:s8], $0x7FFFF;
	_ =	strace $0x90000046  }
0xb5: {  	s29 =	simm.s32 $0x9;
	_ =	strace $0x80000048  }
0xb6: {  	_ =	swait.ge [sflag:s29], $0x1  }
0xb7: {  	[sflag:s29] =	ssyncadd.s32 $0xFFFFFFFF  }
0xb8: {  	_ =	strace $0x90000048  }
0xb9: {  	_ =	sfence  }
0xba: {  	s30 =	sld [smem:$0x0];
	_ =	sdelay $0x2  }
0xbb: {  	s31 =	sshll.u32 s1, $0xD;
	s1 =	sshrl.u32 s1, $0x2  }
0xbc: {  	s3 =	sand.u32 $0x4000, s31;
	s1 =	sadd.s32 s1, s30  }
0xbd: {  	s0 =	sor.u32 s3, s0;
	s1 =	sshll.u32 s1, $0x11  }
0xbe: {  	s0 =	sor.u32 s1, s0  }
0xbf: {  	s0 =	sadd.s32 $0x8F2B, s0  }
0xc0: {  	[sflag:s0] =	ssyncadd.remote.s32 $0x1  }
0xc1: {  	_ =	sfence.sel $0xFFFF  }
0xc2: {  	[dreg:$0x0] =	wrdreg $0xFFFFFFFF;
	(pc) =	sbr.abs _section_cstart, $3  }
0xc3: {  	[dreg:$0x1] =	wrdreg $0xFFFFFFFF  }
0xc4: {  	_ =	task.clear_ibuf [dreg:s8], $0x2FFFF;
	_ =	strace $0x9FFFFFFF  }
0xc5: {  	(tm) =	ssettm $0x7FFFFFFF  }
tec
execute0_lowered:
.L_overlay_start_1:
0x0: {  	(tag) =	ssettag $0x1  }
0x1: {  	s0 =	rddreg [dreg:$0x0]  }
0x2: {  	s1 =	rddreg [dreg:$0x1]  }
0x3: {  	s19 =	rddreg [dreg:$0x2]  }
0x4: {  	s4 =	rddreg [dreg:$0x3]  }
0x5: {  	s2 =	srdreg.scid;
	s9 =	stileid.u32  }
0x6: {  	s5 =	simm.s32 $0x0;
	s29 =	simm.s32 $0x6E00;
	s30 =	simm.s32 $0x8E00  }
0x7: {  	s31 =	simm.s32 $0xAE00;
	s2 =	sand.u32 $0x1, s2;
	s3 =	sshll.u32 s9, $0x1  }
0x8: {  	[smem:$0x7FF] =	sst s5;
	s14 =	sshll.u32 s9, $0xF;
	s22 =	sor.u32 s2, s3  }
0x9: {  	_ =	strace $0x80000047;
	s3 =	sshll.u32 s22, $0x7;
	s18 =	sshll.u32 s22, $0xD  }
0xa: {  	s22 =	sadd.s32 $0x400, s19;
	s0 =	sadd.s32 s3, s0;
	[dreg:$0x12] =	wrdreg s18  }
0xb: {  	s2 =	ssub.s32 $0x2, s2;
	[dreg:$0x14] =	wrdreg s22;
	s3 =	sadd.s32 $0x400, s0  }
0xc: {  	s20 =	sadd.s32 s14, s4;
	s25 =	sadd.s32 $0x1400, s0;
	[dreg:$0x5] =	wrdreg s3  }
0xd: {  	s6 =	sshrl.u32 s2, $0x1;
	s26 =	sadd.s32 $0x2400, s0;
	[dreg:$0x6] =	wrdreg s25  }
0xe: {  	s2 =	ssub.s32 s2, s6;
	s28 =	sadd.s32 $0x3400, s0;
	[dreg:$0x7] =	wrdreg s26  }
0xf: {  	s6 =	sshll.u32 s9, $0x8;
	s7 =	sadd.s32 $0x4400, s0;
	[dreg:$0x8] =	wrdreg s28  }
0x10: {  	s22 =	simm.s32 $0x2D80;
	s8 =	sadd.s32 $0x5400, s0;
	[dreg:$0x9] =	wrdreg s7  }
0x11: {  	s10 =	sadd.s32 $0x6400, s0;
	s11 =	sadd.s32 $0x7400, s0;
	[dreg:$0xa] =	wrdreg s8  }
0x12: {  	s12 =	sadd.s32 $0x8400, s0;
	s13 =	sadd.s32 $0x9400, s0;
	[dreg:$0xb] =	wrdreg s10  }
0x13: {  	s0 =	sadd.s32 $0xA400, s0;
	s21 =	smax.u32 s2, $0x1;
	[dreg:$0xc] =	wrdreg s11  }
0x14: {  	s5 =	sor.u32 $0x10, s6;
	s9 =	sor.u32 $0x20, s6;
	[dreg:$0xd] =	wrdreg s12  }
0x15: {  	s14 =	sor.u32 $0x90, s6;
	s18 =	sor.u32 $0xE0, s6;
	[dreg:$0xe] =	wrdreg s13  }
0x16: {  	s2 =	simm.s32 $0x2E00;
	[dreg:$0xf] =	wrdreg s0;
	s7 =	sor.u32 $0x40, s6  }
0x17: {  	s8 =	sor.u32 $0x80, s6;
	s3 =	sor.u32 $0xC0, s6;
	[dreg:$0x13] =	wrdreg s21  }
0x18: {  	s10 =	sor.u32 $0x30, s6;
	s11 =	sor.u32 $0x50, s6;
	s12 =	sor.u32 $0x60, s6  }
0x19: {  	s13 =	sor.u32 $0x70, s6;
	s21 =	sor.u32 $0xF0, s6;
	s26 =	sadd.s32 $0x800, s19  }
0x1a: {  	v15 =	vlaneseq.u32;
	s28 =	sadd.s32 $0xC00, s19;
	s0 =	simm.s32 $0x40;
	s19 =	simm.s32 $0x4E00  }
0x1b: {  	v1 =	vor.u32 s5, v15;
	v2 =	vor.u32 s9, v15;
	s9 =	simm.s32 $0x1;
	v9 =	vor.u32 s14, v15;
	s14 =	simm.s32 $0x2C00;
	s5 =	simm.s32 $0x0  }
0x1c: {  	s15 =	sshll.u32 s7, $0x7;
	s16 =	sshll.u32 s8, $0x7;
	[dreg:$0x15] =	wrdreg s26  }
0x1d: {  	s17 =	sshll.u32 s3, $0x7;
	[dreg:$0x16] =	wrdreg s28;
	s26 =	simm.s32 $0x9  }
0x1e: {  	v3 =	vor.u32 s10, v15;
	v4 =	vor.u32 s7, v15;
	v5 =	vor.u32 s11, v15;
	s7 =	simm.s32 $0xEE00;
	s10 =	simm.s32 $0x2;
	s11 =	simm.s32 $0x3  }
0x1f: {  	v6 =	vor.u32 s12, v15;
	v7 =	vor.u32 s13, v15;
	s12 =	simm.s32 $0x4;
	s13 =	simm.s32 $0x5;
	s23 =	sadd.s32 s15, s4  }
0x20: {  	v0 =	vor.u32 s6, v15;
	v14 =	vor.u32 s18, v15;
	s24 =	sadd.s32 s16, s4;
	s25 =	sadd.s32 s17, s4;
	s15 =	sor.u32 $0xA0, s6  }
0x21: {  	v8 =	vor.u32 s8, v15;
	v12 =	vor.u32 s3, v15;
	s16 =	sor.u32 $0xB0, s6;
	s17 =	sor.u32 $0xD0, s6;
	v10 =	vor.u32 s15, v15;
	[dreg:$0x10] =	wrdreg s24  }
0x22: {  	v11 =	vor.u32 s16, v15;
	s15 =	simm.s32 $0x7;
	v13 =	vor.u32 s17, v15;
	v15 =	vor.u32 s21, v15;
	s16 =	simm.s32 $0x2D00;
	[dreg:$0x11] =	wrdreg s25  }
.LBB2_1:
0x23: {  	[dreg:$0x17] =	wrdreg s5  }
0x24: {  	s3 =	simm.s32 $0x0;
	s21 =	rddreg [dreg:$0x5]  }
0x25: {  	[tilespmem:s3], [sflag:$0x9] =	stream.linear.gather [hbm4b:s21+s3], $0x400, $0x38;
	[tilespmem:$0x1AE00] =	vst v63  }
0x26: {  	_ =	swait.ge [sflag:s26], $0x400  }
0x27: {  	[sflag:s26] =	ssyncset.done $0x0  }
0x28: {  	s6 =	simm.s32 $0x400;
	s28 =	rddreg [dreg:$0x6];
	[sflag:s26] =	ssyncadd.s32 $0xFFFFFC00  }
0x29: {  	[tilespmem:s6], [sflag:$0x9] =	stream.linear.gather [hbm4b:s28+s3], $0x400, $0x38;
	[tilespmem:$0x1AE00] =	vst v63  }
0x2a: {  	_ =	swait.ge [sflag:s26], $0x400  }
0x2b: {  	[sflag:s26] =	ssyncset.done $0x0  }
0x2c: {  	s8 =	simm.s32 $0x800;
	s6 =	rddreg [dreg:$0x7];
	[sflag:s26] =	ssyncadd.s32 $0xFFFFFC00  }
0x2d: {  	[tilespmem:s8], [sflag:$0x9] =	stream.linear.gather [hbm4b:s6+s3], $0x400, $0x38;
	[tilespmem:$0x1AE00] =	vst v63  }
0x2e: {  	_ =	swait.ge [sflag:s26], $0x400  }
0x2f: {  	[sflag:s26] =	ssyncset.done $0x0  }
0x30: {  	s18 =	simm.s32 $0xC00;
	s17 =	rddreg [dreg:$0x8];
	[sflag:s26] =	ssyncadd.s32 $0xFFFFFC00  }
0x31: {  	[tilespmem:s18], [sflag:$0x9] =	stream.linear.gather [hbm4b:s17+s3], $0x400, $0x38;
	[tilespmem:$0x1AE00] =	vst v63  }
0x32: {  	_ =	swait.ge [sflag:s26], $0x400  }
0x33: {  	[sflag:s26] =	ssyncset.done $0x0  }
0x34: {  	s28 =	simm.s32 $0x1000;
	s21 =	rddreg [dreg:$0x9];
	[sflag:s26] =	ssyncadd.s32 $0xFFFFFC00  }
0x35: {  	[tilespmem:s28], [sflag:$0x9] =	stream.linear.gather [hbm4b:s21+s3], $0x400, $0x38;
	[tilespmem:$0x1AE00] =	vst v63  }
0x36: {  	_ =	swait.ge [sflag:s26], $0x400  }
0x37: {  	[sflag:s26] =	ssyncset.done $0x0  }
0x38: {  	s8 =	simm.s32 $0x1400;
	s6 =	rddreg [dreg:$0xa];
	[sflag:s26] =	ssyncadd.s32 $0xFFFFFC00  }
0x39: {  	[tilespmem:s8], [sflag:$0x9] =	stream.linear.gather [hbm4b:s6+s3], $0x400, $0x38;
	[tilespmem:$0x1AE00] =	vst v63  }
0x3a: {  	_ =	swait.ge [sflag:s26], $0x400  }
0x3b: {  	[sflag:s26] =	ssyncset.done $0x0  }
0x3c: {  	s18 =	simm.s32 $0x1800;
	s17 =	rddreg [dreg:$0xb];
	[sflag:s26] =	ssyncadd.s32 $0xFFFFFC00  }
0x3d: {  	[tilespmem:s18], [sflag:$0x9] =	stream.linear.gather [hbm4b:s17+s3], $0x400, $0x38;
	[tilespmem:$0x1AE00] =	vst v63  }
0x3e: {  	_ =	swait.ge [sflag:s26], $0x400  }
0x3f: {  	[sflag:s26] =	ssyncset.done $0x0  }
0x40: {  	s28 =	simm.s32 $0x1C00;
	s21 =	rddreg [dreg:$0xc];
	[sflag:s26] =	ssyncadd.s32 $0xFFFFFC00  }
0x41: {  	[tilespmem:s28], [sflag:$0x9] =	stream.linear.gather [hbm4b:s21+s3], $0x400, $0x38;
	[tilespmem:$0x1AE00] =	vst v63  }
0x42: {  	_ =	swait.ge [sflag:s26], $0x400  }
0x43: {  	[sflag:s26] =	ssyncset.done $0x0  }
0x44: {  	s8 =	simm.s32 $0x2000;
	s6 =	rddreg [dreg:$0xd];
	[sflag:s26] =	ssyncadd.s32 $0xFFFFFC00  }
0x45: {  	[tilespmem:s8], [sflag:$0x9] =	stream.linear.gather [hbm4b:s6+s3], $0x400, $0x38;
	[tilespmem:$0x1AE00] =	vst v63  }
0x46: {  	_ =	swait.ge [sflag:s26], $0x400  }
0x47: {  	[sflag:s26] =	ssyncset.done $0x0  }
0x48: {  	s18 =	simm.s32 $0x2400;
	s17 =	rddreg [dreg:$0xe];
	[sflag:s26] =	ssyncadd.s32 $0xFFFFFC00  }
0x49: {  	[tilespmem:s18], [sflag:$0x9] =	stream.linear.gather [hbm4b:s17+s3], $0x400, $0x38;
	[tilespmem:$0x1AE00] =	vst v63  }
0x4a: {  	_ =	swait.ge [sflag:s26], $0x400  }
0x4b: {  	[sflag:s26] =	ssyncset.done $0x0  }
0x4c: {  	s28 =	simm.s32 $0x2800;
	s21 =	rddreg [dreg:$0xf];
	[sflag:s26] =	ssyncadd.s32 $0xFFFFFC00  }
0x4d: {  	[tilespmem:s28], [sflag:$0x9] =	stream.linear.gather [hbm4b:s21+s3], $0x400, $0x38;
	[tilespmem:$0x1AE00] =	vst v63  }
0x4e: {  	_ =	swait.ge [sflag:s26], $0x400  }
0x4f: {  	[sflag:s26] =	ssyncset.done $0x0  }
0x50: {  	[sflag:s26] =	ssyncadd.s32 $0xFFFFFC00  }
0x51: {  	[tilespmem:$0x2C00] =	vst v0  }
0x52: {  	[tilespmem:$0x2C10] =	vst v1  }
0x53: {  	[tilespmem:$0x2C20] =	vst v2  }
0x54: {  	[tilespmem:$0x2C30] =	vst v3  }
0x55: {  	[tilespmem:$0x2C80] =	vst v4  }
0x56: {  	[tilespmem:$0x2C90] =	vst v5  }
0x57: {  	[tilespmem:$0x2CA0] =	vst v6  }
0x58: {  	[tilespmem:$0x2CB0] =	vst v7  }
0x59: {  	[tilespmem:$0x2D00] =	vst v8  }
0x5a: {  	[tilespmem:$0x2D10] =	vst v9  }
0x5b: {  	[tilespmem:$0x2D20] =	vst v10  }
0x5c: {  	[tilespmem:$0x2D30] =	vst v11  }
0x5d: {  	[tilespmem:$0x2D80] =	vst v12  }
0x5e: {  	[tilespmem:$0x2D90] =	vst v13  }
0x5f: {  	[tilespmem:$0x2DA0] =	vst v14  }
0x60: {  	p1 =	por $0x1, $0x1;
	s3 =	simm.s32 $0x0;
	[tilespmem:$0x2DB0] =	vst v15  }
.LBB2_2:
0x61: {  	s5 =	sshll.u32 s3, $0x9  }
0x62: {  	[tilespmem:s2], [sflag:$0x1] =	stream.indirect.gather [hbm4b:s1+s0], $0x80, s5, s0, $0xb8;
	[tilespmem:$0x1AE00] =	vst v63  }
0x63: {  	s6 =	sor.u32 $0x80, s5  }
0x64: {  	[tilespmem:s19], [sflag:$0x2] =	stream.indirect.gather [hbm4b:s1+s0], $0x80, s6, s0, $0xb8;
	[tilespmem:$0x1AE00] =	vst v63  }
0x65: {  	s8 =	sor.u32 $0x100, s5  }
0x66: {  	[tilespmem:s29], [sflag:$0x3] =	stream.indirect.gather [hbm4b:s1+s0], $0x80, s8, s0, $0xb8;
	[tilespmem:$0x1AE00] =	vst v63  }
0x67: {  	s17 =	sor.u32 $0x180, s5  }
0x68: {  	[tilespmem:s30], [sflag:$0x4] =	stream.indirect.gather [hbm4b:s1+s0], $0x80, s17, s0, $0xb8;
	[tilespmem:$0x1AE00] =	vst v63  }
0x69: {  	s18 =	sadd.s32 $0x400, s5  }
0x6a: {  	[tilespmem:s31], [sflag:$0x5] =	stream.indirect.gather [hbm4b:s1+s0], $0x80, s18, s0, $0xb8;
	[tilespmem:$0x1AE00] =	vst v63  }
0x6b: {  	s21 =	sadd.s32 $0x480, s5;
	s8 =	simm.s32 $0xCE00  }
0x6c: {  	[tilespmem:s8], [sflag:$0x6] =	stream.indirect.gather [hbm4b:s1+s0], $0x80, s21, s0, $0xb8;
	[tilespmem:$0x1AE00] =	vst v63  }
0x6d: {  	s8 =	sadd.s32 $0x500, s5  }
0x6e: {  	[tilespmem:s7], [sflag:$0x7] =	stream.indirect.gather [hbm4b:s1+s0], $0x80, s8, s0, $0xb8;
	[tilespmem:$0x1AE00] =	vst v63  }
0x6f: {  	s17 =	sadd.s32 $0x580, s5;
	s18 =	simm.s32 $0x10E00  }
0x70: {  	[tilespmem:s18], [sflag:$0x8] =	stream.indirect.gather [hbm4b:s1+s0], $0x80, s17, s0, $0xb8;
	[tilespmem:$0x1AE00] =	vst v63  }
0x71: {  	_ =	swait.ge [sflag:s9], $0x2000  }
0x72: {  	[sflag:s9] =	ssyncset.done $0x0  }
0x73: {  	[sflag:s9] =	ssyncadd.s32 $0xFFFFE000  }
0x74: {  	[spmem:s20] =	stream.linear.scatter [tilespmem:s2], [sflag:$0x9], $0x2000, $0x38;
	[tilespmem:$0x1AE00] =	vst v63  }
0x75: {  	_ =	swait.ge [sflag:s26], $0x2000  }
0x76: {  	[sflag:s26] =	ssyncset.done $0x0  }
0x77: {  	s21 =	sadd.s32 $0x800, s5;
	[sflag:s26] =	ssyncadd.s32 $0xFFFFE000  }
0x78: {  	[tilespmem:s2], [sflag:$0x1] =	stream.indirect.gather [hbm4b:s1+s0], $0x80, s21, s0, $0xb8;
	[tilespmem:$0x1AE00] =	vst v63  }
0x79: {  	_ =	swait.ge [sflag:s10], $0x2000  }
0x7a: {  	[sflag:s10] =	ssyncset.done $0x0  }
0x7b: {  	[sflag:s10] =	ssyncadd.s32 $0xFFFFE000  }
0x7c: {  	[spmem:s23] =	stream.linear.scatter [tilespmem:s19], [sflag:$0x9], $0x2000, $0x38;
	[tilespmem:$0x1AE00] =	vst v63  }
0x7d: {  	_ =	swait.ge [sflag:s26], $0x2000  }
0x7e: {  	[sflag:s26] =	ssyncset.done $0x0  }
0x7f: {  	s10 =	smov.u32 s23;
	s23 =	sadd.s32 $0x880, s5;
	[sflag:s26] =	ssyncadd.s32 $0xFFFFE000  }
0x80: {  	[tilespmem:s19], [sflag:$0x2] =	stream.indirect.gather [hbm4b:s1+s0], $0x80, s23, s0, $0xb8;
	[tilespmem:$0x1AE00] =	vst v63  }
0x81: {  	_ =	swait.ge [sflag:s11], $0x2000  }
0x82: {  	[sflag:s11] =	ssyncset.done $0x0  }
0x83: {  	[sflag:s11] =	ssyncadd.s32 $0xFFFFE000  }
0x84: {  	[spmem:s24] =	stream.linear.scatter [tilespmem:s29], [sflag:$0x9], $0x2000, $0x38;
	[tilespmem:$0x1AE00] =	vst v63  }
0x85: {  	_ =	swait.ge [sflag:s26], $0x2000  }
0x86: {  	[sflag:s26] =	ssyncset.done $0x0  }
0x87: {  	s24 =	sadd.s32 $0x900, s5;
	[sflag:s26] =	ssyncadd.s32 $0xFFFFE000  }
0x88: {  	[tilespmem:s29], [sflag:$0x3] =	stream.indirect.gather [hbm4b:s1+s0], $0x80, s24, s0, $0xb8;
	[tilespmem:$0x1AE00] =	vst v63  }
0x89: {  	_ =	swait.ge [sflag:s12], $0x2000  }
0x8a: {  	[sflag:s12] =	ssyncset.done $0x0  }
0x8b: {  	[sflag:s12] =	ssyncadd.s32 $0xFFFFE000  }
0x8c: {  	[spmem:s25] =	stream.linear.scatter [tilespmem:s30], [sflag:$0x9], $0x2000, $0x38;
	[tilespmem:$0x1AE00] =	vst v63  }
0x8d: {  	s28 =	smov.u32 s20;
	_ =	swait.ge [sflag:s26], $0x2000  }
0x8e: {  	p0 =	por p1, p1;
	s6 =	sand.u32 $0x3FFFFE00, s5;
	[sflag:s26] =	ssyncset.done $0x0  }
0x8f: {  	s8 =	simm.s32 $0x0;
	s25 =	sadd.s32 $0x980, s5;
	[sflag:s26] =	ssyncadd.s32 $0xFFFFE000  }
0x90: {  	[tilespmem:s30], [sflag:$0x4] =	stream.indirect.gather [hbm4b:s1+s0], $0x80, s25, s0, $0xb8;
	[tilespmem:$0x1AE00] =	vst v63  }
.LBB2_3:
0x91: {  	_ =	swait.ge [sflag:s13], $0x2000  }
0x92: {  	[sflag:s13] =	ssyncset.done $0x0  }
0x93: {  	[sflag:s13] =	ssyncadd.s32 $0xFFFFE000  }
0x94: {  	[spmem:s4] =	stream.indirect.scatter.add.f32 [tilespmem:s31], [sflag:$0x9], $0x80, s14, s0, $0xb8;
	[tilespmem:$0x1AE00] =	vst v63  }
0x95: {  	_ =	swait.ge [sflag:s26], $0x2000  }
0x96: {  	p1 =	seq.s32 s8, $0x8000;
	[sflag:s26] =	ssyncset.done $0x0  }
0x97: {  	s5 =	simm.s32 @p1 $0x6;
	[sflag:s26] =	ssyncadd.s32 $0xFFFFE000  }
0x98: {  	_ =	swait.ge @p1 [sflag:s5], $0x2000  }
0x99: {  	s23 =	simm.s32 @p1 $0x40;
	s24 =	simm.s32 @p1 $0x2C80;
	[sflag:s5] =	ssyncset.done @p1 $0x0  }
0x9a: {  	s25 =	simm.s32 @p1 $0x9;
	[sflag:s5] =	ssyncadd.s32 @p1 $0xFFFFE000;
	s5 =	simm.s32 @p1 $0xCE00  }
0x9b: {  	[spmem:s4] =	stream.indirect.scatter.add.f32 @p1 [tilespmem:s5], [sflag:$0x9], $0x80, s24, s23, $0xb8;
	[tilespmem:$0x1AE00] =	vst v63  }
0x9c: {  	s5 =	sshra.s32 @!p1 s8, $0x2;
	_ =	swait.ge @p1 [sflag:s25], $0x2000  }
0x9d: {  	s21 =	simm.s32 @!p1 $0x40;
	s5 =	sadd.s32 @!p1 s5, s6;
	[sflag:s25] =	ssyncset.done @p1 $0x0  }
0x9e: {  	s18 =	simm.s32 @!p1 $0xAE00;
	s17 =	sadd.s32 @!p1 $0xC00, s5;
	[sflag:s25] =	ssyncadd.s32 @p1 $0xFFFFE000  }
0x9f: {  	[tilespmem:s18], [sflag:$0x5] =	stream.indirect.gather @!p1 [hbm4b:s1+s21], $0x80, s17, s21, $0xb8;
	[tilespmem:$0x1AE00] =	vst v63  }
0xa0: {  	s17 =	simm.s32 @!p1 $0x6  }
0xa1: {  	_ =	swait.ge @!p1 [sflag:s17], $0x2000  }
0xa2: {  	s19 =	simm.s32 @!p1 $0xCE00;
	[sflag:s17] =	ssyncset.done @!p1 $0x0  }
0xa3: {  	s18 =	simm.s32 @!p1 $0x9;
	[sflag:s17] =	ssyncadd.s32 @!p1 $0xFFFFE000;
	s17 =	simm.s32 @!p1 $0x2C80  }
0xa4: {  	[spmem:s4] =	stream.indirect.scatter.add.f32 @!p1 [tilespmem:s19], [sflag:$0x9], $0x80, s17, s21, $0xb8;
	[tilespmem:$0x1AE00] =	vst v63  }
0xa5: {  	_ =	swait.ge @!p1 [sflag:s18], $0x2000  }
0xa6: {  	[sflag:s18] =	ssyncset.done @!p1 $0x0  }
0xa7: {  	s20 =	sadd.s32 @!p1 $0xC80, s5;
	[sflag:s18] =	ssyncadd.s32 @!p1 $0xFFFFE000  }
0xa8: {  	[tilespmem:s19], [sflag:$0x6] =	stream.indirect.gather @!p1 [hbm4b:s1+s21], $0x80, s20, s21, $0xb8;
	[tilespmem:$0x1AE00] =	vst v63  }
0xa9: {  	_ =	swait.ge [sflag:s15], $0x2000  }
0xaa: {  	[sflag:s15] =	ssyncset.done $0x0  }
0xab: {  	[sflag:s15] =	ssyncadd.s32 $0xFFFFE000  }
0xac: {  	[spmem:s4] =	stream.indirect.scatter.add.f32 [tilespmem:s7], [sflag:$0x9], $0x80, s16, s0, $0xb8;
	[tilespmem:$0x1AE00] =	vst v63  }
0xad: {  	_ =	swait.ge [sflag:s26], $0x2000  }
0xae: {  	[sflag:s26] =	ssyncset.done $0x0  }
0xaf: {  	s19 =	simm.s32 @p1 $0x8;
	[sflag:s26] =	ssyncadd.s32 $0xFFFFE000  }
0xb0: {  	_ =	swait.ge @p1 [sflag:s19], $0x2000  }
0xb1: {  	[sflag:s19] =	ssyncset.done @p1 $0x0  }
0xb2: {  	s20 =	simm.s32 @p1 $0x10E00;
	[sflag:s19] =	ssyncadd.s32 @p1 $0xFFFFE000;
	s19 =	simm.s32 @p1 $0x2D80  }
0xb3: {  	[spmem:s4] =	stream.indirect.scatter.add.f32 @p1 [tilespmem:s20], [sflag:$0x9], $0x80, s19, s23, $0xb8;
	[tilespmem:$0x1AE00] =	vst v63  }
0xb4: {  	_ =	swait.ge @p1 [sflag:s25], $0x2000  }
0xb5: {  	[sflag:s25] =	ssyncset.done @p1 $0x0  }
0xb6: {  	s19 =	sadd.s32 @!p1 $0xD00, s5;
	s20 =	simm.s32 @!p1 $0xEE00;
	[sflag:s25] =	ssyncadd.s32 @p1 $0xFFFFE000  }
0xb7: {  	[tilespmem:s20], [sflag:$0x7] =	stream.indirect.gather @!p1 [hbm4b:s1+s21], $0x80, s19, s21, $0xb8;
	[tilespmem:$0x1AE00] =	vst v63  }
0xb8: {  	s19 =	simm.s32 @!p1 $0x8  }
0xb9: {  	_ =	swait.ge @!p1 [sflag:s19], $0x2000  }
0xba: {  	[sflag:s19] =	ssyncset.done @!p1 $0x0  }
0xbb: {  	s20 =	simm.s32 @!p1 $0x10E00;
	[sflag:s19] =	ssyncadd.s32 @!p1 $0xFFFFE000;
	s19 =	simm.s32 @!p1 $0x2D80  }
0xbc: {  	[spmem:s4] =	stream.indirect.scatter.add.f32 @!p1 [tilespmem:s20], [sflag:$0x9], $0x80, s19, s21, $0xb8;
	[tilespmem:$0x1AE00] =	vst v63  }
0xbd: {  	_ =	swait.ge @!p1 [sflag:s18], $0x2000  }
0xbe: {  	[sflag:s18] =	ssyncset.done @!p1 $0x0  }
0xbf: {  	s19 =	sadd.s32 @!p1 $0xD80, s5;
	[sflag:s18] =	ssyncadd.s32 @!p1 $0xFFFFE000  }
0xc0: {  	[tilespmem:s20], [sflag:$0x8] =	stream.indirect.gather @!p1 [hbm4b:s1+s21], $0x80, s19, s21, $0xb8;
	[tilespmem:$0x1AE00] =	vst v63  }
0xc1: {  	_ =	swait.ge [sflag:s9], $0x2000  }
0xc2: {  	[sflag:s9] =	ssyncset.done $0x0  }
0xc3: {  	[sflag:s9] =	ssyncadd.s32 $0xFFFFE000  }
0xc4: {  	[spmem:s4] =	stream.indirect.scatter.add.f32 [tilespmem:s2], [sflag:$0x9], $0x80, s14, s0, $0xb8;
	[tilespmem:$0x1AE00] =	vst v63  }
0xc5: {  	_ =	swait.ge [sflag:s26], $0x2000  }
0xc6: {  	[sflag:s26] =	ssyncset.done $0x0  }
0xc7: {  	s19 =	simm.s32 @p1 $0x2;
	[sflag:s26] =	ssyncadd.s32 $0xFFFFE000  }
0xc8: {  	_ =	swait.ge @p1 [sflag:s19], $0x2000  }
0xc9: {  	[sflag:s19] =	ssyncset.done @p1 $0x0  }
0xca: {  	[sflag:s19] =	ssyncadd.s32 @p1 $0xFFFFE000;
	s19 =	simm.s32 @p1 $0x4E00  }
0xcb: {  	[spmem:s4] =	stream.indirect.scatter.add.f32 @p1 [tilespmem:s19], [sflag:$0x9], $0x80, s24, s23, $0xb8;
	[tilespmem:$0x1AE00] =	vst v63  }
0xcc: {  	_ =	swait.ge @p1 [sflag:s25], $0x2000  }
0xcd: {  	[sflag:s25] =	ssyncset.done @p1 $0x0  }
0xce: {  	s20 =	simm.s32 @!p1 $0x2E00;
	s19 =	sadd.s32 @!p1 $0x1000, s5;
	[sflag:s25] =	ssyncadd.s32 @p1 $0xFFFFE000  }
0xcf: {  	[tilespmem:s20], [sflag:$0x1] =	stream.indirect.gather @!p1 [hbm4b:s1+s21], $0x80, s19, s21, $0xb8;
	[tilespmem:$0x1AE00] =	vst v63  }
0xd0: {  	s19 =	simm.s32 @!p1 $0x2  }
0xd1: {  	_ =	swait.ge @!p1 [sflag:s19], $0x2000  }
0xd2: {  	[sflag:s19] =	ssyncset.done @!p1 $0x0  }
0xd3: {  	[sflag:s19] =	ssyncadd.s32 @!p1 $0xFFFFE000;
	s19 =	simm.s32 @!p1 $0x4E00  }
0xd4: {  	[spmem:s4] =	stream.indirect.scatter.add.f32 @!p1 [tilespmem:s19], [sflag:$0x9], $0x80, s17, s21, $0xb8;
	[tilespmem:$0x1AE00] =	vst v63  }
0xd5: {  	_ =	swait.ge @!p1 [sflag:s18], $0x2000  }
0xd6: {  	[sflag:s18] =	ssyncset.done @!p1 $0x0  }
0xd7: {  	s5 =	sadd.s32 @!p1 $0x1080, s5;
	[sflag:s18] =	ssyncadd.s32 @!p1 $0xFFFFE000  }
0xd8: {  	[tilespmem:s19], [sflag:$0x2] =	stream.indirect.gather @!p1 [hbm4b:s1+s21], $0x80, s5, s21, $0xb8;
	[tilespmem:$0x1AE00] =	vst v63  }
0xd9: {  	_ =	swait.ge [sflag:s11], $0x2000  }
0xda: {  	[sflag:s11] =	ssyncset.done $0x0  }
.Ltmp0:
0xdb: {  	[sflag:s11] =	ssyncadd.s32 $0xFFFFE000;
	(pc) =	sbr.rel @p1 .LBB2_5-.Ltmp0, $4  }
0xdc: {  	[spmem:s4] =	stream.indirect.scatter.add.f32 [tilespmem:s29], [sflag:$0x9], $0x80, s16, s0, $0xb8;
	[tilespmem:$0x1AE00] =	vst v63  }
0xdd: {  	_ =	swait.ge [sflag:s26], $0x2000  }
0xde: {  	[sflag:s26] =	ssyncset.done $0x0  }
0xdf: {  	[sflag:s26] =	ssyncadd.s32 $0xFFFFE000  }
0xe0: {  	s5 =	sshra.s32 s8, $0x2  }
0xe1: {  	s5 =	sadd.s32 s5, s6  }
0xe2: {  	s17 =	sadd.s32 $0x1100, s5  }
0xe3: {  	[tilespmem:s29], [sflag:$0x3] =	stream.indirect.gather [hbm4b:s1+s0], $0x80, s17, s0, $0xb8;
	[tilespmem:$0x1AE00] =	vst v63  }
0xe4: {  	_ =	swait.ge [sflag:s12], $0x2000  }
0xe5: {  	[sflag:s12] =	ssyncset.done $0x0  }
0xe6: {  	[sflag:s12] =	ssyncadd.s32 $0xFFFFE000  }
0xe7: {  	[spmem:s4] =	stream.indirect.scatter.add.f32 [tilespmem:s30], [sflag:$0x9], $0x80, s22, s0, $0xb8;
	[tilespmem:$0x1AE00] =	vst v63  }
.Ltmp1:
0xe8: {  	_ = 	snop;
	(pc) =	sbr.rel .LBB2_3-.Ltmp1, $4  }
0xe9: {  	_ =	swait.ge [sflag:s26], $0x2000  }
0xea: {  	[sflag:s26] =	ssyncset.done $0x0  }
0xeb: {  	s8 =	sadd.s32 $0x2000, s8;
	s5 =	sadd.s32 $0x1180, s5;
	[sflag:s26] =	ssyncadd.s32 $0xFFFFE000  }
0xec: {  	[tilespmem:s30], [sflag:$0x4] =	stream.indirect.gather [hbm4b:s1+s0], $0x80, s5, s0, $0xb8;
	[tilespmem:$0x1AE00] =	vst v63  }
.LBB2_5:
0xed: {  	_ =	swait.ge [sflag:s12], $0x2000  }
0xee: {  	[sflag:s12] =	ssyncset.done $0x0  }
0xef: {  	[sflag:s12] =	ssyncadd.s32 $0xFFFFE000  }
0xf0: {  	[spmem:s4] =	stream.indirect.scatter.add.f32 [tilespmem:s30], [sflag:$0x9], $0x80, s22, s0, $0xb8;
	[tilespmem:$0x1AE00] =	vst v63  }
0xf1: {  	_ =	swait.ge [sflag:s26], $0x2000  }
0xf2: {  	[sflag:s26] =	ssyncset.done $0x0  }
0xf3: {  	[sflag:s26] =	ssyncadd.s32 $0xFFFFE000  }
0xf4: {  	[tilespmem:s2], [sflag:$0x9] =	stream.linear.gather [spmem:s28], $0x2000, $0x38;
	[tilespmem:$0x1AE00] =	vst v63  }
0xf5: {  	_ =	swait.ge [sflag:s26], $0x2000  }
0xf6: {  	[sflag:s26] =	ssyncset.done $0x0  }
0xf7: {  	s5 =	simm.s32 $0x0;
	[sflag:s26] =	ssyncadd.s32 $0xFFFFE000  }
0xf8: {  	v19 =	vld [tilespmem:s5+$0x2E00]  }
0xf9: {  	v21 =	vld [tilespmem:s5+$0x2E10]  }
0xfa: {  	v20 =	vld [tilespmem:s5+$0x2E20]  }
0xfb: {  	v18 =	vld [tilespmem:s5+$0x2E30]  }
0xfc: {  	v16 =	vld [tilespmem:s5+$0x2E40]  }
0xfd: {  	s20 =	smov.u32 s28;
	v17 =	vld [tilespmem:s5+$0x2E50];
	v22 =	vmul.f32 $9.090909360e-02, v19  }
0xfe: {  	s6 =	simm.s32 $0x200;
	s23 =	smov.u32 s10;
	s19 =	simm.s32 $0x4E00;
	v21 =	vmul.f32 $9.090909360e-02, v21;
	v19 =	vld [tilespmem:s5+$0x2E60]  }
.LBB2_6:
0xff: {  	s8 =	sshra.s32 s6, $0x2;
	p1 =	sne.s32 s6, $0x7E00;
	[tilespmem:s5+$0x2E00] =	vst v22;
	v20 =	vmul.f32 $9.090909360e-02, v20;
	v22 =	vld [tilespmem:s5+$0x2E70]  }
0x100: {  	v23 =	vld [tilespmem:s8+$0x2E00];
	[tilespmem:s5+$0x2E10] =	vst v21;
	v18 =	vmul.f32 $9.090909360e-02, v18  }
0x101: {  	v21 =	vld [tilespmem:s8+$0x2E10];
	[tilespmem:s5+$0x2E20] =	vst v20;
	v16 =	vmul.f32 $9.090909360e-02, v16  }
.Ltmp2:
0x102: {  	v20 =	vld [tilespmem:s8+$0x2E20];
	[tilespmem:s5+$0x2E30] =	vst v18;
	v17 =	vmul.f32 $9.090909360e-02, v17;
	(pc) =	sbr.rel @p1 .LBB2_6-.Ltmp2, $4  }
0x103: {  	v18 =	vld [tilespmem:s8+$0x2E30];
	[tilespmem:s5+$0x2E40] =	vst v16;
	v19 =	vmul.f32 $9.090909360e-02, v19  }
0x104: {  	v16 =	vld [tilespmem:s8+$0x2E40];
	[tilespmem:s5+$0x2E50] =	vst v17;
	v24 =	vmul.f32 $9.090909360e-02, v22  }
0x105: {  	v22 =	vmul.f32 $9.090909360e-02, v23;
	v17 =	vld [tilespmem:s8+$0x2E50];
	[tilespmem:s5+$0x2E60] =	vst v19  }
0x106: {  	s6 =	sadd.s32 $0x200, s6;
	v21 =	vmul.f32 $9.090909360e-02, v21;
	v19 =	vld [tilespmem:s8+$0x2E60];
	[tilespmem:s5+$0x2E70] =	vst v24;
	s5 =	smov.u32 s8  }
0x107: {  	[tilespmem:s5+$0x2E00] =	vst v22;
	v20 =	vmul.f32 $9.090909360e-02, v20;
	v22 =	vld [tilespmem:s5+$0x2E70]  }
0x108: {  	[tilespmem:s5+$0x2E10] =	vst v21;
	v18 =	vmul.f32 $9.090909360e-02, v18  }
0x109: {  	[tilespmem:s5+$0x2E20] =	vst v20;
	v16 =	vmul.f32 $9.090909360e-02, v16  }
0x10a: {  	[tilespmem:s5+$0x2E30] =	vst v18;
	v17 =	vmul.f32 $9.090909360e-02, v17  }
0x10b: {  	[tilespmem:s5+$0x2E40] =	vst v16;
	v16 =	vmul.f32 $9.090909360e-02, v19  }
0x10c: {  	s3 =	sshll.u32 s3, $0xC;
	s6 =	rddreg [dreg:$0x12];
	[tilespmem:s5+$0x2E50] =	vst v17;
	v17 =	vmul.f32 $9.090909360e-02, v22  }
0x10d: {  	s25 =	rddreg [dreg:$0x2];
	s3 =	sor.u32 s6, s3;
	[tilespmem:s5+$0x2E60] =	vst v16  }
0x10e: {  	s28 =	simm.s32 $0x0;
	[tilespmem:s5+$0x2E70] =	vst v17;
	s5 =	sadd.s32 s25, s3  }
0x10f: {  	[hbm4b:s5+s28] =	stream.linear.scatter [tilespmem:s2], [sflag:$0x1], $0x2000, $0x38;
	[tilespmem:$0x1AE00] =	vst v63  }
0x110: {  	_ = 	snop  }
0x111: {  	[tilespmem:s19], [sflag:$0x9] =	stream.linear.gather [spmem:s23], $0x2000, $0x38;
	[tilespmem:$0x1AE00] =	vst v63  }
0x112: {  	_ =	swait.ge [sflag:s26], $0x2000  }
0x113: {  	[sflag:s26] =	ssyncset.done $0x0  }
0x114: {  	s5 =	simm.s32 $0x0;
	[sflag:s26] =	ssyncadd.s32 $0xFFFFE000  }
0x115: {  	v19 =	vld [tilespmem:s5+$0x4E00]  }
0x116: {  	v21 =	vld [tilespmem:s5+$0x4E10]  }
0x117: {  	v20 =	vld [tilespmem:s5+$0x4E20]  }
0x118: {  	v18 =	vld [tilespmem:s5+$0x4E30]  }
0x119: {  	v16 =	vld [tilespmem:s5+$0x4E40]  }
0x11a: {  	s24 =	rddreg [dreg:$0x10];
	v17 =	vld [tilespmem:s5+$0x4E50];
	v22 =	vmul.f32 $9.090909360e-02, v19  }
0x11b: {  	s10 =	simm.s32 $0x2;
	s6 =	simm.s32 $0x200;
	s25 =	rddreg [dreg:$0x11];
	v21 =	vmul.f32 $9.090909360e-02, v21;
	v19 =	vld [tilespmem:s5+$0x4E60]  }
.LBB2_8:
0x11c: {  	s8 =	sshra.s32 s6, $0x2;
	p1 =	sne.s32 s6, $0x7E00;
	[tilespmem:s5+$0x4E00] =	vst v22;
	v20 =	vmul.f32 $9.090909360e-02, v20;
	v22 =	vld [tilespmem:s5+$0x4E70]  }
0x11d: {  	v23 =	vld [tilespmem:s8+$0x4E00];
	[tilespmem:s5+$0x4E10] =	vst v21;
	v18 =	vmul.f32 $9.090909360e-02, v18  }
0x11e: {  	v21 =	vld [tilespmem:s8+$0x4E10];
	[tilespmem:s5+$0x4E20] =	vst v20;
	v16 =	vmul.f32 $9.090909360e-02, v16  }
.Ltmp3:
0x11f: {  	v20 =	vld [tilespmem:s8+$0x4E20];
	[tilespmem:s5+$0x4E30] =	vst v18;
	v17 =	vmul.f32 $9.090909360e-02, v17;
	(pc) =	sbr.rel @p1 .LBB2_8-.Ltmp3, $4  }
0x120: {  	v18 =	vld [tilespmem:s8+$0x4E30];
	[tilespmem:s5+$0x4E40] =	vst v16;
	v19 =	vmul.f32 $9.090909360e-02, v19  }
0x121: {  	v16 =	vld [tilespmem:s8+$0x4E40];
	[tilespmem:s5+$0x4E50] =	vst v17;
	v24 =	vmul.f32 $9.090909360e-02, v22  }
0x122: {  	v22 =	vmul.f32 $9.090909360e-02, v23;
	v17 =	vld [tilespmem:s8+$0x4E50];
	[tilespmem:s5+$0x4E60] =	vst v19  }
0x123: {  	s6 =	sadd.s32 $0x200, s6;
	v21 =	vmul.f32 $9.090909360e-02, v21;
	v19 =	vld [tilespmem:s8+$0x4E60];
	[tilespmem:s5+$0x4E70] =	vst v24;
	s5 =	smov.u32 s8  }
0x124: {  	[tilespmem:s5+$0x4E00] =	vst v22;
	v20 =	vmul.f32 $9.090909360e-02, v20;
	v22 =	vld [tilespmem:s5+$0x4E70]  }
0x125: {  	[tilespmem:s5+$0x4E10] =	vst v21;
	v18 =	vmul.f32 $9.090909360e-02, v18  }
0x126: {  	[tilespmem:s5+$0x4E20] =	vst v20;
	v16 =	vmul.f32 $9.090909360e-02, v16  }
0x127: {  	[tilespmem:s5+$0x4E30] =	vst v18;
	v17 =	vmul.f32 $9.090909360e-02, v17  }
0x128: {  	[tilespmem:s5+$0x4E40] =	vst v16;
	v16 =	vmul.f32 $9.090909360e-02, v19  }
0x129: {  	[tilespmem:s5+$0x4E50] =	vst v17;
	v17 =	vmul.f32 $9.090909360e-02, v22  }
0x12a: {  	s28 =	rddreg [dreg:$0x14];
	[tilespmem:s5+$0x4E60] =	vst v16  }
0x12b: {  	s6 =	simm.s32 $0x0;
	[tilespmem:s5+$0x4E70] =	vst v17;
	s5 =	sadd.s32 s3, s28  }
0x12c: {  	[hbm4b:s5+s6] =	stream.linear.scatter [tilespmem:s19], [sflag:$0x2], $0x2000, $0x38;
	[tilespmem:$0x1AE00] =	vst v63  }
0x12d: {  	_ = 	snop  }
0x12e: {  	[tilespmem:s29], [sflag:$0x9] =	stream.linear.gather [spmem:s24], $0x2000, $0x38;
	[tilespmem:$0x1AE00] =	vst v63  }
0x12f: {  	_ =	swait.ge [sflag:s26], $0x2000  }
0x130: {  	[sflag:s26] =	ssyncset.done $0x0  }
0x131: {  	s5 =	simm.s32 $0x0;
	[sflag:s26] =	ssyncadd.s32 $0xFFFFE000  }
0x132: {  	v19 =	vld [tilespmem:s5+$0x6E00]  }
0x133: {  	v21 =	vld [tilespmem:s5+$0x6E10]  }
0x134: {  	v20 =	vld [tilespmem:s5+$0x6E20]  }
0x135: {  	v18 =	vld [tilespmem:s5+$0x6E30]  }
0x136: {  	v16 =	vld [tilespmem:s5+$0x6E40]  }
0x137: {  	v17 =	vld [tilespmem:s5+$0x6E50];
	v22 =	vmul.f32 $9.090909360e-02, v19  }
0x138: {  	s6 =	simm.s32 $0x200;
	v21 =	vmul.f32 $9.090909360e-02, v21;
	v19 =	vld [tilespmem:s5+$0x6E60]  }
.LBB2_10:
0x139: {  	s8 =	sshra.s32 s6, $0x2;
	p1 =	sne.s32 s6, $0x7E00;
	[tilespmem:s5+$0x6E00] =	vst v22;
	v20 =	vmul.f32 $9.090909360e-02, v20;
	v22 =	vld [tilespmem:s5+$0x6E70]  }
0x13a: {  	v23 =	vld [tilespmem:s8+$0x6E00];
	[tilespmem:s5+$0x6E10] =	vst v21;
	v18 =	vmul.f32 $9.090909360e-02, v18  }
0x13b: {  	v21 =	vld [tilespmem:s8+$0x6E10];
	[tilespmem:s5+$0x6E20] =	vst v20;
	v16 =	vmul.f32 $9.090909360e-02, v16  }
.Ltmp4:
0x13c: {  	v20 =	vld [tilespmem:s8+$0x6E20];
	[tilespmem:s5+$0x6E30] =	vst v18;
	v17 =	vmul.f32 $9.090909360e-02, v17;
	(pc) =	sbr.rel @p1 .LBB2_10-.Ltmp4, $4  }
0x13d: {  	v18 =	vld [tilespmem:s8+$0x6E30];
	[tilespmem:s5+$0x6E40] =	vst v16;
	v19 =	vmul.f32 $9.090909360e-02, v19  }
0x13e: {  	v16 =	vld [tilespmem:s8+$0x6E40];
	[tilespmem:s5+$0x6E50] =	vst v17;
	v24 =	vmul.f32 $9.090909360e-02, v22  }
0x13f: {  	v22 =	vmul.f32 $9.090909360e-02, v23;
	v17 =	vld [tilespmem:s8+$0x6E50];
	[tilespmem:s5+$0x6E60] =	vst v19  }
0x140: {  	s6 =	sadd.s32 $0x200, s6;
	v21 =	vmul.f32 $9.090909360e-02, v21;
	v19 =	vld [tilespmem:s8+$0x6E60];
	[tilespmem:s5+$0x6E70] =	vst v24;
	s5 =	smov.u32 s8  }
0x141: {  	[tilespmem:s5+$0x6E00] =	vst v22;
	v20 =	vmul.f32 $9.090909360e-02, v20;
	v22 =	vld [tilespmem:s5+$0x6E70]  }
0x142: {  	[tilespmem:s5+$0x6E10] =	vst v21;
	v18 =	vmul.f32 $9.090909360e-02, v18  }
0x143: {  	[tilespmem:s5+$0x6E20] =	vst v20;
	v16 =	vmul.f32 $9.090909360e-02, v16  }
0x144: {  	[tilespmem:s5+$0x6E30] =	vst v18;
	v17 =	vmul.f32 $9.090909360e-02, v17  }
0x145: {  	[tilespmem:s5+$0x6E40] =	vst v16;
	v16 =	vmul.f32 $9.090909360e-02, v19  }
0x146: {  	[tilespmem:s5+$0x6E50] =	vst v17;
	v17 =	vmul.f32 $9.090909360e-02, v22  }
0x147: {  	s28 =	rddreg [dreg:$0x15];
	[tilespmem:s5+$0x6E60] =	vst v16  }
0x148: {  	s6 =	simm.s32 $0x0;
	[tilespmem:s5+$0x6E70] =	vst v17;
	s5 =	sadd.s32 s3, s28  }
0x149: {  	[hbm4b:s5+s6] =	stream.linear.scatter [tilespmem:s29], [sflag:$0x3], $0x2000, $0x38;
	[tilespmem:$0x1AE00] =	vst v63  }
0x14a: {  	_ = 	snop  }
0x14b: {  	[tilespmem:s30], [sflag:$0x9] =	stream.linear.gather [spmem:s25], $0x2000, $0x38;
	[tilespmem:$0x1AE00] =	vst v63  }
0x14c: {  	_ =	swait.ge [sflag:s26], $0x2000  }
0x14d: {  	[sflag:s26] =	ssyncset.done $0x0  }
0x14e: {  	s5 =	simm.s32 $0x0;
	[sflag:s26] =	ssyncadd.s32 $0xFFFFE000  }
0x14f: {  	v19 =	vld [tilespmem:s5+$0x8E00]  }
0x150: {  	v21 =	vld [tilespmem:s5+$0x8E10]  }
0x151: {  	v20 =	vld [tilespmem:s5+$0x8E20]  }
0x152: {  	v18 =	vld [tilespmem:s5+$0x8E30]  }
0x153: {  	v16 =	vld [tilespmem:s5+$0x8E40]  }
0x154: {  	v17 =	vld [tilespmem:s5+$0x8E50];
	v22 =	vmul.f32 $9.090909360e-02, v19  }
0x155: {  	s6 =	simm.s32 $0x200;
	v21 =	vmul.f32 $9.090909360e-02, v21;
	v19 =	vld [tilespmem:s5+$0x8E60]  }
.LBB2_12:
0x156: {  	s8 =	sshra.s32 s6, $0x2;
	p1 =	sne.s32 s6, $0x7E00;
	[tilespmem:s5+$0x8E00] =	vst v22;
	v20 =	vmul.f32 $9.090909360e-02, v20;
	v22 =	vld [tilespmem:s5+$0x8E70]  }
0x157: {  	v23 =	vld [tilespmem:s8+$0x8E00];
	[tilespmem:s5+$0x8E10] =	vst v21;
	v18 =	vmul.f32 $9.090909360e-02, v18  }
0x158: {  	v21 =	vld [tilespmem:s8+$0x8E10];
	[tilespmem:s5+$0x8E20] =	vst v20;
	v16 =	vmul.f32 $9.090909360e-02, v16  }
.Ltmp5:
0x159: {  	v20 =	vld [tilespmem:s8+$0x8E20];
	[tilespmem:s5+$0x8E30] =	vst v18;
	v17 =	vmul.f32 $9.090909360e-02, v17;
	(pc) =	sbr.rel @p1 .LBB2_12-.Ltmp5, $4  }
0x15a: {  	v18 =	vld [tilespmem:s8+$0x8E30];
	[tilespmem:s5+$0x8E40] =	vst v16;
	v19 =	vmul.f32 $9.090909360e-02, v19  }
0x15b: {  	v16 =	vld [tilespmem:s8+$0x8E40];
	[tilespmem:s5+$0x8E50] =	vst v17;
	v24 =	vmul.f32 $9.090909360e-02, v22  }
0x15c: {  	v22 =	vmul.f32 $9.090909360e-02, v23;
	v17 =	vld [tilespmem:s8+$0x8E50];
	[tilespmem:s5+$0x8E60] =	vst v19  }
0x15d: {  	s6 =	sadd.s32 $0x200, s6;
	v21 =	vmul.f32 $9.090909360e-02, v21;
	v19 =	vld [tilespmem:s8+$0x8E60];
	[tilespmem:s5+$0x8E70] =	vst v24;
	s5 =	smov.u32 s8  }
0x15e: {  	[tilespmem:s5+$0x8E00] =	vst v22;
	v20 =	vmul.f32 $9.090909360e-02, v20;
	v63 =	vld [tilespmem:s5+$0x8E70]  }
0x15f: {  	[tilespmem:s5+$0x8E10] =	vst v21;
	v18 =	vmul.f32 $9.090909360e-02, v18  }
0x160: {  	[tilespmem:s5+$0x8E20] =	vst v20;
	v16 =	vmul.f32 $9.090909360e-02, v16  }
0x161: {  	[tilespmem:s5+$0x8E30] =	vst v18;
	v17 =	vmul.f32 $9.090909360e-02, v17  }
0x162: {  	[tilespmem:s5+$0x8E40] =	vst v16;
	v16 =	vmul.f32 $9.090909360e-02, v19  }
0x163: {  	[tilespmem:s5+$0x8E50] =	vst v17;
	v17 =	vmul.f32 $9.090909360e-02, v63  }
0x164: {  	s21 =	rddreg [dreg:$0x16];
	[tilespmem:s5+$0x8E60] =	vst v16  }
0x165: {  	s28 =	simm.s32 $0x0;
	s3 =	sadd.s32 s3, s21;
	[tilespmem:s5+$0x8E70] =	vst v17  }
0x166: {  	[hbm4b:s3+s28] =	stream.linear.scatter [tilespmem:s30], [sflag:$0x4], $0x2000, $0x38;
	[tilespmem:$0x1AE00] =	vst v63  }
0x167: {  	s3 =	simm.s32 $0x1  }
0x168: {  	_ =	swait.ge [sflag:s3], $0x2000  }
0x169: {  	[sflag:s3] =	ssyncset.done $0x0  }
0x16a: {  	[sflag:s3] =	ssyncadd.s32 $0xFFFFE000  }
0x16b: {  	_ =	swait.ge [sflag:s10], $0x2000  }
0x16c: {  	[sflag:s10] =	ssyncset.done $0x0  }
0x16d: {  	[sflag:s10] =	ssyncadd.s32 $0xFFFFE000  }
0x16e: {  	_ =	swait.ge [sflag:s11], $0x2000  }
.Ltmp6:
0x16f: {  	[sflag:s11] =	ssyncset.done $0x0;
	(pc) =	sbr.rel @p0 .LBB2_2-.Ltmp6, $4  }
0x170: {  	[sflag:s11] =	ssyncadd.s32 $0xFFFFE000  }
0x171: {  	_ =	swait.ge [sflag:s12], $0x2000  }
0x172: {  	[sflag:s12] =	ssyncset.done $0x0  }
0x173: {  	p1 =	por $0x0, $0x0;
	[sflag:s12] =	ssyncadd.s32 $0xFFFFE000  }
0x174: {  	s5 =	rddreg [dreg:$0x17]  }
0x175: {  	s3 =	rddreg [dreg:$0x13];
	s5 =	sadd.s32 $0x1, s5  }
0x176: {  	p0 =	sne.s32 s5, s3  }
.Ltmp7:
0x177: {  	_ = 	snop;
	(pc) =	sbr.rel @p0 .LBB2_1-.Ltmp7, $1  }
0x178: {  	_ =	sdelay $0x3  }
0x179: {  	_ =	sfence.sel $0x180000  }
0x17a: {  	[bflag:$0x0] =	sbarrier.arrive $0xFFFF  }
0x17b: {  	_ =	strace $0x90000047  }
0x17c: {  	s0 =	stileid.u32;
	[bflag:$0x2] =	sbarrier.arrive $0xFFFF  }
0x17d: {  	p0 =	sne.s32 s0, $0x0;
	s0 =	rddreg [dreg:$0x4]  }
0x17e: {  	s0 =	sadd.s32 @!p0 $0x100000, s0  }
0x17f: {  	[sflag:s0] =	ssyncadd.tile.s32 @!p0 $0x1;
	_ =	shalt  }
.Lfunc_end2:
_tile_overlayer_lowered:
.L_overlay_start_2:
0x180: {  	(tag) =	ssettag $0x2  }
0x181: {  	s0 =	rddreg [dreg:$0x0];
	s2 =	stileid.u32  }
0x182: {  	s1 =	rddreg [dreg:$0x1];
	p0 =	sne.s32 s2, $0x0  }
0x183: {  	s3 =	rddreg [dreg:$0x2];
	[bflag:$0x3] =	sbarrier.arrive $0xFFFF;
	s2 =	simm.s32 @!p0 $0x1C09  }
0x184: {  	[timem:s3], [sflag:s2] =	dma.local @!p0 [hbm:s0], s1  }
0x185: {  	s0 =	simm.s32 @!p0 $0x9  }
0x186: {  	_ =	swait.ge @!p0 [sflag:s0], s1  }
0x187: {  	s1 =	ssub.s32 @!p0 $0x0, s1;
	[sflag:s0] =	ssyncset.done @!p0 $0x0  }
0x188: {  	[sflag:s0] =	ssyncadd.s32 @!p0 s1  }
0x189: {  	[bflag:$0x3] =	sbarrier.arrive $0xFFFF  }
0x18a: {  	_ =	shalt  }

</sc_bundles>
